<compile_context>
chip_gen: v7x
topology: tpu7x:2x2x1
jax: 0.10.2.dev20260603
libtpu: 0.0.44.dev20260713+nightly
codegen_flags: <defaults>
</compile_context>

<pallas_src>
import functools

import jax
import jax.numpy as jnp
from jax import lax
from jax.experimental import pallas as pl
from jax.experimental.pallas import tpu as pltpu
from jax.experimental.pallas import tpu_sc as plsc

B = 4096
D = 32
L = 50
LP = 64
NCAT = 4
VOCAB = 100000

NC = 2
NS = 16
NW = NC * NS

SEQ_PER_W = B * LP // NW
CHUNK = 1024
NCHUNK = SEQ_PER_W // CHUNK

BB = 128
NBLK = B // BB
RPB = LP * D // 128


AD_E_PER_W = B * D // NW


def _sc_gather_body(item_tbl, cate_tbl, ad_tbl1, item_ids, cate_ids, ad_eidx,
                    keys_out, cate_out, ad_out,
                    idx_a, rows_a, idx_b, rows_b, idx_ad, vals_ad, sem, sem2):
    wid = lax.axis_index("s") * NC + lax.axis_index("c")
    base = wid * SEQ_PER_W
    for c in range(NCHUNK):
        off = base + c * CHUNK
        pltpu.sync_copy(item_ids.at[pl.ds(off, CHUNK)], idx_a)
        pltpu.sync_copy(cate_ids.at[pl.ds(off, CHUNK)], idx_b)
        ca = pltpu.async_copy(item_tbl.at[idx_a], rows_a, sem)
        cb = pltpu.async_copy(cate_tbl.at[idx_b], rows_b, sem)
        ca.wait()
        cb.wait()
        pltpu.sync_copy(rows_a, keys_out.at[pl.ds(off, CHUNK)])
        pltpu.sync_copy(rows_b, cate_out.at[pl.ds(off, CHUNK)])
    base_a = wid * AD_E_PER_W
    pltpu.sync_copy(ad_eidx.at[pl.ds(base_a, AD_E_PER_W)], idx_ad)
    pltpu.async_copy(ad_tbl1.at[idx_ad], vals_ad, sem2).wait()
    pltpu.sync_copy(vals_ad, ad_out.at[pl.ds(base_a, AD_E_PER_W)])


def _sc_gather(item_tbl, cate_tbl, ad_tbl1, item_ids, cate_ids, ad_eidx):
    mesh = plsc.VectorSubcoreMesh(core_axis_name="c", subcore_axis_name="s")
    k = functools.partial(
        pl.kernel,
        mesh=mesh,
        compiler_params=pltpu.CompilerParams(use_tc_tiling_on_sc=False),
        out_type=[
            jax.ShapeDtypeStruct((B * LP, D), jnp.float32),
            jax.ShapeDtypeStruct((B * LP, D), jnp.float32),
            jax.ShapeDtypeStruct((B * D,), jnp.float32),
        ],
        scratch_types=[
            pltpu.VMEM((CHUNK,), jnp.int32),
            pltpu.VMEM((CHUNK, D), jnp.float32),
            pltpu.VMEM((CHUNK,), jnp.int32),
            pltpu.VMEM((CHUNK, D), jnp.float32),
            pltpu.VMEM((AD_E_PER_W,), jnp.int32),
            pltpu.VMEM((AD_E_PER_W,), jnp.float32),
            pltpu.SemaphoreType.DMA,
            pltpu.SemaphoreType.DMA,
        ],
    )(_sc_gather_body)
    return k(item_tbl, cate_tbl, ad_tbl1, item_ids, cate_ids, ad_eidx)


ECH = B * NCAT * D // NW
ECHUNK = 4096


def _sc_small_body(cat_tbl, cat_eidx, cat_out, idx_v, vals_v, sem):
    wid = lax.axis_index("s") * NC + lax.axis_index("c")
    base = wid * ECH
    for c in range(ECH // ECHUNK):
        off = base + c * ECHUNK
        pltpu.sync_copy(cat_eidx.at[pl.ds(off, ECHUNK)], idx_v)
        pltpu.async_copy(cat_tbl.at[idx_v], vals_v, sem).wait()
        pltpu.sync_copy(vals_v, cat_out.at[pl.ds(off, ECHUNK)])


def _sc_small(cat_tbl1, cat_eidx):
    mesh = plsc.VectorSubcoreMesh(core_axis_name="c", subcore_axis_name="s")
    k = functools.partial(
        pl.kernel,
        mesh=mesh,
        compiler_params=pltpu.CompilerParams(use_tc_tiling_on_sc=False),
        out_type=jax.ShapeDtypeStruct((B * NCAT * D,), jnp.float32),
        scratch_types=[
            pltpu.VMEM((ECHUNK,), jnp.int32),
            pltpu.VMEM((ECHUNK,), jnp.float32),
            pltpu.SemaphoreType.DMA,
        ],
    )(_sc_small_body)
    return k(cat_tbl1, cat_eidx)


def _att_body(keys_ref, cate_ref, ad_ref, len_ref,
              wq_ref, wk_ref, wp_ref, b1_ref, w2_ref, b2_ref, w3_ref,
              feat_ref):
    f32 = jnp.float32
    X2 = keys_ref[:]
    q = ad_ref[:].reshape(BB, D)
    qp = jnp.concatenate([q, q, q, q], axis=1)
    X3 = X2.reshape(BB, RPB, 128)
    P2 = (X3 * qp[:, None, :]).reshape(BB * RPB, 128)
    qh = jnp.dot(q, wq_ref[:], preferred_element_type=f32, precision=lax.Precision.DEFAULT) + b1_ref[:]
    scs = []
    for j in range(4):
        sl = slice(D * j, D * (j + 1))
        yj = (jnp.dot(X2[:, sl], wk_ref[:], preferred_element_type=f32, precision=lax.Precision.DEFAULT)
              + jnp.dot(P2[:, sl], wp_ref[:], preferred_element_type=f32, precision=lax.Precision.DEFAULT))
        yj = yj.reshape(BB, RPB, 80) + qh[:, None, :]
        hj = jnp.maximum(yj, 0.0).reshape(BB * RPB, 80)
        gj = jnp.maximum(
            jnp.dot(hj, w2_ref[:], preferred_element_type=f32, precision=lax.Precision.DEFAULT) + b2_ref[:],
            0.0)
        sj = jnp.dot(gj, w3_ref[:], preferred_element_type=f32, precision=lax.Precision.DEFAULT)
        scs.append(sj[:, 0:1])
    s4 = jnp.concatenate(scs, axis=1).reshape(BB, RPB, 4)
    t_i = lax.broadcasted_iota(jnp.int32, (BB, RPB, 4), 1)
    j_i = lax.broadcasted_iota(jnp.int32, (BB, RPB, 4), 2)
    lmat = 4 * t_i + j_i
    lens = jnp.maximum(len_ref[:], 1).reshape(BB, 1, 1)
    s4 = jnp.where(lmat < lens, s4, -1e9)
    m = jnp.max(s4, axis=(1, 2), keepdims=True)
    e = jnp.exp(s4 - m)
    w = e / jnp.sum(e, axis=(1, 2), keepdims=True)
    lane = lax.broadcasted_iota(jnp.int32, (4, 128), 1)
    row = lax.broadcasted_iota(jnp.int32, (4, 128), 0)
    sel = (lane // D == row).astype(f32)
    w_exp = jnp.dot(w.reshape(BB * RPB, 4), sel,
                    preferred_element_type=f32, precision=lax.Precision.DEFAULT).reshape(BB, RPB, 128)
    red = jnp.sum(X3 * w_exp, axis=1)
    att = (red[:, 0:D] + red[:, D:2 * D]
           + red[:, 2 * D:3 * D] + red[:, 3 * D:4 * D])
    cmax = jnp.max(cate_ref[:].reshape(BB, RPB, 128), axis=1)
    cate_p = jnp.maximum(jnp.maximum(cmax[:, 0:D], cmax[:, D:2 * D]),
                         jnp.maximum(cmax[:, 2 * D:3 * D],
                                     cmax[:, 3 * D:4 * D]))
    feat_ref[:] = jnp.concatenate([att, cate_p, q, q], axis=1)


def _attention(keys128, cate128, ad128, len2, wq, wk, wp, b1, w2, b2, w3p):
    return pl.pallas_call(
        _att_body,
        grid=(NBLK,),
        in_specs=[
            pl.BlockSpec((BB * RPB, 128), lambda i: (i, 0)),
            pl.BlockSpec((BB * RPB, 128), lambda i: (i, 0)),
            pl.BlockSpec((BB * D // 128, 128), lambda i: (i, 0)),
            pl.BlockSpec((BB, 1), lambda i: (i, 0)),
            pl.BlockSpec((D, 80), lambda i: (0, 0)),
            pl.BlockSpec((D, 80), lambda i: (0, 0)),
            pl.BlockSpec((D, 80), lambda i: (0, 0)),
            pl.BlockSpec((1, 80), lambda i: (0, 0)),
            pl.BlockSpec((80, 40), lambda i: (0, 0)),
            pl.BlockSpec((1, 40), lambda i: (0, 0)),
            pl.BlockSpec((40, 8), lambda i: (0, 0)),
        ],
        out_specs=pl.BlockSpec((BB, 128), lambda i: (i, 0)),
        out_shape=jax.ShapeDtypeStruct((B, 128), jnp.float32),
    )(keys128, cate128, ad128, len2, wq, wk, wp, b1, w2, b2, w3p)


def _head_body(nf_ref, feat_ref, cat_ref,
               w1a_ref, w1b_ref, w1c_ref, w1d_ref, w1e_ref, b1_ref,
               g1_ref, bb1_ref, w2_ref, b2_ref, g2_ref, bb2_ref,
               w3_ref, b3_ref, out_ref):
    f32 = jnp.float32
    feat = feat_ref[:]
    y1 = (jnp.dot(nf_ref[:], w1a_ref[:], preferred_element_type=f32, precision=lax.Precision.DEFAULT)
          + jnp.dot(cat_ref[:], w1b_ref[:], preferred_element_type=f32, precision=lax.Precision.DEFAULT)
          + jnp.dot(feat[:, 2 * D:3 * D], w1c_ref[:], preferred_element_type=f32, precision=lax.Precision.DEFAULT)
          + jnp.dot(feat[:, D:2 * D], w1d_ref[:], preferred_element_type=f32, precision=lax.Precision.DEFAULT)
          + jnp.dot(feat[:, 0:D], w1e_ref[:], preferred_element_type=f32, precision=lax.Precision.DEFAULT)
          + b1_ref[:])
    m1 = jnp.mean(y1, axis=0, keepdims=True)
    v1 = jnp.mean((y1 - m1) ** 2, axis=0, keepdims=True)
    h1 = (y1 - m1) / jnp.sqrt(v1 + 1e-5) * g1_ref[:] + bb1_ref[:]
    h1 = jnp.maximum(h1, 0.0)
    y2 = jnp.dot(h1, w2_ref[:], preferred_element_type=f32, precision=lax.Precision.DEFAULT) + b2_ref[:]
    m2 = jnp.mean(y2, axis=0, keepdims=True)
    v2 = jnp.mean((y2 - m2) ** 2, axis=0, keepdims=True)
    h2 = (y2 - m2) / jnp.sqrt(v2 + 1e-5) * g2_ref[:] + bb2_ref[:]
    h2 = jnp.maximum(h2, 0.0)
    y3 = jnp.sum(h2 * w3_ref[:], axis=1, keepdims=True) + b3_ref[:]
    out_ref[:] = 1.0 / (1.0 + jnp.exp(-y3))


def _head(nf, feat1, cat128,
          w1a, w1b, w1c, w1d, w1e, b1, g1, bb1, w2, b2, g2, bb2, w3r, b3):
    return pl.pallas_call(
        _head_body,
        out_shape=jax.ShapeDtypeStruct((B, 1), jnp.float32),
    )(nf, feat1, cat128,
      w1a, w1b, w1c, w1d, w1e, b1, g1, bb1, w2, b2, g2, bb2, w3r, b3)


def kernel(num_feats, cat_ids, ad_id, hist_item_ids, hist_item_length,
           hist_cate_ids, emb_cat, emb_ad, emb_hist_item, emb_hist_cate,
           att_w1, att_b1, att_w2, att_b2, att_w3, att_b3,
           mlp_w1, mlp_b1, bn_g1, bn_b1, mlp_w2, mlp_b2, bn_g2, bn_b2,
           final_w, final_b):
    i32 = jnp.int32

    def pad_ids(ids):
        ids = ids.astype(i32)
        pad = jnp.broadcast_to(ids[:, L - 1:L], (B, LP - L))
        return jnp.concatenate([ids, pad], axis=1).reshape(B * LP)

    item_ids = pad_ids(hist_item_ids)
    hcate_ids = pad_ids(hist_cate_ids)
    lanes = jnp.arange(NCAT * D, dtype=i32)
    cat_eidx = (lanes[None, :] * VOCAB
                + jnp.repeat(cat_ids.astype(i32), D, axis=1)).reshape(-1)
    adT1 = emb_ad.T.reshape(D * VOCAB)
    dlanes = jnp.arange(D, dtype=i32)
    ad_eidx = (dlanes[None, :] * VOCAB
               + ad_id.astype(i32)[:, None]).reshape(-1)

    keys1, cate1, ad1 = _sc_gather(
        emb_hist_item, emb_hist_cate, adT1, item_ids, hcate_ids, ad_eidx)
    keys128 = keys1.reshape(B * LP * D // 128, 128)
    cate128 = cate1.reshape(B * LP * D // 128, 128)
    ad128 = ad1.reshape(B * D // 128, 128)

    catT1 = emb_cat.transpose(0, 2, 1).reshape(NCAT * D * VOCAB)
    cat128 = _sc_small(catT1, cat_eidx).reshape(B, NCAT * D)
    len2 = hist_item_length.astype(i32).reshape(B, 1)

    wq = att_w1[0:D, :] + att_w1[2 * D:3 * D, :]
    wk = att_w1[D:2 * D, :] - att_w1[2 * D:3 * D, :]
    wp = att_w1[3 * D:4 * D, :]
    w3p = jnp.concatenate([att_w3, jnp.zeros((40, 7), jnp.float32)], axis=1)
    feat1 = _attention(keys128, cate128, ad128, len2, wq, wk, wp,
                       att_b1.reshape(1, 80), att_w2,
                       att_b2.reshape(1, 40), w3p)

    o = 4
    w1a = mlp_w1[0:o, :]
    w1b = mlp_w1[o:o + NCAT * D, :]
    w1c = mlp_w1[o + NCAT * D:o + NCAT * D + D, :]
    w1d = mlp_w1[o + NCAT * D + D:o + NCAT * D + 2 * D, :]
    w1e = mlp_w1[o + NCAT * D + 2 * D:, :]
    return _head(num_feats, feat1, cat128,
                 w1a, w1b, w1c, w1d, w1e,
                 mlp_b1.reshape(1, 200), bn_g1.reshape(1, 200),
                 bn_b1.reshape(1, 200), mlp_w2, mlp_b2.reshape(1, 80),
                 bn_g2.reshape(1, 80), bn_b2.reshape(1, 80),
                 final_w.reshape(1, 80), final_b.reshape(1, 1))

# --- scband reference (transcript-rebuilt; emitter-appended) ---
"""Pipeline reference for scband-interest-net-10290741641810 (READ-ONLY COPY).

The authoritative reference and input builder live on the scoring server;
editing this copy changes nothing except your own understanding.
"""

import jax, jax.numpy as jnp
import numpy as np

B = 4096
VOCAB = 100000
CATE_VOCAB = 1000
D = 32
L = 50
NCAT = 4

def _lin(k, fi, fo):
    return (jax.random.normal(k, (fi, fo), dtype=jnp.float32) / np.sqrt(fi)).astype(jnp.float32)

def setup_inputs():
    ks = jax.random.split(jax.random.key(0), 20)
    inp = {}
    inp['num_feats'] = jax.random.normal(ks[0], (B, 4), dtype=jnp.float32)
    inp['cat_ids'] = jax.random.randint(ks[1], (B, NCAT), 0, VOCAB)
    inp['ad_id'] = jax.random.randint(ks[2], (B,), 0, VOCAB)
    inp['hist_item_ids'] = jax.random.randint(ks[3], (B, L), 0, VOCAB)
    inp['hist_item_length'] = jax.random.randint(ks[4], (B,), 1, L + 1)
    inp['hist_cate_ids'] = jax.random.randint(ks[5], (B, L), 0, CATE_VOCAB)
    s = 0.01
    inp['emb_cat'] = jax.random.normal(ks[6], (NCAT, VOCAB, D), dtype=jnp.float32) * s
    inp['emb_ad'] = jax.random.normal(ks[7], (VOCAB, D), dtype=jnp.float32) * s
    inp['emb_hist_item'] = jax.random.normal(ks[8], (VOCAB, D), dtype=jnp.float32) * s
    inp['emb_hist_cate'] = jax.random.normal(ks[9], (CATE_VOCAB, D), dtype=jnp.float32) * s
    inp['att_w1'] = _lin(ks[10], 4 * D, 80); inp['att_b1'] = jnp.zeros((80,), jnp.float32)
    inp['att_w2'] = _lin(ks[11], 80, 40); inp['att_b2'] = jnp.zeros((40,), jnp.float32)
    inp['att_w3'] = _lin(ks[12], 40, 1); inp['att_b3'] = jnp.zeros((1,), jnp.float32)
    IN = 4 + NCAT * D + D + D + D
    inp['mlp_w1'] = _lin(ks[13], IN, 200); inp['mlp_b1'] = jnp.zeros((200,), jnp.float32)
    inp['bn_g1'] = jnp.ones((200,), jnp.float32); inp['bn_b1'] = jnp.zeros((200,), jnp.float32)
    inp['mlp_w2'] = _lin(ks[14], 200, 80); inp['mlp_b2'] = jnp.zeros((80,), jnp.float32)
    inp['bn_g2'] = jnp.ones((80,), jnp.float32); inp['bn_b2'] = jnp.zeros((80,), jnp.float32)
    inp['final_w'] = _lin(ks[15], 80, 1); inp['final_b'] = jnp.zeros((1,), jnp.float32)
    return inp

def _bn(x, g, b, eps=1e-5):
    m = jnp.mean(x, axis=0)
    v = jnp.var(x, axis=0)
    return (x - m) / jnp.sqrt(v + eps) * g + b

def reference(num_feats, cat_ids, ad_id, hist_item_ids, hist_item_length, hist_cate_ids, emb_cat, emb_ad, emb_hist_item, emb_hist_cate, att_w1, att_b1, att_w2, att_b2, att_w3, att_b3, mlp_w1, mlp_b1, bn_g1, bn_b1, mlp_w2, mlp_b2, bn_g2, bn_b2, final_w, final_b):
    # category feature embedding lookups
    cat_emb = jnp.concatenate([jnp.take(emb_cat[i], cat_ids[:, i], axis=0) for i in range(NCAT)], axis=-1)
    ad_emb = jnp.take(emb_ad, ad_id, axis=0)
    # non-attention sequence feature: embedding + max pooling over time
    cate_pooled = jnp.max(jnp.take(emb_hist_cate, hist_cate_ids, axis=0), axis=1)
    # attention group (DIN-style local activation unit)
    keys = jnp.take(emb_hist_item, hist_item_ids, axis=0)  # [B, L, D]
    q = jnp.broadcast_to(ad_emb[:, None, :], keys.shape)
    att_in = jnp.concatenate([q, keys, q - keys, q * keys], axis=-1)
    h = jax.nn.relu(att_in @ att_w1 + att_b1)
    h = jax.nn.relu(h @ att_w2 + att_b2)
    scores = (h @ att_w3 + att_b3)[..., 0]  # [B, L]
    length = jnp.maximum(hist_item_length, 1)
    mask = jnp.arange(L)[None, :] < length[:, None]
    scores = jnp.where(mask, scores, -1e9)
    w = jax.nn.softmax(scores, axis=-1)
    att_out = jnp.einsum('bl,bld->bd', w, keys)
    # concat numbers + embeddings, MLP with batchnorm+relu, final sigmoid head
    x = jnp.concatenate([num_feats, cat_emb, ad_emb, cate_pooled, att_out], axis=-1)
    h1 = jax.nn.relu(_bn(x @ mlp_w1 + mlp_b1, bn_g1, bn_b1))
    h2 = jax.nn.relu(_bn(h1 @ mlp_w2 + mlp_b2, bn_g2, bn_b2))
    return jax.nn.sigmoid(h2 @ final_w + final_b)

if __name__ == "__main__":
    import jax
    _d = setup_inputs()
    print(jax.jit(kernel)(*tuple(_d.values())))

</pallas_src>

<mosaic_0001>
#map = affine_map<(d0, d1) -> (0)>
module attributes {stable_mosaic.version = 14 : i64} {
  func.func @_sc_small_body(%arg0: i32, %arg1: i32, %arg2: memref<12800000xf32, #tpu.memory_space<hbm>>, %arg3: memref<524288xi32, #tpu.memory_space<hbm>>, %arg4: memref<524288xf32, #tpu.memory_space<hbm>>, %arg5: memref<4096xi32, #tpu.memory_space<vmem>>, %arg6: memref<4096xf32, #tpu.memory_space<vmem>>, %arg7: memref<!tpu.dma_semaphore, #tpu.memory_space<semaphore_mem>>) attributes {dimension_semantics = [#tpu.dimension_semantics<core_parallel>, #tpu.dimension_semantics<subcore_parallel>], iteration_bounds = array<i64: 2, 16>, scalar_prefetch = 0 : i64, scratch_operands = 3 : i64, tpu.core_type = #tpu.core_type<sc_vector_subcore>, window_params = [{transform_indices = #map}, {transform_indices = #map}, {transform_indices = #map}]} {
    %mul3A = arith.constant 2 : i32
    %mul3A_0 = arith.muli %arg1, %mul3A : i32
    %add3A = arith.addi %mul3A_0, %arg0 : i32
    %mul3A_1 = arith.constant 16384 : i32
    %mul3A_2 = arith.muli %add3A, %mul3A_1 : i32
    %add3A_3 = arith.constant 0 : i32
    %add3A_4 = arith.addi %mul3A_2, %add3A_3 : i32
    "tpu.region"() ({
      %run_scoped3A = tpu.sem_alloc : memref<!tpu.dma_semaphore, #tpu.memory_space<semaphore_mem>>
      %dma_start3A_25 = tpu.memref_slice %arg3[%add3A_4] : memref<524288xi32, #tpu.memory_space<hbm>> -> memref<4096xi32, #tpu.memory_space<hbm>>
      %dma_start3A_26 = tpu.memref_slice %arg3[%add3A_4] : memref<524288xi32, #tpu.memory_space<hbm>> -> memref<4096xi32, #tpu.memory_space<hbm>>
      tpu.enqueue_dma source(%dma_start3A_26 : memref<4096xi32, #tpu.memory_space<hbm>>) target(%arg5 : memref<4096xi32, #tpu.memory_space<vmem>>) target_semaphore(%run_scoped3A : memref<!tpu.dma_semaphore, #tpu.memory_space<semaphore_mem>>)
      %dma_wait3A_27 = tpu.memref_slice %arg3[%add3A_4] : memref<524288xi32, #tpu.memory_space<hbm>> -> memref<4096xi32, #tpu.memory_space<hbm>>
      %dma_wait3A_28 = tpu.memref_slice %arg3[%add3A_4] : memref<524288xi32, #tpu.memory_space<hbm>> -> memref<4096xi32, #tpu.memory_space<hbm>>
      tpu.wait_dma2 semaphore(%run_scoped3A : memref<!tpu.dma_semaphore, #tpu.memory_space<semaphore_mem>>) src(%dma_wait3A_28 : memref<4096xi32, #tpu.memory_space<hbm>>) dst(%arg5 : memref<4096xi32, #tpu.memory_space<vmem>>)
      tpu.yield
    }) : () -> ()
    %dma_start3A = arith.constant 0 : i32
    %dma_start3A_5 = tpu.memref_slice %arg2[%dma_start3A] : memref<12800000xf32, #tpu.memory_space<hbm>> -> memref<12800000xf32, #tpu.memory_space<hbm>>
    tpu.enqueue_indirect_dma source(%dma_start3A_5 : memref<12800000xf32, #tpu.memory_space<hbm>>) target(%arg6 : memref<4096xf32, #tpu.memory_space<vmem>>) offsets(%arg5 : memref<4096xi32, #tpu.memory_space<vmem>>) semaphore(%arg7 : memref<!tpu.dma_semaphore, #tpu.memory_space<semaphore_mem>>)
    %dma_wait3A = arith.constant 0 : i32
    %dma_wait3A_6 = tpu.memref_slice %arg2[%dma_wait3A] : memref<12800000xf32, #tpu.memory_space<hbm>> -> memref<12800000xf32, #tpu.memory_space<hbm>>
    tpu.wait_indirect_dma semaphore(%arg7 : memref<!tpu.dma_semaphore, #tpu.memory_space<semaphore_mem>>) src(%dma_wait3A_6 : memref<12800000xf32, #tpu.memory_space<hbm>>) dst(%arg6 : memref<4096xf32, #tpu.memory_space<vmem>>)
    "tpu.region"() ({
      %run_scoped3A = tpu.sem_alloc : memref<!tpu.dma_semaphore, #tpu.memory_space<semaphore_mem>>
      %dma_start3A_25 = tpu.memref_slice %arg4[%add3A_4] : memref<524288xf32, #tpu.memory_space<hbm>> -> memref<4096xf32, #tpu.memory_space<hbm>>
      %dma_start3A_26 = tpu.memref_slice %arg4[%add3A_4] : memref<524288xf32, #tpu.memory_space<hbm>> -> memref<4096xf32, #tpu.memory_space<hbm>>
      tpu.enqueue_dma source(%arg6 : memref<4096xf32, #tpu.memory_space<vmem>>) target(%dma_start3A_26 : memref<4096xf32, #tpu.memory_space<hbm>>) target_semaphore(%run_scoped3A : memref<!tpu.dma_semaphore, #tpu.memory_space<semaphore_mem>>)
      %dma_wait3A_27 = tpu.memref_slice %arg4[%add3A_4] : memref<524288xf32, #tpu.memory_space<hbm>> -> memref<4096xf32, #tpu.memory_space<hbm>>
      %dma_wait3A_28 = tpu.memref_slice %arg4[%add3A_4] : memref<524288xf32, #tpu.memory_space<hbm>> -> memref<4096xf32, #tpu.memory_space<hbm>>
      tpu.wait_dma2 semaphore(%run_scoped3A : memref<!tpu.dma_semaphore, #tpu.memory_space<semaphore_mem>>) src(%arg6 : memref<4096xf32, #tpu.memory_space<vmem>>) dst(%dma_wait3A_28 : memref<4096xf32, #tpu.memory_space<hbm>>)
      tpu.yield
    }) : () -> ()
    %add3A_7 = arith.constant 4096 : i32
    %add3A_8 = arith.addi %mul3A_2, %add3A_7 : i32
    "tpu.region"() ({
      %run_scoped3A = tpu.sem_alloc : memref<!tpu.dma_semaphore, #tpu.memory_space<semaphore_mem>>
      %dma_start3A_25 = tpu.memref_slice %arg3[%add3A_8] : memref<524288xi32, #tpu.memory_space<hbm>> -> memref<4096xi32, #tpu.memory_space<hbm>>
      %dma_start3A_26 = tpu.memref_slice %arg3[%add3A_8] : memref<524288xi32, #tpu.memory_space<hbm>> -> memref<4096xi32, #tpu.memory_space<hbm>>
      tpu.enqueue_dma source(%dma_start3A_26 : memref<4096xi32, #tpu.memory_space<hbm>>) target(%arg5 : memref<4096xi32, #tpu.memory_space<vmem>>) target_semaphore(%run_scoped3A : memref<!tpu.dma_semaphore, #tpu.memory_space<semaphore_mem>>)
      %dma_wait3A_27 = tpu.memref_slice %arg3[%add3A_8] : memref<524288xi32, #tpu.memory_space<hbm>> -> memref<4096xi32, #tpu.memory_space<hbm>>
      %dma_wait3A_28 = tpu.memref_slice %arg3[%add3A_8] : memref<524288xi32, #tpu.memory_space<hbm>> -> memref<4096xi32, #tpu.memory_space<hbm>>
      tpu.wait_dma2 semaphore(%run_scoped3A : memref<!tpu.dma_semaphore, #tpu.memory_space<semaphore_mem>>) src(%dma_wait3A_28 : memref<4096xi32, #tpu.memory_space<hbm>>) dst(%arg5 : memref<4096xi32, #tpu.memory_space<vmem>>)
      tpu.yield
    }) : () -> ()
    %dma_start3A_9 = arith.constant 0 : i32
    %dma_start3A_10 = tpu.memref_slice %arg2[%dma_start3A_9] : memref<12800000xf32, #tpu.memory_space<hbm>> -> memref<12800000xf32, #tpu.memory_space<hbm>>
    tpu.enqueue_indirect_dma source(%dma_start3A_10 : memref<12800000xf32, #tpu.memory_space<hbm>>) target(%arg6 : memref<4096xf32, #tpu.memory_space<vmem>>) offsets(%arg5 : memref<4096xi32, #tpu.memory_space<vmem>>) semaphore(%arg7 : memref<!tpu.dma_semaphore, #tpu.memory_space<semaphore_mem>>)
    %dma_wait3A_11 = arith.constant 0 : i32
    %dma_wait3A_12 = tpu.memref_slice %arg2[%dma_wait3A_11] : memref<12800000xf32, #tpu.memory_space<hbm>> -> memref<12800000xf32, #tpu.memory_space<hbm>>
    tpu.wait_indirect_dma semaphore(%arg7 : memref<!tpu.dma_semaphore, #tpu.memory_space<semaphore_mem>>) src(%dma_wait3A_12 : memref<12800000xf32, #tpu.memory_space<hbm>>) dst(%arg6 : memref<4096xf32, #tpu.memory_space<vmem>>)
    "tpu.region"() ({
      %run_scoped3A = tpu.sem_alloc : memref<!tpu.dma_semaphore, #tpu.memory_space<semaphore_mem>>
      %dma_start3A_25 = tpu.memref_slice %arg4[%add3A_8] : memref<524288xf32, #tpu.memory_space<hbm>> -> memref<4096xf32, #tpu.memory_space<hbm>>
      %dma_start3A_26 = tpu.memref_slice %arg4[%add3A_8] : memref<524288xf32, #tpu.memory_space<hbm>> -> memref<4096xf32, #tpu.memory_space<hbm>>
      tpu.enqueue_dma source(%arg6 : memref<4096xf32, #tpu.memory_space<vmem>>) target(%dma_start3A_26 : memref<4096xf32, #tpu.memory_space<hbm>>) target_semaphore(%run_scoped3A : memref<!tpu.dma_semaphore, #tpu.memory_space<semaphore_mem>>)
      %dma_wait3A_27 = tpu.memref_slice %arg4[%add3A_8] : memref<524288xf32, #tpu.memory_space<hbm>> -> memref<4096xf32, #tpu.memory_space<hbm>>
      %dma_wait3A_28 = tpu.memref_slice %arg4[%add3A_8] : memref<524288xf32, #tpu.memory_space<hbm>> -> memref<4096xf32, #tpu.memory_space<hbm>>
      tpu.wait_dma2 semaphore(%run_scoped3A : memref<!tpu.dma_semaphore, #tpu.memory_space<semaphore_mem>>) src(%arg6 : memref<4096xf32, #tpu.memory_space<vmem>>) dst(%dma_wait3A_28 : memref<4096xf32, #tpu.memory_space<hbm>>)
      tpu.yield
    }) : () -> ()
    %add3A_13 = arith.constant 8192 : i32
    %add3A_14 = arith.addi %mul3A_2, %add3A_13 : i32
    "tpu.region"() ({
      %run_scoped3A = tpu.sem_alloc : memref<!tpu.dma_semaphore, #tpu.memory_space<semaphore_mem>>
      %dma_start3A_25 = tpu.memref_slice %arg3[%add3A_14] : memref<524288xi32, #tpu.memory_space<hbm>> -> memref<4096xi32, #tpu.memory_space<hbm>>
      %dma_start3A_26 = tpu.memref_slice %arg3[%add3A_14] : memref<524288xi32, #tpu.memory_space<hbm>> -> memref<4096xi32, #tpu.memory_space<hbm>>
      tpu.enqueue_dma source(%dma_start3A_26 : memref<4096xi32, #tpu.memory_space<hbm>>) target(%arg5 : memref<4096xi32, #tpu.memory_space<vmem>>) target_semaphore(%run_scoped3A : memref<!tpu.dma_semaphore, #tpu.memory_space<semaphore_mem>>)
      %dma_wait3A_27 = tpu.memref_slice %arg3[%add3A_14] : memref<524288xi32, #tpu.memory_space<hbm>> -> memref<4096xi32, #tpu.memory_space<hbm>>
      %dma_wait3A_28 = tpu.memref_slice %arg3[%add3A_14] : memref<524288xi32, #tpu.memory_space<hbm>> -> memref<4096xi32, #tpu.memory_space<hbm>>
      tpu.wait_dma2 semaphore(%run_scoped3A : memref<!tpu.dma_semaphore, #tpu.memory_space<semaphore_mem>>) src(%dma_wait3A_28 : memref<4096xi32, #tpu.memory_space<hbm>>) dst(%arg5 : memref<4096xi32, #tpu.memory_space<vmem>>)
      tpu.yield
    }) : () -> ()
    %dma_start3A_15 = arith.constant 0 : i32
    %dma_start3A_16 = tpu.memref_slice %arg2[%dma_start3A_15] : memref<12800000xf32, #tpu.memory_space<hbm>> -> memref<12800000xf32, #tpu.memory_space<hbm>>
    tpu.enqueue_indirect_dma source(%dma_start3A_16 : memref<12800000xf32, #tpu.memory_space<hbm>>) target(%arg6 : memref<4096xf32, #tpu.memory_space<vmem>>) offsets(%arg5 : memref<4096xi32, #tpu.memory_space<vmem>>) semaphore(%arg7 : memref<!tpu.dma_semaphore, #tpu.memory_space<semaphore_mem>>)
    %dma_wait3A_17 = arith.constant 0 : i32
    %dma_wait3A_18 = tpu.memref_slice %arg2[%dma_wait3A_17] : memref<12800000xf32, #tpu.memory_space<hbm>> -> memref<12800000xf32, #tpu.memory_space<hbm>>
    tpu.wait_indirect_dma semaphore(%arg7 : memref<!tpu.dma_semaphore, #tpu.memory_space<semaphore_mem>>) src(%dma_wait3A_18 : memref<12800000xf32, #tpu.memory_space<hbm>>) dst(%arg6 : memref<4096xf32, #tpu.memory_space<vmem>>)
    "tpu.region"() ({
      %run_scoped3A = tpu.sem_alloc : memref<!tpu.dma_semaphore, #tpu.memory_space<semaphore_mem>>
      %dma_start3A_25 = tpu.memref_slice %arg4[%add3A_14] : memref<524288xf32, #tpu.memory_space<hbm>> -> memref<4096xf32, #tpu.memory_space<hbm>>
      %dma_start3A_26 = tpu.memref_slice %arg4[%add3A_14] : memref<524288xf32, #tpu.memory_space<hbm>> -> memref<4096xf32, #tpu.memory_space<hbm>>
      tpu.enqueue_dma source(%arg6 : memref<4096xf32, #tpu.memory_space<vmem>>) target(%dma_start3A_26 : memref<4096xf32, #tpu.memory_space<hbm>>) target_semaphore(%run_scoped3A : memref<!tpu.dma_semaphore, #tpu.memory_space<semaphore_mem>>)
      %dma_wait3A_27 = tpu.memref_slice %arg4[%add3A_14] : memref<524288xf32, #tpu.memory_space<hbm>> -> memref<4096xf32, #tpu.memory_space<hbm>>
      %dma_wait3A_28 = tpu.memref_slice %arg4[%add3A_14] : memref<524288xf32, #tpu.memory_space<hbm>> -> memref<4096xf32, #tpu.memory_space<hbm>>
      tpu.wait_dma2 semaphore(%run_scoped3A : memref<!tpu.dma_semaphore, #tpu.memory_space<semaphore_mem>>) src(%arg6 : memref<4096xf32, #tpu.memory_space<vmem>>) dst(%dma_wait3A_28 : memref<4096xf32, #tpu.memory_space<hbm>>)
      tpu.yield
    }) : () -> ()
    %add3A_19 = arith.constant 12288 : i32
    %add3A_20 = arith.addi %mul3A_2, %add3A_19 : i32
    "tpu.region"() ({
      %run_scoped3A = tpu.sem_alloc : memref<!tpu.dma_semaphore, #tpu.memory_space<semaphore_mem>>
      %dma_start3A_25 = tpu.memref_slice %arg3[%add3A_20] : memref<524288xi32, #tpu.memory_space<hbm>> -> memref<4096xi32, #tpu.memory_space<hbm>>
      %dma_start3A_26 = tpu.memref_slice %arg3[%add3A_20] : memref<524288xi32, #tpu.memory_space<hbm>> -> memref<4096xi32, #tpu.memory_space<hbm>>
      tpu.enqueue_dma source(%dma_start3A_26 : memref<4096xi32, #tpu.memory_space<hbm>>) target(%arg5 : memref<4096xi32, #tpu.memory_space<vmem>>) target_semaphore(%run_scoped3A : memref<!tpu.dma_semaphore, #tpu.memory_space<semaphore_mem>>)
      %dma_wait3A_27 = tpu.memref_slice %arg3[%add3A_20] : memref<524288xi32, #tpu.memory_space<hbm>> -> memref<4096xi32, #tpu.memory_space<hbm>>
      %dma_wait3A_28 = tpu.memref_slice %arg3[%add3A_20] : memref<524288xi32, #tpu.memory_space<hbm>> -> memref<4096xi32, #tpu.memory_space<hbm>>
      tpu.wait_dma2 semaphore(%run_scoped3A : memref<!tpu.dma_semaphore, #tpu.memory_space<semaphore_mem>>) src(%dma_wait3A_28 : memref<4096xi32, #tpu.memory_space<hbm>>) dst(%arg5 : memref<4096xi32, #tpu.memory_space<vmem>>)
      tpu.yield
    }) : () -> ()
    %dma_start3A_21 = arith.constant 0 : i32
    %dma_start3A_22 = tpu.memref_slice %arg2[%dma_start3A_21] : memref<12800000xf32, #tpu.memory_space<hbm>> -> memref<12800000xf32, #tpu.memory_space<hbm>>
    tpu.enqueue_indirect_dma source(%dma_start3A_22 : memref<12800000xf32, #tpu.memory_space<hbm>>) target(%arg6 : memref<4096xf32, #tpu.memory_space<vmem>>) offsets(%arg5 : memref<4096xi32, #tpu.memory_space<vmem>>) semaphore(%arg7 : memref<!tpu.dma_semaphore, #tpu.memory_space<semaphore_mem>>)
    %dma_wait3A_23 = arith.constant 0 : i32
    %dma_wait3A_24 = tpu.memref_slice %arg2[%dma_wait3A_23] : memref<12800000xf32, #tpu.memory_space<hbm>> -> memref<12800000xf32, #tpu.memory_space<hbm>>
    tpu.wait_indirect_dma semaphore(%arg7 : memref<!tpu.dma_semaphore, #tpu.memory_space<semaphore_mem>>) src(%dma_wait3A_24 : memref<12800000xf32, #tpu.memory_space<hbm>>) dst(%arg6 : memref<4096xf32, #tpu.memory_space<vmem>>)
    "tpu.region"() ({
      %run_scoped3A = tpu.sem_alloc : memref<!tpu.dma_semaphore, #tpu.memory_space<semaphore_mem>>
      %dma_start3A_25 = tpu.memref_slice %arg4[%add3A_20] : memref<524288xf32, #tpu.memory_space<hbm>> -> memref<4096xf32, #tpu.memory_space<hbm>>
      %dma_start3A_26 = tpu.memref_slice %arg4[%add3A_20] : memref<524288xf32, #tpu.memory_space<hbm>> -> memref<4096xf32, #tpu.memory_space<hbm>>
      tpu.enqueue_dma source(%arg6 : memref<4096xf32, #tpu.memory_space<vmem>>) target(%dma_start3A_26 : memref<4096xf32, #tpu.memory_space<hbm>>) target_semaphore(%run_scoped3A : memref<!tpu.dma_semaphore, #tpu.memory_space<semaphore_mem>>)
      %dma_wait3A_27 = tpu.memref_slice %arg4[%add3A_20] : memref<524288xf32, #tpu.memory_space<hbm>> -> memref<4096xf32, #tpu.memory_space<hbm>>
      %dma_wait3A_28 = tpu.memref_slice %arg4[%add3A_20] : memref<524288xf32, #tpu.memory_space<hbm>> -> memref<4096xf32, #tpu.memory_space<hbm>>
      tpu.wait_dma2 semaphore(%run_scoped3A : memref<!tpu.dma_semaphore, #tpu.memory_space<semaphore_mem>>) src(%arg6 : memref<4096xf32, #tpu.memory_space<vmem>>) dst(%dma_wait3A_28 : memref<4096xf32, #tpu.memory_space<hbm>>)
      tpu.yield
    }) : () -> ()
    return
  }
}

#map = affine_map<(d0, d1) -> (0, 0)>
#map1 = affine_map<(d0, d1) -> (0)>
module attributes {stable_mosaic.version = 14 : i64} {
  func.func @_sc_gather_body(%arg0: i32, %arg1: i32, %arg2: memref<100000x32xf32, #tpu.memory_space<hbm>>, %arg3: memref<1000x32xf32, #tpu.memory_space<hbm>>, %arg4: memref<3200000xf32, #tpu.memory_space<hbm>>, %arg5: memref<262144xi32, #tpu.memory_space<hbm>>, %arg6: memref<262144xi32, #tpu.memory_space<hbm>>, %arg7: memref<131072xi32, #tpu.memory_space<hbm>>, %arg8: memref<262144x32xf32, #tpu.memory_space<hbm>>, %arg9: memref<262144x32xf32, #tpu.memory_space<hbm>>, %arg10: memref<131072xf32, #tpu.memory_space<hbm>>, %arg11: memref<1024xi32, #tpu.memory_space<vmem>>, %arg12: memref<1024x32xf32, #tpu.memory_space<vmem>>, %arg13: memref<1024xi32, #tpu.memory_space<vmem>>, %arg14: memref<1024x32xf32, #tpu.memory_space<vmem>>, %arg15: memref<4096xi32, #tpu.memory_space<vmem>>, %arg16: memref<4096xf32, #tpu.memory_space<vmem>>, %arg17: memref<!tpu.dma_semaphore, #tpu.memory_space<semaphore_mem>>, %arg18: memref<!tpu.dma_semaphore, #tpu.memory_space<semaphore_mem>>) attributes {dimension_semantics = [#tpu.dimension_semantics<core_parallel>, #tpu.dimension_semantics<subcore_parallel>], iteration_bounds = array<i64: 2, 16>, scalar_prefetch = 0 : i64, scratch_operands = 8 : i64, tpu.core_type = #tpu.core_type<sc_vector_subcore>, window_params = [{transform_indices = #map}, {transform_indices = #map}, {transform_indices = #map1}, {transform_indices = #map1}, {transform_indices = #map1}, {transform_indices = #map1}, {transform_indices = #map}, {transform_indices = #map}, {transform_indices = #map1}]} {
    %mul3A = arith.constant 2 : i32
    %mul3A_0 = arith.muli %arg1, %mul3A : i32
    %add3A = arith.addi %mul3A_0, %arg0 : i32
    %mul3A_1 = arith.constant 8192 : i32
    %mul3A_2 = arith.muli %add3A, %mul3A_1 : i32
    %add3A_3 = arith.constant 0 : i32
    %add3A_4 = arith.addi %mul3A_2, %add3A_3 : i32
    "tpu.region"() ({
      %run_scoped3A = tpu.sem_alloc : memref<!tpu.dma_semaphore, #tpu.memory_space<semaphore_mem>>
      %dma_start3A_119 = tpu.memref_slice %arg5[%add3A_4] : memref<262144xi32, #tpu.memory_space<hbm>> -> memref<1024xi32, #tpu.memory_space<hbm>>
      %dma_start3A_120 = tpu.memref_slice %arg5[%add3A_4] : memref<262144xi32, #tpu.memory_space<hbm>> -> memref<1024xi32, #tpu.memory_space<hbm>>
      tpu.enqueue_dma source(%dma_start3A_120 : memref<1024xi32, #tpu.memory_space<hbm>>) target(%arg11 : memref<1024xi32, #tpu.memory_space<vmem>>) target_semaphore(%run_scoped3A : memref<!tpu.dma_semaphore, #tpu.memory_space<semaphore_mem>>)
      %dma_wait3A_121 = tpu.memref_slice %arg5[%add3A_4] : memref<262144xi32, #tpu.memory_space<hbm>> -> memref<1024xi32, #tpu.memory_space<hbm>>
      %dma_wait3A_122 = tpu.memref_slice %arg5[%add3A_4] : memref<262144xi32, #tpu.memory_space<hbm>> -> memref<1024xi32, #tpu.memory_space<hbm>>
      tpu.wait_dma2 semaphore(%run_scoped3A : memref<!tpu.dma_semaphore, #tpu.memory_space<semaphore_mem>>) src(%dma_wait3A_122 : memref<1024xi32, #tpu.memory_space<hbm>>) dst(%arg11 : memref<1024xi32, #tpu.memory_space<vmem>>)
      tpu.yield
    }) : () -> ()
    "tpu.region"() ({
      %run_scoped3A = tpu.sem_alloc : memref<!tpu.dma_semaphore, #tpu.memory_space<semaphore_mem>>
      %dma_start3A_119 = tpu.memref_slice %arg6[%add3A_4] : memref<262144xi32, #tpu.memory_space<hbm>> -> memref<1024xi32, #tpu.memory_space<hbm>>
      %dma_start3A_120 = tpu.memref_slice %arg6[%add3A_4] : memref<262144xi32, #tpu.memory_space<hbm>> -> memref<1024xi32, #tpu.memory_space<hbm>>
      tpu.enqueue_dma source(%dma_start3A_120 : memref<1024xi32, #tpu.memory_space<hbm>>) target(%arg13 : memref<1024xi32, #tpu.memory_space<vmem>>) target_semaphore(%run_scoped3A : memref<!tpu.dma_semaphore, #tpu.memory_space<semaphore_mem>>)
      %dma_wait3A_121 = tpu.memref_slice %arg6[%add3A_4] : memref<262144xi32, #tpu.memory_space<hbm>> -> memref<1024xi32, #tpu.memory_space<hbm>>
      %dma_wait3A_122 = tpu.memref_slice %arg6[%add3A_4] : memref<262144xi32, #tpu.memory_space<hbm>> -> memref<1024xi32, #tpu.memory_space<hbm>>
      tpu.wait_dma2 semaphore(%run_scoped3A : memref<!tpu.dma_semaphore, #tpu.memory_space<semaphore_mem>>) src(%dma_wait3A_122 : memref<1024xi32, #tpu.memory_space<hbm>>) dst(%arg13 : memref<1024xi32, #tpu.memory_space<vmem>>)
      tpu.yield
    }) : () -> ()
    %dma_start3A = arith.constant 0 : i32
    %dma_start3A_5 = arith.constant 0 : i32
    %dma_start3A_6 = tpu.memref_slice %arg2[%dma_start3A, %dma_start3A_5] : memref<100000x32xf32, #tpu.memory_space<hbm>> -> memref<100000x32xf32, #tpu.memory_space<hbm>>
    tpu.enqueue_indirect_dma source(%dma_start3A_6 : memref<100000x32xf32, #tpu.memory_space<hbm>>) target(%arg12 : memref<1024x32xf32, #tpu.memory_space<vmem>>) offsets(%arg11 : memref<1024xi32, #tpu.memory_space<vmem>>) semaphore(%arg17 : memref<!tpu.dma_semaphore, #tpu.memory_space<semaphore_mem>>)
    %dma_start3A_7 = arith.constant 0 : i32
    %dma_start3A_8 = arith.constant 0 : i32
    %dma_start3A_9 = tpu.memref_slice %arg3[%dma_start3A_7, %dma_start3A_8] : memref<1000x32xf32, #tpu.memory_space<hbm>> -> memref<1000x32xf32, #tpu.memory_space<hbm>>
    tpu.enqueue_indirect_dma source(%dma_start3A_9 : memref<1000x32xf32, #tpu.memory_space<hbm>>) target(%arg14 : memref<1024x32xf32, #tpu.memory_space<vmem>>) offsets(%arg13 : memref<1024xi32, #tpu.memory_space<vmem>>) semaphore(%arg17 : memref<!tpu.dma_semaphore, #tpu.memory_space<semaphore_mem>>)
    %dma_wait3A = arith.constant 0 : i32
    %dma_wait3A_10 = arith.constant 0 : i32
    %dma_wait3A_11 = tpu.memref_slice %arg2[%dma_wait3A, %dma_wait3A_10] : memref<100000x32xf32, #tpu.memory_space<hbm>> -> memref<100000x32xf32, #tpu.memory_space<hbm>>
    tpu.wait_indirect_dma semaphore(%arg17 : memref<!tpu.dma_semaphore, #tpu.memory_space<semaphore_mem>>) src(%dma_wait3A_11 : memref<100000x32xf32, #tpu.memory_space<hbm>>) dst(%arg12 : memref<1024x32xf32, #tpu.memory_space<vmem>>)
    %dma_wait3A_12 = arith.constant 0 : i32
    %dma_wait3A_13 = arith.constant 0 : i32
    %dma_wait3A_14 = tpu.memref_slice %arg3[%dma_wait3A_12, %dma_wait3A_13] : memref<1000x32xf32, #tpu.memory_space<hbm>> -> memref<1000x32xf32, #tpu.memory_space<hbm>>
    tpu.wait_indirect_dma semaphore(%arg17 : memref<!tpu.dma_semaphore, #tpu.memory_space<semaphore_mem>>) src(%dma_wait3A_14 : memref<1000x32xf32, #tpu.memory_space<hbm>>) dst(%arg14 : memref<1024x32xf32, #tpu.memory_space<vmem>>)
    "tpu.region"() ({
      %run_scoped3A = tpu.sem_alloc : memref<!tpu.dma_semaphore, #tpu.memory_space<semaphore_mem>>
      %dma_start3A_119 = arith.constant 0 : i32
      %dma_start3A_120 = tpu.memref_slice %arg8[%add3A_4, %dma_start3A_119] : memref<262144x32xf32, #tpu.memory_space<hbm>> -> memref<1024x32xf32, #tpu.memory_space<hbm>>
      %dma_start3A_121 = arith.constant 0 : i32
      %dma_start3A_122 = tpu.memref_slice %arg8[%add3A_4, %dma_start3A_121] : memref<262144x32xf32, #tpu.memory_space<hbm>> -> memref<1024x32xf32, #tpu.memory_space<hbm>>
      tpu.enqueue_dma source(%arg12 : memref<1024x32xf32, #tpu.memory_space<vmem>>) target(%dma_start3A_122 : memref<1024x32xf32, #tpu.memory_space<hbm>>) target_semaphore(%run_scoped3A : memref<!tpu.dma_semaphore, #tpu.memory_space<semaphore_mem>>)
      %dma_wait3A_123 = arith.constant 0 : i32
      %dma_wait3A_124 = tpu.memref_slice %arg8[%add3A_4, %dma_wait3A_123] : memref<262144x32xf32, #tpu.memory_space<hbm>> -> memref<1024x32xf32, #tpu.memory_space<hbm>>
      %dma_wait3A_125 = arith.constant 0 : i32
      %dma_wait3A_126 = tpu.memref_slice %arg8[%add3A_4, %dma_wait3A_125] : memref<262144x32xf32, #tpu.memory_space<hbm>> -> memref<1024x32xf32, #tpu.memory_space<hbm>>
      tpu.wait_dma2 semaphore(%run_scoped3A : memref<!tpu.dma_semaphore, #tpu.memory_space<semaphore_mem>>) src(%arg12 : memref<1024x32xf32, #tpu.memory_space<vmem>>) dst(%dma_wait3A_126 : memref<1024x32xf32, #tpu.memory_space<hbm>>)
      tpu.yield
    }) : () -> ()
    "tpu.region"() ({
      %run_scoped3A = tpu.sem_alloc : memref<!tpu.dma_semaphore, #tpu.memory_space<semaphore_mem>>
      %dma_start3A_119 = arith.constant 0 : i32
      %dma_start3A_120 = tpu.memref_slice %arg9[%add3A_4, %dma_start3A_119] : memref<262144x32xf32, #tpu.memory_space<hbm>> -> memref<1024x32xf32, #tpu.memory_space<hbm>>
      %dma_start3A_121 = arith.constant 0 : i32
      %dma_start3A_122 = tpu.memref_slice %arg9[%add3A_4, %dma_start3A_121] : memref<262144x32xf32, #tpu.memory_space<hbm>> -> memref<1024x32xf32, #tpu.memory_space<hbm>>
      tpu.enqueue_dma source(%arg14 : memref<1024x32xf32, #tpu.memory_space<vmem>>) target(%dma_start3A_122 : memref<1024x32xf32, #tpu.memory_space<hbm>>) target_semaphore(%run_scoped3A : memref<!tpu.dma_semaphore, #tpu.memory_space<semaphore_mem>>)
      %dma_wait3A_123 = arith.constant 0 : i32
      %dma_wait3A_124 = tpu.memref_slice %arg9[%add3A_4, %dma_wait3A_123] : memref<262144x32xf32, #tpu.memory_space<hbm>> -> memref<1024x32xf32, #tpu.memory_space<hbm>>
      %dma_wait3A_125 = arith.constant 0 : i32
      %dma_wait3A_126 = tpu.memref_slice %arg9[%add3A_4, %dma_wait3A_125] : memref<262144x32xf32, #tpu.memory_space<hbm>> -> memref<1024x32xf32, #tpu.memory_space<hbm>>
      tpu.wait_dma2 semaphore(%run_scoped3A : memref<!tpu.dma_semaphore, #tpu.memory_space<semaphore_mem>>) src(%arg14 : memref<1024x32xf32, #tpu.memory_space<vmem>>) dst(%dma_wait3A_126 : memref<1024x32xf32, #tpu.memory_space<hbm>>)
      tpu.yield
    }) : () -> ()
    %add3A_15 = arith.constant 1024 : i32
    %add3A_16 = arith.addi %mul3A_2, %add3A_15 : i32
    "tpu.region"() ({
      %run_scoped3A = tpu.sem_alloc : memref<!tpu.dma_semaphore, #tpu.memory_space<semaphore_mem>>
      %dma_start3A_119 = tpu.memref_slice %arg5[%add3A_16] : memref<262144xi32, #tpu.memory_space<hbm>> -> memref<1024xi32, #tpu.memory_space<hbm>>
      %dma_start3A_120 = tpu.memref_slice %arg5[%add3A_16] : memref<262144xi32, #tpu.memory_space<hbm>> -> memref<1024xi32, #tpu.memory_space<hbm>>
      tpu.enqueue_dma source(%dma_start3A_120 : memref<1024xi32, #tpu.memory_space<hbm>>) target(%arg11 : memref<1024xi32, #tpu.memory_space<vmem>>) target_semaphore(%run_scoped3A : memref<!tpu.dma_semaphore, #tpu.memory_space<semaphore_mem>>)
      %dma_wait3A_121 = tpu.memref_slice %arg5[%add3A_16] : memref<262144xi32, #tpu.memory_space<hbm>> -> memref<1024xi32, #tpu.memory_space<hbm>>
      %dma_wait3A_122 = tpu.memref_slice %arg5[%add3A_16] : memref<262144xi32, #tpu.memory_space<hbm>> -> memref<1024xi32, #tpu.memory_space<hbm>>
      tpu.wait_dma2 semaphore(%run_scoped3A : memref<!tpu.dma_semaphore, #tpu.memory_space<semaphore_mem>>) src(%dma_wait3A_122 : memref<1024xi32, #tpu.memory_space<hbm>>) dst(%arg11 : memref<1024xi32, #tpu.memory_space<vmem>>)
      tpu.yield
    }) : () -> ()
    "tpu.region"() ({
      %run_scoped3A = tpu.sem_alloc : memref<!tpu.dma_semaphore, #tpu.memory_space<semaphore_mem>>
      %dma_start3A_119 = tpu.memref_slice %arg6[%add3A_16] : memref<262144xi32, #tpu.memory_space<hbm>> -> memref<1024xi32, #tpu.memory_space<hbm>>
      %dma_start3A_120 = tpu.memref_slice %arg6[%add3A_16] : memref<262144xi32, #tpu.memory_space<hbm>> -> memref<1024xi32, #tpu.memory_space<hbm>>
      tpu.enqueue_dma source(%dma_start3A_120 : memref<1024xi32, #tpu.memory_space<hbm>>) target(%arg13 : memref<1024xi32, #tpu.memory_space<vmem>>) target_semaphore(%run_scoped3A : memref<!tpu.dma_semaphore, #tpu.memory_space<semaphore_mem>>)
      %dma_wait3A_121 = tpu.memref_slice %arg6[%add3A_16] : memref<262144xi32, #tpu.memory_space<hbm>> -> memref<1024xi32, #tpu.memory_space<hbm>>
      %dma_wait3A_122 = tpu.memref_slice %arg6[%add3A_16] : memref<262144xi32, #tpu.memory_space<hbm>> -> memref<1024xi32, #tpu.memory_space<hbm>>
      tpu.wait_dma2 semaphore(%run_scoped3A : memref<!tpu.dma_semaphore, #tpu.memory_space<semaphore_mem>>) src(%dma_wait3A_122 : memref<1024xi32, #tpu.memory_space<hbm>>) dst(%arg13 : memref<1024xi32, #tpu.memory_space<vmem>>)
      tpu.yield
    }) : () -> ()
    %dma_start3A_17 = arith.constant 0 : i32
    %dma_start3A_18 = arith.constant 0 : i32
    %dma_start3A_19 = tpu.memref_slice %arg2[%dma_start3A_17, %dma_start3A_18] : memref<100000x32xf32, #tpu.memory_space<hbm>> -> memref<100000x32xf32, #tpu.memory_space<hbm>>
    tpu.enqueue_indirect_dma source(%dma_start3A_19 : memref<100000x32xf32, #tpu.memory_space<hbm>>) target(%arg12 : memref<1024x32xf32, #tpu.memory_space<vmem>>) offsets(%arg11 : memref<1024xi32, #tpu.memory_space<vmem>>) semaphore(%arg17 : memref<!tpu.dma_semaphore, #tpu.memory_space<semaphore_mem>>)
    %dma_start3A_20 = arith.constant 0 : i32
    %dma_start3A_21 = arith.constant 0 : i32
    %dma_start3A_22 = tpu.memref_slice %arg3[%dma_start3A_20, %dma_start3A_21] : memref<1000x32xf32, #tpu.memory_space<hbm>> -> memref<1000x32xf32, #tpu.memory_space<hbm>>
    tpu.enqueue_indirect_dma source(%dma_start3A_22 : memref<1000x32xf32, #tpu.memory_space<hbm>>) target(%arg14 : memref<1024x32xf32, #tpu.memory_space<vmem>>) offsets(%arg13 : memref<1024xi32, #tpu.memory_space<vmem>>) semaphore(%arg17 : memref<!tpu.dma_semaphore, #tpu.memory_space<semaphore_mem>>)
    %dma_wait3A_23 = arith.constant 0 : i32
    %dma_wait3A_24 = arith.constant 0 : i32
    %dma_wait3A_25 = tpu.memref_slice %arg2[%dma_wait3A_23, %dma_wait3A_24] : memref<100000x32xf32, #tpu.memory_space<hbm>> -> memref<100000x32xf32, #tpu.memory_space<hbm>>
    tpu.wait_indirect_dma semaphore(%arg17 : memref<!tpu.dma_semaphore, #tpu.memory_space<semaphore_mem>>) src(%dma_wait3A_25 : memref<100000x32xf32, #tpu.memory_space<hbm>>) dst(%arg12 : memref<1024x32xf32, #tpu.memory_space<vmem>>)
    %dma_wait3A_26 = arith.constant 0 : i32
    %dma_wait3A_27 = arith.constant 0 : i32
    %dma_wait3A_28 = tpu.memref_slice %arg3[%dma_wait3A_26, %dma_wait3A_27] : memref<1000x32xf32, #tpu.memory_space<hbm>> -> memref<1000x32xf32, #tpu.memory_space<hbm>>
    tpu.wait_indirect_dma semaphore(%arg17 : memref<!tpu.dma_semaphore, #tpu.memory_space<semaphore_mem>>) src(%dma_wait3A_28 : memref<1000x32xf32, #tpu.memory_space<hbm>>) dst(%arg14 : memref<1024x32xf32, #tpu.memory_space<vmem>>)
    "tpu.region"() ({
      %run_scoped3A = tpu.sem_alloc : memref<!tpu.dma_semaphore, #tpu.memory_space<semaphore_mem>>
      %dma_start3A_119 = arith.constant 0 : i32
      %dma_start3A_120 = tpu.memref_slice %arg8[%add3A_16, %dma_start3A_119] : memref<262144x32xf32, #tpu.memory_space<hbm>> -> memref<1024x32xf32, #tpu.memory_space<hbm>>
      %dma_start3A_121 = arith.constant 0 : i32
      %dma_start3A_122 = tpu.memref_slice %arg8[%add3A_16, %dma_start3A_121] : memref<262144x32xf32, #tpu.memory_space<hbm>> -> memref<1024x32xf32, #tpu.memory_space<hbm>>
      tpu.enqueue_dma source(%arg12 : memref<1024x32xf32, #tpu.memory_space<vmem>>) target(%dma_start3A_122 : memref<1024x32xf32, #tpu.memory_space<hbm>>) target_semaphore(%run_scoped3A : memref<!tpu.dma_semaphore, #tpu.memory_space<semaphore_mem>>)
      %dma_wait3A_123 = arith.constant 0 : i32
      %dma_wait3A_124 = tpu.memref_slice %arg8[%add3A_16, %dma_wait3A_123] : memref<262144x32xf32, #tpu.memory_space<hbm>> -> memref<1024x32xf32, #tpu.memory_space<hbm>>
      %dma_wait3A_125 = arith.constant 0 : i32
      %dma_wait3A_126 = tpu.memref_slice %arg8[%add3A_16, %dma_wait3A_125] : memref<262144x32xf32, #tpu.memory_space<hbm>> -> memref<1024x32xf32, #tpu.memory_space<hbm>>
      tpu.wait_dma2 semaphore(%run_scoped3A : memref<!tpu.dma_semaphore, #tpu.memory_space<semaphore_mem>>) src(%arg12 : memref<1024x32xf32, #tpu.memory_space<vmem>>) dst(%dma_wait3A_126 : memref<1024x32xf32, #tpu.memory_space<hbm>>)
      tpu.yield
    }) : () -> ()
    "tpu.region"() ({
      %run_scoped3A = tpu.sem_alloc : memref<!tpu.dma_semaphore, #tpu.memory_space<semaphore_mem>>
      %dma_start3A_119 = arith.constant 0 : i32
      %dma_start3A_120 = tpu.memref_slice %arg9[%add3A_16, %dma_start3A_119] : memref<262144x32xf32, #tpu.memory_space<hbm>> -> memref<1024x32xf32, #tpu.memory_space<hbm>>
      %dma_start3A_121 = arith.constant 0 : i32
      %dma_start3A_122 = tpu.memref_slice %arg9[%add3A_16, %dma_start3A_121] : memref<262144x32xf32, #tpu.memory_space<hbm>> -> memref<1024x32xf32, #tpu.memory_space<hbm>>
      tpu.enqueue_dma source(%arg14 : memref<1024x32xf32, #tpu.memory_space<vmem>>) target(%dma_start3A_122 : memref<1024x32xf32, #tpu.memory_space<hbm>>) target_semaphore(%run_scoped3A : memref<!tpu.dma_semaphore, #tpu.memory_space<semaphore_mem>>)
      %dma_wait3A_123 = arith.constant 0 : i32
      %dma_wait3A_124 = tpu.memref_slice %arg9[%add3A_16, %dma_wait3A_123] : memref<262144x32xf32, #tpu.memory_space<hbm>> -> memref<1024x32xf32, #tpu.memory_space<hbm>>
      %dma_wait3A_125 = arith.constant 0 : i32
      %dma_wait3A_126 = tpu.memref_slice %arg9[%add3A_16, %dma_wait3A_125] : memref<262144x32xf32, #tpu.memory_space<hbm>> -> memref<1024x32xf32, #tpu.memory_space<hbm>>
      tpu.wait_dma2 semaphore(%run_scoped3A : memref<!tpu.dma_semaphore, #tpu.memory_space<semaphore_mem>>) src(%arg14 : memref<1024x32xf32, #tpu.memory_space<vmem>>) dst(%dma_wait3A_126 : memref<1024x32xf32, #tpu.memory_space<hbm>>)
      tpu.yield
    }) : () -> ()
    %add3A_29 = arith.constant 2048 : i32
    %add3A_30 = arith.addi %mul3A_2, %add3A_29 : i32
    "tpu.region"() ({
      %run_scoped3A = tpu.sem_alloc : memref<!tpu.dma_semaphore, #tpu.memory_space<semaphore_mem>>
      %dma_start3A_119 = tpu.memref_slice %arg5[%add3A_30] : memref<262144xi32, #tpu.memory_space<hbm>> -> memref<1024xi32, #tpu.memory_space<hbm>>
      %dma_start3A_120 = tpu.memref_slice %arg5[%add3A_30] : memref<262144xi32, #tpu.memory_space<hbm>> -> memref<1024xi32, #tpu.memory_space<hbm>>
      tpu.enqueue_dma source(%dma_start3A_120 : memref<1024xi32, #tpu.memory_space<hbm>>) target(%arg11 : memref<1024xi32, #tpu.memory_space<vmem>>) target_semaphore(%run_scoped3A : memref<!tpu.dma_semaphore, #tpu.memory_space<semaphore_mem>>)
      %dma_wait3A_121 = tpu.memref_slice %arg5[%add3A_30] : memref<262144xi32, #tpu.memory_space<hbm>> -> memref<1024xi32, #tpu.memory_space<hbm>>
      %dma_wait3A_122 = tpu.memref_slice %arg5[%add3A_30] : memref<262144xi32, #tpu.memory_space<hbm>> -> memref<1024xi32, #tpu.memory_space<hbm>>
      tpu.wait_dma2 semaphore(%run_scoped3A : memref<!tpu.dma_semaphore, #tpu.memory_space<semaphore_mem>>) src(%dma_wait3A_122 : memref<1024xi32, #tpu.memory_space<hbm>>) dst(%arg11 : memref<1024xi32, #tpu.memory_space<vmem>>)
      tpu.yield
    }) : () -> ()
    "tpu.region"() ({
      %run_scoped3A = tpu.sem_alloc : memref<!tpu.dma_semaphore, #tpu.memory_space<semaphore_mem>>
      %dma_start3A_119 = tpu.memref_slice %arg6[%add3A_30] : memref<262144xi32, #tpu.memory_space<hbm>> -> memref<1024xi32, #tpu.memory_space<hbm>>
      %dma_start3A_120 = tpu.memref_slice %arg6[%add3A_30] : memref<262144xi32, #tpu.memory_space<hbm>> -> memref<1024xi32, #tpu.memory_space<hbm>>
      tpu.enqueue_dma source(%dma_start3A_120 : memref<1024xi32, #tpu.memory_space<hbm>>) target(%arg13 : memref<1024xi32, #tpu.memory_space<vmem>>) target_semaphore(%run_scoped3A : memref<!tpu.dma_semaphore, #tpu.memory_space<semaphore_mem>>)
      %dma_wait3A_121 = tpu.memref_slice %arg6[%add3A_30] : memref<262144xi32, #tpu.memory_space<hbm>> -> memref<1024xi32, #tpu.memory_space<hbm>>
      %dma_wait3A_122 = tpu.memref_slice %arg6[%add3A_30] : memref<262144xi32, #tpu.memory_space<hbm>> -> memref<1024xi32, #tpu.memory_space<hbm>>
      tpu.wait_dma2 semaphore(%run_scoped3A : memref<!tpu.dma_semaphore, #tpu.memory_space<semaphore_mem>>) src(%dma_wait3A_122 : memref<1024xi32, #tpu.memory_space<hbm>>) dst(%arg13 : memref<1024xi32, #tpu.memory_space<vmem>>)
      tpu.yield
    }) : () -> ()
    %dma_start3A_31 = arith.constant 0 : i32
    %dma_start3A_32 = arith.constant 0 : i32
    %dma_start3A_33 = tpu.memref_slice %arg2[%dma_start3A_31, %dma_start3A_32] : memref<100000x32xf32, #tpu.memory_space<hbm>> -> memref<100000x32xf32, #tpu.memory_space<hbm>>
    tpu.enqueue_indirect_dma source(%dma_start3A_33 : memref<100000x32xf32, #tpu.memory_space<hbm>>) target(%arg12 : memref<1024x32xf32, #tpu.memory_space<vmem>>) offsets(%arg11 : memref<1024xi32, #tpu.memory_space<vmem>>) semaphore(%arg17 : memref<!tpu.dma_semaphore, #tpu.memory_space<semaphore_mem>>)
    %dma_start3A_34 = arith.constant 0 : i32
    %dma_start3A_35 = arith.constant 0 : i32
    %dma_start3A_36 = tpu.memref_slice %arg3[%dma_start3A_34, %dma_start3A_35] : memref<1000x32xf32, #tpu.memory_space<hbm>> -> memref<1000x32xf32, #tpu.memory_space<hbm>>
    tpu.enqueue_indirect_dma source(%dma_start3A_36 : memref<1000x32xf32, #tpu.memory_space<hbm>>) target(%arg14 : memref<1024x32xf32, #tpu.memory_space<vmem>>) offsets(%arg13 : memref<1024xi32, #tpu.memory_space<vmem>>) semaphore(%arg17 : memref<!tpu.dma_semaphore, #tpu.memory_space<semaphore_mem>>)
    %dma_wait3A_37 = arith.constant 0 : i32
    %dma_wait3A_38 = arith.constant 0 : i32
    %dma_wait3A_39 = tpu.memref_slice %arg2[%dma_wait3A_37, %dma_wait3A_38] : memref<100000x32xf32, #tpu.memory_space<hbm>> -> memref<100000x32xf32, #tpu.memory_space<hbm>>
    tpu.wait_indirect_dma semaphore(%arg17 : memref<!tpu.dma_semaphore, #tpu.memory_space<semaphore_mem>>) src(%dma_wait3A_39 : memref<100000x32xf32, #tpu.memory_space<hbm>>) dst(%arg12 : memref<1024x32xf32, #tpu.memory_space<vmem>>)
    %dma_wait3A_40 = arith.constant 0 : i32
    %dma_wait3A_41 = arith.constant 0 : i32
    %dma_wait3A_42 = tpu.memref_slice %arg3[%dma_wait3A_40, %dma_wait3A_41] : memref<1000x32xf32, #tpu.memory_space<hbm>> -> memref<1000x32xf32, #tpu.memory_space<hbm>>
    tpu.wait_indirect_dma semaphore(%arg17 : memref<!tpu.dma_semaphore, #tpu.memory_space<semaphore_mem>>) src(%dma_wait3A_42 : memref<1000x32xf32, #tpu.memory_space<hbm>>) dst(%arg14 : memref<1024x32xf32, #tpu.memory_space<vmem>>)
    "tpu.region"() ({
      %run_scoped3A = tpu.sem_alloc : memref<!tpu.dma_semaphore, #tpu.memory_space<semaphore_mem>>
      %dma_start3A_119 = arith.constant 0 : i32
      %dma_start3A_120 = tpu.memref_slice %arg8[%add3A_30, %dma_start3A_119] : memref<262144x32xf32, #tpu.memory_space<hbm>> -> memref<1024x32xf32, #tpu.memory_space<hbm>>
      %dma_start3A_121 = arith.constant 0 : i32
      %dma_start3A_122 = tpu.memref_slice %arg8[%add3A_30, %dma_start3A_121] : memref<262144x32xf32, #tpu.memory_space<hbm>> -> memref<1024x32xf32, #tpu.memory_space<hbm>>
      tpu.enqueue_dma source(%arg12 : memref<1024x32xf32, #tpu.memory_space<vmem>>) target(%dma_start3A_122 : memref<1024x32xf32, #tpu.memory_space<hbm>>) target_semaphore(%run_scoped3A : memref<!tpu.dma_semaphore, #tpu.memory_space<semaphore_mem>>)
      %dma_wait3A_123 = arith.constant 0 : i32
      %dma_wait3A_124 = tpu.memref_slice %arg8[%add3A_30, %dma_wait3A_123] : memref<262144x32xf32, #tpu.memory_space<hbm>> -> memref<1024x32xf32, #tpu.memory_space<hbm>>
      %dma_wait3A_125 = arith.constant 0 : i32
      %dma_wait3A_126 = tpu.memref_slice %arg8[%add3A_30, %dma_wait3A_125] : memref<262144x32xf32, #tpu.memory_space<hbm>> -> memref<1024x32xf32, #tpu.memory_space<hbm>>
      tpu.wait_dma2 semaphore(%run_scoped3A : memref<!tpu.dma_semaphore, #tpu.memory_space<semaphore_mem>>) src(%arg12 : memref<1024x32xf32, #tpu.memory_space<vmem>>) dst(%dma_wait3A_126 : memref<1024x32xf32, #tpu.memory_space<hbm>>)
      tpu.yield
    }) : () -> ()
    "tpu.region"() ({
      %run_scoped3A = tpu.sem_alloc : memref<!tpu.dma_semaphore, #tpu.memory_space<semaphore_mem>>
      %dma_start3A_119 = arith.constant 0 : i32
      %dma_start3A_120 = tpu.memref_slice %arg9[%add3A_30, %dma_start3A_119] : memref<262144x32xf32, #tpu.memory_space<hbm>> -> memref<1024x32xf32, #tpu.memory_space<hbm>>
      %dma_start3A_121 = arith.constant 0 : i32
      %dma_start3A_122 = tpu.memref_slice %arg9[%add3A_30, %dma_start3A_121] : memref<262144x32xf32, #tpu.memory_space<hbm>> -> memref<1024x32xf32, #tpu.memory_space<hbm>>
      tpu.enqueue_dma source(%arg14 : memref<1024x32xf32, #tpu.memory_space<vmem>>) target(%dma_start3A_122 : memref<1024x32xf32, #tpu.memory_space<hbm>>) target_semaphore(%run_scoped3A : memref<!tpu.dma_semaphore, #tpu.memory_space<semaphore_mem>>)
      %dma_wait3A_123 = arith.constant 0 : i32
      %dma_wait3A_124 = tpu.memref_slice %arg9[%add3A_30, %dma_wait3A_123] : memref<262144x32xf32, #tpu.memory_space<hbm>> -> memref<1024x32xf32, #tpu.memory_space<hbm>>
      %dma_wait3A_125 = arith.constant 0 : i32
      %dma_wait3A_126 = tpu.memref_slice %arg9[%add3A_30, %dma_wait3A_125] : memref<262144x32xf32, #tpu.memory_space<hbm>> -> memref<1024x32xf32, #tpu.memory_space<hbm>>
      tpu.wait_dma2 semaphore(%run_scoped3A : memref<!tpu.dma_semaphore, #tpu.memory_space<semaphore_mem>>) src(%arg14 : memref<1024x32xf32, #tpu.memory_space<vmem>>) dst(%dma_wait3A_126 : memref<1024x32xf32, #tpu.memory_space<hbm>>)
      tpu.yield
    }) : () -> ()
    %add3A_43 = arith.constant 3072 : i32
    %add3A_44 = arith.addi %mul3A_2, %add3A_43 : i32
    "tpu.region"() ({
      %run_scoped3A = tpu.sem_alloc : memref<!tpu.dma_semaphore, #tpu.memory_space<semaphore_mem>>
      %dma_start3A_119 = tpu.memref_slice %arg5[%add3A_44] : memref<262144xi32, #tpu.memory_space<hbm>> -> memref<1024xi32, #tpu.memory_space<hbm>>
      %dma_start3A_120 = tpu.memref_slice %arg5[%add3A_44] : memref<262144xi32, #tpu.memory_space<hbm>> -> memref<1024xi32, #tpu.memory_space<hbm>>
      tpu.enqueue_dma source(%dma_start3A_120 : memref<1024xi32, #tpu.memory_space<hbm>>) target(%arg11 : memref<1024xi32, #tpu.memory_space<vmem>>) target_semaphore(%run_scoped3A : memref<!tpu.dma_semaphore, #tpu.memory_space<semaphore_mem>>)
      %dma_wait3A_121 = tpu.memref_slice %arg5[%add3A_44] : memref<262144xi32, #tpu.memory_space<hbm>> -> memref<1024xi32, #tpu.memory_space<hbm>>
      %dma_wait3A_122 = tpu.memref_slice %arg5[%add3A_44] : memref<262144xi32, #tpu.memory_space<hbm>> -> memref<1024xi32, #tpu.memory_space<hbm>>
      tpu.wait_dma2 semaphore(%run_scoped3A : memref<!tpu.dma_semaphore, #tpu.memory_space<semaphore_mem>>) src(%dma_wait3A_122 : memref<1024xi32, #tpu.memory_space<hbm>>) dst(%arg11 : memref<1024xi32, #tpu.memory_space<vmem>>)
      tpu.yield
    }) : () -> ()
    "tpu.region"() ({
      %run_scoped3A = tpu.sem_alloc : memref<!tpu.dma_semaphore, #tpu.memory_space<semaphore_mem>>
      %dma_start3A_119 = tpu.memref_slice %arg6[%add3A_44] : memref<262144xi32, #tpu.memory_space<hbm>> -> memref<1024xi32, #tpu.memory_space<hbm>>
      %dma_start3A_120 = tpu.memref_slice %arg6[%add3A_44] : memref<262144xi32, #tpu.memory_space<hbm>> -> memref<1024xi32, #tpu.memory_space<hbm>>
      tpu.enqueue_dma source(%dma_start3A_120 : memref<1024xi32, #tpu.memory_space<hbm>>) target(%arg13 : memref<1024xi32, #tpu.memory_space<vmem>>) target_semaphore(%run_scoped3A : memref<!tpu.dma_semaphore, #tpu.memory_space<semaphore_mem>>)
      %dma_wait3A_121 = tpu.memref_slice %arg6[%add3A_44] : memref<262144xi32, #tpu.memory_space<hbm>> -> memref<1024xi32, #tpu.memory_space<hbm>>
      %dma_wait3A_122 = tpu.memref_slice %arg6[%add3A_44] : memref<262144xi32, #tpu.memory_space<hbm>> -> memref<1024xi32, #tpu.memory_space<hbm>>
      tpu.wait_dma2 semaphore(%run_scoped3A : memref<!tpu.dma_semaphore, #tpu.memory_space<semaphore_mem>>) src(%dma_wait3A_122 : memref<1024xi32, #tpu.memory_space<hbm>>) dst(%arg13 : memref<1024xi32, #tpu.memory_space<vmem>>)
      tpu.yield
    }) : () -> ()
    %dma_start3A_45 = arith.constant 0 : i32
    %dma_start3A_46 = arith.constant 0 : i32
    %dma_start3A_47 = tpu.memref_slice %arg2[%dma_start3A_45, %dma_start3A_46] : memref<100000x32xf32, #tpu.memory_space<hbm>> -> memref<100000x32xf32, #tpu.memory_space<hbm>>
    tpu.enqueue_indirect_dma source(%dma_start3A_47 : memref<100000x32xf32, #tpu.memory_space<hbm>>) target(%arg12 : memref<1024x32xf32, #tpu.memory_space<vmem>>) offsets(%arg11 : memref<1024xi32, #tpu.memory_space<vmem>>) semaphore(%arg17 : memref<!tpu.dma_semaphore, #tpu.memory_space<semaphore_mem>>)
    %dma_start3A_48 = arith.constant 0 : i32
    %dma_start3A_49 = arith.constant 0 : i32
    %dma_start3A_50 = tpu.memref_slice %arg3[%dma_start3A_48, %dma_start3A_49] : memref<1000x32xf32, #tpu.memory_space<hbm>> -> memref<1000x32xf32, #tpu.memory_space<hbm>>
    tpu.enqueue_indirect_dma source(%dma_start3A_50 : memref<1000x32xf32, #tpu.memory_space<hbm>>) target(%arg14 : memref<1024x32xf32, #tpu.memory_space<vmem>>) offsets(%arg13 : memref<1024xi32, #tpu.memory_space<vmem>>) semaphore(%arg17 : memref<!tpu.dma_semaphore, #tpu.memory_space<semaphore_mem>>)
    %dma_wait3A_51 = arith.constant 0 : i32
    %dma_wait3A_52 = arith.constant 0 : i32
    %dma_wait3A_53 = tpu.memref_slice %arg2[%dma_wait3A_51, %dma_wait3A_52] : memref<100000x32xf32, #tpu.memory_space<hbm>> -> memref<100000x32xf32, #tpu.memory_space<hbm>>
    tpu.wait_indirect_dma semaphore(%arg17 : memref<!tpu.dma_semaphore, #tpu.memory_space<semaphore_mem>>) src(%dma_wait3A_53 : memref<100000x32xf32, #tpu.memory_space<hbm>>) dst(%arg12 : memref<1024x32xf32, #tpu.memory_space<vmem>>)
    %dma_wait3A_54 = arith.constant 0 : i32
    %dma_wait3A_55 = arith.constant 0 : i32
    %dma_wait3A_56 = tpu.memref_slice %arg3[%dma_wait3A_54, %dma_wait3A_55] : memref<1000x32xf32, #tpu.memory_space<hbm>> -> memref<1000x32xf32, #tpu.memory_space<hbm>>
    tpu.wait_indirect_dma semaphore(%arg17 : memref<!tpu.dma_semaphore, #tpu.memory_space<semaphore_mem>>) src(%dma_wait3A_56 : memref<1000x32xf32, #tpu.memory_space<hbm>>) dst(%arg14 : memref<1024x32xf32, #tpu.memory_space<vmem>>)
    "tpu.region"() ({
      %run_scoped3A = tpu.sem_alloc : memref<!tpu.dma_semaphore, #tpu.memory_space<semaphore_mem>>
      %dma_start3A_119 = arith.constant 0 : i32
      %dma_start3A_120 = tpu.memref_slice %arg8[%add3A_44, %dma_start3A_119] : memref<262144x32xf32, #tpu.memory_space<hbm>> -> memref<1024x32xf32, #tpu.memory_space<hbm>>
      %dma_start3A_121 = arith.constant 0 : i32
      %dma_start3A_122 = tpu.memref_slice %arg8[%add3A_44, %dma_start3A_121] : memref<262144x32xf32, #tpu.memory_space<hbm>> -> memref<1024x32xf32, #tpu.memory_space<hbm>>
      tpu.enqueue_dma source(%arg12 : memref<1024x32xf32, #tpu.memory_space<vmem>>) target(%dma_start3A_122 : memref<1024x32xf32, #tpu.memory_space<hbm>>) target_semaphore(%run_scoped3A : memref<!tpu.dma_semaphore, #tpu.memory_space<semaphore_mem>>)
      %dma_wait3A_123 = arith.constant 0 : i32
      %dma_wait3A_124 = tpu.memref_slice %arg8[%add3A_44, %dma_wait3A_123] : memref<262144x32xf32, #tpu.memory_space<hbm>> -> memref<1024x32xf32, #tpu.memory_space<hbm>>
      %dma_wait3A_125 = arith.constant 0 : i32
      %dma_wait3A_126 = tpu.memref_slice %arg8[%add3A_44, %dma_wait3A_125] : memref<262144x32xf32, #tpu.memory_space<hbm>> -> memref<1024x32xf32, #tpu.memory_space<hbm>>
      tpu.wait_dma2 semaphore(%run_scoped3A : memref<!tpu.dma_semaphore, #tpu.memory_space<semaphore_mem>>) src(%arg12 : memref<1024x32xf32, #tpu.memory_space<vmem>>) dst(%dma_wait3A_126 : memref<1024x32xf32, #tpu.memory_space<hbm>>)
      tpu.yield
    }) : () -> ()
    "tpu.region"() ({
      %run_scoped3A = tpu.sem_alloc : memref<!tpu.dma_semaphore, #tpu.memory_space<semaphore_mem>>
      %dma_start3A_119 = arith.constant 0 : i32
      %dma_start3A_120 = tpu.memref_slice %arg9[%add3A_44, %dma_start3A_119] : memref<262144x32xf32, #tpu.memory_space<hbm>> -> memref<1024x32xf32, #tpu.memory_space<hbm>>
      %dma_start3A_121 = arith.constant 0 : i32
      %dma_start3A_122 = tpu.memref_slice %arg9[%add3A_44, %dma_start3A_121] : memref<262144x32xf32, #tpu.memory_space<hbm>> -> memref<1024x32xf32, #tpu.memory_space<hbm>>
      tpu.enqueue_dma source(%arg14 : memref<1024x32xf32, #tpu.memory_space<vmem>>) target(%dma_start3A_122 : memref<1024x32xf32, #tpu.memory_space<hbm>>) target_semaphore(%run_scoped3A : memref<!tpu.dma_semaphore, #tpu.memory_space<semaphore_mem>>)
      %dma_wait3A_123 = arith.constant 0 : i32
      %dma_wait3A_124 = tpu.memref_slice %arg9[%add3A_44, %dma_wait3A_123] : memref<262144x32xf32, #tpu.memory_space<hbm>> -> memref<1024x32xf32, #tpu.memory_space<hbm>>
      %dma_wait3A_125 = arith.constant 0 : i32
      %dma_wait3A_126 = tpu.memref_slice %arg9[%add3A_44, %dma_wait3A_125] : memref<262144x32xf32, #tpu.memory_space<hbm>> -> memref<1024x32xf32, #tpu.memory_space<hbm>>
      tpu.wait_dma2 semaphore(%run_scoped3A : memref<!tpu.dma_semaphore, #tpu.memory_space<semaphore_mem>>) src(%arg14 : memref<1024x32xf32, #tpu.memory_space<vmem>>) dst(%dma_wait3A_126 : memref<1024x32xf32, #tpu.memory_space<hbm>>)
      tpu.yield
    }) : () -> ()
    %add3A_57 = arith.constant 4096 : i32
    %add3A_58 = arith.addi %mul3A_2, %add3A_57 : i32
    "tpu.region"() ({
      %run_scoped3A = tpu.sem_alloc : memref<!tpu.dma_semaphore, #tpu.memory_space<semaphore_mem>>
      %dma_start3A_119 = tpu.memref_slice %arg5[%add3A_58] : memref<262144xi32, #tpu.memory_space<hbm>> -> memref<1024xi32, #tpu.memory_space<hbm>>
      %dma_start3A_120 = tpu.memref_slice %arg5[%add3A_58] : memref<262144xi32, #tpu.memory_space<hbm>> -> memref<1024xi32, #tpu.memory_space<hbm>>
      tpu.enqueue_dma source(%dma_start3A_120 : memref<1024xi32, #tpu.memory_space<hbm>>) target(%arg11 : memref<1024xi32, #tpu.memory_space<vmem>>) target_semaphore(%run_scoped3A : memref<!tpu.dma_semaphore, #tpu.memory_space<semaphore_mem>>)
      %dma_wait3A_121 = tpu.memref_slice %arg5[%add3A_58] : memref<262144xi32, #tpu.memory_space<hbm>> -> memref<1024xi32, #tpu.memory_space<hbm>>
      %dma_wait3A_122 = tpu.memref_slice %arg5[%add3A_58] : memref<262144xi32, #tpu.memory_space<hbm>> -> memref<1024xi32, #tpu.memory_space<hbm>>
      tpu.wait_dma2 semaphore(%run_scoped3A : memref<!tpu.dma_semaphore, #tpu.memory_space<semaphore_mem>>) src(%dma_wait3A_122 : memref<1024xi32, #tpu.memory_space<hbm>>) dst(%arg11 : memref<1024xi32, #tpu.memory_space<vmem>>)
      tpu.yield
    }) : () -> ()
    "tpu.region"() ({
      %run_scoped3A = tpu.sem_alloc : memref<!tpu.dma_semaphore, #tpu.memory_space<semaphore_mem>>
      %dma_start3A_119 = tpu.memref_slice %arg6[%add3A_58] : memref<262144xi32, #tpu.memory_space<hbm>> -> memref<1024xi32, #tpu.memory_space<hbm>>
      %dma_start3A_120 = tpu.memref_slice %arg6[%add3A_58] : memref<262144xi32, #tpu.memory_space<hbm>> -> memref<1024xi32, #tpu.memory_space<hbm>>
      tpu.enqueue_dma source(%dma_start3A_120 : memref<1024xi32, #tpu.memory_space<hbm>>) target(%arg13 : memref<1024xi32, #tpu.memory_space<vmem>>) target_semaphore(%run_scoped3A : memref<!tpu.dma_semaphore, #tpu.memory_space<semaphore_mem>>)
      %dma_wait3A_121 = tpu.memref_slice %arg6[%add3A_58] : memref<262144xi32, #tpu.memory_space<hbm>> -> memref<1024xi32, #tpu.memory_space<hbm>>
      %dma_wait3A_122 = tpu.memref_slice %arg6[%add3A_58] : memref<262144xi32, #tpu.memory_space<hbm>> -> memref<1024xi32, #tpu.memory_space<hbm>>
      tpu.wait_dma2 semaphore(%run_scoped3A : memref<!tpu.dma_semaphore, #tpu.memory_space<semaphore_mem>>) src(%dma_wait3A_122 : memref<1024xi32, #tpu.memory_space<hbm>>) dst(%arg13 : memref<1024xi32, #tpu.memory_space<vmem>>)
      tpu.yield
    }) : () -> ()
    %dma_start3A_59 = arith.constant 0 : i32
    %dma_start3A_60 = arith.constant 0 : i32
    %dma_start3A_61 = tpu.memref_slice %arg2[%dma_start3A_59, %dma_start3A_60] : memref<100000x32xf32, #tpu.memory_space<hbm>> -> memref<100000x32xf32, #tpu.memory_space<hbm>>
    tpu.enqueue_indirect_dma source(%dma_start3A_61 : memref<100000x32xf32, #tpu.memory_space<hbm>>) target(%arg12 : memref<1024x32xf32, #tpu.memory_space<vmem>>) offsets(%arg11 : memref<1024xi32, #tpu.memory_space<vmem>>) semaphore(%arg17 : memref<!tpu.dma_semaphore, #tpu.memory_space<semaphore_mem>>)
    %dma_start3A_62 = arith.constant 0 : i32
    %dma_start3A_63 = arith.constant 0 : i32
    %dma_start3A_64 = tpu.memref_slice %arg3[%dma_start3A_62, %dma_start3A_63] : memref<1000x32xf32, #tpu.memory_space<hbm>> -> memref<1000x32xf32, #tpu.memory_space<hbm>>
    tpu.enqueue_indirect_dma source(%dma_start3A_64 : memref<1000x32xf32, #tpu.memory_space<hbm>>) target(%arg14 : memref<1024x32xf32, #tpu.memory_space<vmem>>) offsets(%arg13 : memref<1024xi32, #tpu.memory_space<vmem>>) semaphore(%arg17 : memref<!tpu.dma_semaphore, #tpu.memory_space<semaphore_mem>>)
    %dma_wait3A_65 = arith.constant 0 : i32
    %dma_wait3A_66 = arith.constant 0 : i32
    %dma_wait3A_67 = tpu.memref_slice %arg2[%dma_wait3A_65, %dma_wait3A_66] : memref<100000x32xf32, #tpu.memory_space<hbm>> -> memref<100000x32xf32, #tpu.memory_space<hbm>>
    tpu.wait_indirect_dma semaphore(%arg17 : memref<!tpu.dma_semaphore, #tpu.memory_space<semaphore_mem>>) src(%dma_wait3A_67 : memref<100000x32xf32, #tpu.memory_space<hbm>>) dst(%arg12 : memref<1024x32xf32, #tpu.memory_space<vmem>>)
    %dma_wait3A_68 = arith.constant 0 : i32
    %dma_wait3A_69 = arith.constant 0 : i32
    %dma_wait3A_70 = tpu.memref_slice %arg3[%dma_wait3A_68, %dma_wait3A_69] : memref<1000x32xf32, #tpu.memory_space<hbm>> -> memref<1000x32xf32, #tpu.memory_space<hbm>>
    tpu.wait_indirect_dma semaphore(%arg17 : memref<!tpu.dma_semaphore, #tpu.memory_space<semaphore_mem>>) src(%dma_wait3A_70 : memref<1000x32xf32, #tpu.memory_space<hbm>>) dst(%arg14 : memref<1024x32xf32, #tpu.memory_space<vmem>>)
    "tpu.region"() ({
      %run_scoped3A = tpu.sem_alloc : memref<!tpu.dma_semaphore, #tpu.memory_space<semaphore_mem>>
      %dma_start3A_119 = arith.constant 0 : i32
      %dma_start3A_120 = tpu.memref_slice %arg8[%add3A_58, %dma_start3A_119] : memref<262144x32xf32, #tpu.memory_space<hbm>> -> memref<1024x32xf32, #tpu.memory_space<hbm>>
      %dma_start3A_121 = arith.constant 0 : i32
      %dma_start3A_122 = tpu.memref_slice %arg8[%add3A_58, %dma_start3A_121] : memref<262144x32xf32, #tpu.memory_space<hbm>> -> memref<1024x32xf32, #tpu.memory_space<hbm>>
      tpu.enqueue_dma source(%arg12 : memref<1024x32xf32, #tpu.memory_space<vmem>>) target(%dma_start3A_122 : memref<1024x32xf32, #tpu.memory_space<hbm>>) target_semaphore(%run_scoped3A : memref<!tpu.dma_semaphore, #tpu.memory_space<semaphore_mem>>)
      %dma_wait3A_123 = arith.constant 0 : i32
      %dma_wait3A_124 = tpu.memref_slice %arg8[%add3A_58, %dma_wait3A_123] : memref<262144x32xf32, #tpu.memory_space<hbm>> -> memref<1024x32xf32, #tpu.memory_space<hbm>>
      %dma_wait3A_125 = arith.constant 0 : i32
      %dma_wait3A_126 = tpu.memref_slice %arg8[%add3A_58, %dma_wait3A_125] : memref<262144x32xf32, #tpu.memory_space<hbm>> -> memref<1024x32xf32, #tpu.memory_space<hbm>>
      tpu.wait_dma2 semaphore(%run_scoped3A : memref<!tpu.dma_semaphore, #tpu.memory_space<semaphore_mem>>) src(%arg12 : memref<1024x32xf32, #tpu.memory_space<vmem>>) dst(%dma_wait3A_126 : memref<1024x32xf32, #tpu.memory_space<hbm>>)
      tpu.yield
    }) : () -> ()
    "tpu.region"() ({
      %run_scoped3A = tpu.sem_alloc : memref<!tpu.dma_semaphore, #tpu.memory_space<semaphore_mem>>
      %dma_start3A_119 = arith.constant 0 : i32
      %dma_start3A_120 = tpu.memref_slice %arg9[%add3A_58, %dma_start3A_119] : memref<262144x32xf32, #tpu.memory_space<hbm>> -> memref<1024x32xf32, #tpu.memory_space<hbm>>
      %dma_start3A_121 = arith.constant 0 : i32
      %dma_start3A_122 = tpu.memref_slice %arg9[%add3A_58, %dma_start3A_121] : memref<262144x32xf32, #tpu.memory_space<hbm>> -> memref<1024x32xf32, #tpu.memory_space<hbm>>
      tpu.enqueue_dma source(%arg14 : memref<1024x32xf32, #tpu.memory_space<vmem>>) target(%dma_start3A_122 : memref<1024x32xf32, #tpu.memory_space<hbm>>) target_semaphore(%run_scoped3A : memref<!tpu.dma_semaphore, #tpu.memory_space<semaphore_mem>>)
      %dma_wait3A_123 = arith.constant 0 : i32
      %dma_wait3A_124 = tpu.memref_slice %arg9[%add3A_58, %dma_wait3A_123] : memref<262144x32xf32, #tpu.memory_space<hbm>> -> memref<1024x32xf32, #tpu.memory_space<hbm>>
      %dma_wait3A_125 = arith.constant 0 : i32
      %dma_wait3A_126 = tpu.memref_slice %arg9[%add3A_58, %dma_wait3A_125] : memref<262144x32xf32, #tpu.memory_space<hbm>> -> memref<1024x32xf32, #tpu.memory_space<hbm>>
      tpu.wait_dma2 semaphore(%run_scoped3A : memref<!tpu.dma_semaphore, #tpu.memory_space<semaphore_mem>>) src(%arg14 : memref<1024x32xf32, #tpu.memory_space<vmem>>) dst(%dma_wait3A_126 : memref<1024x32xf32, #tpu.memory_space<hbm>>)
      tpu.yield
    }) : () -> ()
    %add3A_71 = arith.constant 5120 : i32
    %add3A_72 = arith.addi %mul3A_2, %add3A_71 : i32
    "tpu.region"() ({
      %run_scoped3A = tpu.sem_alloc : memref<!tpu.dma_semaphore, #tpu.memory_space<semaphore_mem>>
      %dma_start3A_119 = tpu.memref_slice %arg5[%add3A_72] : memref<262144xi32, #tpu.memory_space<hbm>> -> memref<1024xi32, #tpu.memory_space<hbm>>
      %dma_start3A_120 = tpu.memref_slice %arg5[%add3A_72] : memref<262144xi32, #tpu.memory_space<hbm>> -> memref<1024xi32, #tpu.memory_space<hbm>>
      tpu.enqueue_dma source(%dma_start3A_120 : memref<1024xi32, #tpu.memory_space<hbm>>) target(%arg11 : memref<1024xi32, #tpu.memory_space<vmem>>) target_semaphore(%run_scoped3A : memref<!tpu.dma_semaphore, #tpu.memory_space<semaphore_mem>>)
      %dma_wait3A_121 = tpu.memref_slice %arg5[%add3A_72] : memref<262144xi32, #tpu.memory_space<hbm>> -> memref<1024xi32, #tpu.memory_space<hbm>>
      %dma_wait3A_122 = tpu.memref_slice %arg5[%add3A_72] : memref<262144xi32, #tpu.memory_space<hbm>> -> memref<1024xi32, #tpu.memory_space<hbm>>
      tpu.wait_dma2 semaphore(%run_scoped3A : memref<!tpu.dma_semaphore, #tpu.memory_space<semaphore_mem>>) src(%dma_wait3A_122 : memref<1024xi32, #tpu.memory_space<hbm>>) dst(%arg11 : memref<1024xi32, #tpu.memory_space<vmem>>)
      tpu.yield
    }) : () -> ()
    "tpu.region"() ({
      %run_scoped3A = tpu.sem_alloc : memref<!tpu.dma_semaphore, #tpu.memory_space<semaphore_mem>>
      %dma_start3A_119 = tpu.memref_slice %arg6[%add3A_72] : memref<262144xi32, #tpu.memory_space<hbm>> -> memref<1024xi32, #tpu.memory_space<hbm>>
      %dma_start3A_120 = tpu.memref_slice %arg6[%add3A_72] : memref<262144xi32, #tpu.memory_space<hbm>> -> memref<1024xi32, #tpu.memory_space<hbm>>
      tpu.enqueue_dma source(%dma_start3A_120 : memref<1024xi32, #tpu.memory_space<hbm>>) target(%arg13 : memref<1024xi32, #tpu.memory_space<vmem>>) target_semaphore(%run_scoped3A : memref<!tpu.dma_semaphore, #tpu.memory_space<semaphore_mem>>)
      %dma_wait3A_121 = tpu.memref_slice %arg6[%add3A_72] : memref<262144xi32, #tpu.memory_space<hbm>> -> memref<1024xi32, #tpu.memory_space<hbm>>
      %dma_wait3A_122 = tpu.memref_slice %arg6[%add3A_72] : memref<262144xi32, #tpu.memory_space<hbm>> -> memref<1024xi32, #tpu.memory_space<hbm>>
      tpu.wait_dma2 semaphore(%run_scoped3A : memref<!tpu.dma_semaphore, #tpu.memory_space<semaphore_mem>>) src(%dma_wait3A_122 : memref<1024xi32, #tpu.memory_space<hbm>>) dst(%arg13 : memref<1024xi32, #tpu.memory_space<vmem>>)
      tpu.yield
    }) : () -> ()
    %dma_start3A_73 = arith.constant 0 : i32
    %dma_start3A_74 = arith.constant 0 : i32
    %dma_start3A_75 = tpu.memref_slice %arg2[%dma_start3A_73, %dma_start3A_74] : memref<100000x32xf32, #tpu.memory_space<hbm>> -> memref<100000x32xf32, #tpu.memory_space<hbm>>
    tpu.enqueue_indirect_dma source(%dma_start3A_75 : memref<100000x32xf32, #tpu.memory_space<hbm>>) target(%arg12 : memref<1024x32xf32, #tpu.memory_space<vmem>>) offsets(%arg11 : memref<1024xi32, #tpu.memory_space<vmem>>) semaphore(%arg17 : memref<!tpu.dma_semaphore, #tpu.memory_space<semaphore_mem>>)
    %dma_start3A_76 = arith.constant 0 : i32
    %dma_start3A_77 = arith.constant 0 : i32
    %dma_start3A_78 = tpu.memref_slice %arg3[%dma_start3A_76, %dma_start3A_77] : memref<1000x32xf32, #tpu.memory_space<hbm>> -> memref<1000x32xf32, #tpu.memory_space<hbm>>
    tpu.enqueue_indirect_dma source(%dma_start3A_78 : memref<1000x32xf32, #tpu.memory_space<hbm>>) target(%arg14 : memref<1024x32xf32, #tpu.memory_space<vmem>>) offsets(%arg13 : memref<1024xi32, #tpu.memory_space<vmem>>) semaphore(%arg17 : memref<!tpu.dma_semaphore, #tpu.memory_space<semaphore_mem>>)
    %dma_wait3A_79 = arith.constant 0 : i32
    %dma_wait3A_80 = arith.constant 0 : i32
    %dma_wait3A_81 = tpu.memref_slice %arg2[%dma_wait3A_79, %dma_wait3A_80] : memref<100000x32xf32, #tpu.memory_space<hbm>> -> memref<100000x32xf32, #tpu.memory_space<hbm>>
    tpu.wait_indirect_dma semaphore(%arg17 : memref<!tpu.dma_semaphore, #tpu.memory_space<semaphore_mem>>) src(%dma_wait3A_81 : memref<100000x32xf32, #tpu.memory_space<hbm>>) dst(%arg12 : memref<1024x32xf32, #tpu.memory_space<vmem>>)
    %dma_wait3A_82 = arith.constant 0 : i32
    %dma_wait3A_83 = arith.constant 0 : i32
    %dma_wait3A_84 = tpu.memref_slice %arg3[%dma_wait3A_82, %dma_wait3A_83] : memref<1000x32xf32, #tpu.memory_space<hbm>> -> memref<1000x32xf32, #tpu.memory_space<hbm>>
    tpu.wait_indirect_dma semaphore(%arg17 : memref<!tpu.dma_semaphore, #tpu.memory_space<semaphore_mem>>) src(%dma_wait3A_84 : memref<1000x32xf32, #tpu.memory_space<hbm>>) dst(%arg14 : memref<1024x32xf32, #tpu.memory_space<vmem>>)
    "tpu.region"() ({
      %run_scoped3A = tpu.sem_alloc : memref<!tpu.dma_semaphore, #tpu.memory_space<semaphore_mem>>
      %dma_start3A_119 = arith.constant 0 : i32
      %dma_start3A_120 = tpu.memref_slice %arg8[%add3A_72, %dma_start3A_119] : memref<262144x32xf32, #tpu.memory_space<hbm>> -> memref<1024x32xf32, #tpu.memory_space<hbm>>
      %dma_start3A_121 = arith.constant 0 : i32
      %dma_start3A_122 = tpu.memref_slice %arg8[%add3A_72, %dma_start3A_121] : memref<262144x32xf32, #tpu.memory_space<hbm>> -> memref<1024x32xf32, #tpu.memory_space<hbm>>
      tpu.enqueue_dma source(%arg12 : memref<1024x32xf32, #tpu.memory_space<vmem>>) target(%dma_start3A_122 : memref<1024x32xf32, #tpu.memory_space<hbm>>) target_semaphore(%run_scoped3A : memref<!tpu.dma_semaphore, #tpu.memory_space<semaphore_mem>>)
      %dma_wait3A_123 = arith.constant 0 : i32
      %dma_wait3A_124 = tpu.memref_slice %arg8[%add3A_72, %dma_wait3A_123] : memref<262144x32xf32, #tpu.memory_space<hbm>> -> memref<1024x32xf32, #tpu.memory_space<hbm>>
      %dma_wait3A_125 = arith.constant 0 : i32
      %dma_wait3A_126 = tpu.memref_slice %arg8[%add3A_72, %dma_wait3A_125] : memref<262144x32xf32, #tpu.memory_space<hbm>> -> memref<1024x32xf32, #tpu.memory_space<hbm>>
      tpu.wait_dma2 semaphore(%run_scoped3A : memref<!tpu.dma_semaphore, #tpu.memory_space<semaphore_mem>>) src(%arg12 : memref<1024x32xf32, #tpu.memory_space<vmem>>) dst(%dma_wait3A_126 : memref<1024x32xf32, #tpu.memory_space<hbm>>)
      tpu.yield
    }) : () -> ()
    "tpu.region"() ({
      %run_scoped3A = tpu.sem_alloc : memref<!tpu.dma_semaphore, #tpu.memory_space<semaphore_mem>>
      %dma_start3A_119 = arith.constant 0 : i32
      %dma_start3A_120 = tpu.memref_slice %arg9[%add3A_72, %dma_start3A_119] : memref<262144x32xf32, #tpu.memory_space<hbm>> -> memref<1024x32xf32, #tpu.memory_space<hbm>>
      %dma_start3A_121 = arith.constant 0 : i32
      %dma_start3A_122 = tpu.memref_slice %arg9[%add3A_72, %dma_start3A_121] : memref<262144x32xf32, #tpu.memory_space<hbm>> -> memref<1024x32xf32, #tpu.memory_space<hbm>>
      tpu.enqueue_dma source(%arg14 : memref<1024x32xf32, #tpu.memory_space<vmem>>) target(%dma_start3A_122 : memref<1024x32xf32, #tpu.memory_space<hbm>>) target_semaphore(%run_scoped3A : memref<!tpu.dma_semaphore, #tpu.memory_space<semaphore_mem>>)
      %dma_wait3A_123 = arith.constant 0 : i32
      %dma_wait3A_124 = tpu.memref_slice %arg9[%add3A_72, %dma_wait3A_123] : memref<262144x32xf32, #tpu.memory_space<hbm>> -> memref<1024x32xf32, #tpu.memory_space<hbm>>
      %dma_wait3A_125 = arith.constant 0 : i32
      %dma_wait3A_126 = tpu.memref_slice %arg9[%add3A_72, %dma_wait3A_125] : memref<262144x32xf32, #tpu.memory_space<hbm>> -> memref<1024x32xf32, #tpu.memory_space<hbm>>
      tpu.wait_dma2 semaphore(%run_scoped3A : memref<!tpu.dma_semaphore, #tpu.memory_space<semaphore_mem>>) src(%arg14 : memref<1024x32xf32, #tpu.memory_space<vmem>>) dst(%dma_wait3A_126 : memref<1024x32xf32, #tpu.memory_space<hbm>>)
      tpu.yield
    }) : () -> ()
    %add3A_85 = arith.constant 6144 : i32
    %add3A_86 = arith.addi %mul3A_2, %add3A_85 : i32
    "tpu.region"() ({
      %run_scoped3A = tpu.sem_alloc : memref<!tpu.dma_semaphore, #tpu.memory_space<semaphore_mem>>
      %dma_start3A_119 = tpu.memref_slice %arg5[%add3A_86] : memref<262144xi32, #tpu.memory_space<hbm>> -> memref<1024xi32, #tpu.memory_space<hbm>>
      %dma_start3A_120 = tpu.memref_slice %arg5[%add3A_86] : memref<262144xi32, #tpu.memory_space<hbm>> -> memref<1024xi32, #tpu.memory_space<hbm>>
      tpu.enqueue_dma source(%dma_start3A_120 : memref<1024xi32, #tpu.memory_space<hbm>>) target(%arg11 : memref<1024xi32, #tpu.memory_space<vmem>>) target_semaphore(%run_scoped3A : memref<!tpu.dma_semaphore, #tpu.memory_space<semaphore_mem>>)
      %dma_wait3A_121 = tpu.memref_slice %arg5[%add3A_86] : memref<262144xi32, #tpu.memory_space<hbm>> -> memref<1024xi32, #tpu.memory_space<hbm>>
      %dma_wait3A_122 = tpu.memref_slice %arg5[%add3A_86] : memref<262144xi32, #tpu.memory_space<hbm>> -> memref<1024xi32, #tpu.memory_space<hbm>>
      tpu.wait_dma2 semaphore(%run_scoped3A : memref<!tpu.dma_semaphore, #tpu.memory_space<semaphore_mem>>) src(%dma_wait3A_122 : memref<1024xi32, #tpu.memory_space<hbm>>) dst(%arg11 : memref<1024xi32, #tpu.memory_space<vmem>>)
      tpu.yield
    }) : () -> ()
    "tpu.region"() ({
      %run_scoped3A = tpu.sem_alloc : memref<!tpu.dma_semaphore, #tpu.memory_space<semaphore_mem>>
      %dma_start3A_119 = tpu.memref_slice %arg6[%add3A_86] : memref<262144xi32, #tpu.memory_space<hbm>> -> memref<1024xi32, #tpu.memory_space<hbm>>
      %dma_start3A_120 = tpu.memref_slice %arg6[%add3A_86] : memref<262144xi32, #tpu.memory_space<hbm>> -> memref<1024xi32, #tpu.memory_space<hbm>>
      tpu.enqueue_dma source(%dma_start3A_120 : memref<1024xi32, #tpu.memory_space<hbm>>) target(%arg13 : memref<1024xi32, #tpu.memory_space<vmem>>) target_semaphore(%run_scoped3A : memref<!tpu.dma_semaphore, #tpu.memory_space<semaphore_mem>>)
      %dma_wait3A_121 = tpu.memref_slice %arg6[%add3A_86] : memref<262144xi32, #tpu.memory_space<hbm>> -> memref<1024xi32, #tpu.memory_space<hbm>>
      %dma_wait3A_122 = tpu.memref_slice %arg6[%add3A_86] : memref<262144xi32, #tpu.memory_space<hbm>> -> memref<1024xi32, #tpu.memory_space<hbm>>
      tpu.wait_dma2 semaphore(%run_scoped3A : memref<!tpu.dma_semaphore, #tpu.memory_space<semaphore_mem>>) src(%dma_wait3A_122 : memref<1024xi32, #tpu.memory_space<hbm>>) dst(%arg13 : memref<1024xi32, #tpu.memory_space<vmem>>)
      tpu.yield
    }) : () -> ()
    %dma_start3A_87 = arith.constant 0 : i32
    %dma_start3A_88 = arith.constant 0 : i32
    %dma_start3A_89 = tpu.memref_slice %arg2[%dma_start3A_87, %dma_start3A_88] : memref<100000x32xf32, #tpu.memory_space<hbm>> -> memref<100000x32xf32, #tpu.memory_space<hbm>>
    tpu.enqueue_indirect_dma source(%dma_start3A_89 : memref<100000x32xf32, #tpu.memory_space<hbm>>) target(%arg12 : memref<1024x32xf32, #tpu.memory_space<vmem>>) offsets(%arg11 : memref<1024xi32, #tpu.memory_space<vmem>>) semaphore(%arg17 : memref<!tpu.dma_semaphore, #tpu.memory_space<semaphore_mem>>)
    %dma_start3A_90 = arith.constant 0 : i32
    %dma_start3A_91 = arith.constant 0 : i32
    %dma_start3A_92 = tpu.memref_slice %arg3[%dma_start3A_90, %dma_start3A_91] : memref<1000x32xf32, #tpu.memory_space<hbm>> -> memref<1000x32xf32, #tpu.memory_space<hbm>>
    tpu.enqueue_indirect_dma source(%dma_start3A_92 : memref<1000x32xf32, #tpu.memory_space<hbm>>) target(%arg14 : memref<1024x32xf32, #tpu.memory_space<vmem>>) offsets(%arg13 : memref<1024xi32, #tpu.memory_space<vmem>>) semaphore(%arg17 : memref<!tpu.dma_semaphore, #tpu.memory_space<semaphore_mem>>)
    %dma_wait3A_93 = arith.constant 0 : i32
    %dma_wait3A_94 = arith.constant 0 : i32
    %dma_wait3A_95 = tpu.memref_slice %arg2[%dma_wait3A_93, %dma_wait3A_94] : memref<100000x32xf32, #tpu.memory_space<hbm>> -> memref<100000x32xf32, #tpu.memory_space<hbm>>
    tpu.wait_indirect_dma semaphore(%arg17 : memref<!tpu.dma_semaphore, #tpu.memory_space<semaphore_mem>>) src(%dma_wait3A_95 : memref<100000x32xf32, #tpu.memory_space<hbm>>) dst(%arg12 : memref<1024x32xf32, #tpu.memory_space<vmem>>)
    %dma_wait3A_96 = arith.constant 0 : i32
    %dma_wait3A_97 = arith.constant 0 : i32
    %dma_wait3A_98 = tpu.memref_slice %arg3[%dma_wait3A_96, %dma_wait3A_97] : memref<1000x32xf32, #tpu.memory_space<hbm>> -> memref<1000x32xf32, #tpu.memory_space<hbm>>
    tpu.wait_indirect_dma semaphore(%arg17 : memref<!tpu.dma_semaphore, #tpu.memory_space<semaphore_mem>>) src(%dma_wait3A_98 : memref<1000x32xf32, #tpu.memory_space<hbm>>) dst(%arg14 : memref<1024x32xf32, #tpu.memory_space<vmem>>)
    "tpu.region"() ({
      %run_scoped3A = tpu.sem_alloc : memref<!tpu.dma_semaphore, #tpu.memory_space<semaphore_mem>>
      %dma_start3A_119 = arith.constant 0 : i32
      %dma_start3A_120 = tpu.memref_slice %arg8[%add3A_86, %dma_start3A_119] : memref<262144x32xf32, #tpu.memory_space<hbm>> -> memref<1024x32xf32, #tpu.memory_space<hbm>>
      %dma_start3A_121 = arith.constant 0 : i32
      %dma_start3A_122 = tpu.memref_slice %arg8[%add3A_86, %dma_start3A_121] : memref<262144x32xf32, #tpu.memory_space<hbm>> -> memref<1024x32xf32, #tpu.memory_space<hbm>>
      tpu.enqueue_dma source(%arg12 : memref<1024x32xf32, #tpu.memory_space<vmem>>) target(%dma_start3A_122 : memref<1024x32xf32, #tpu.memory_space<hbm>>) target_semaphore(%run_scoped3A : memref<!tpu.dma_semaphore, #tpu.memory_space<semaphore_mem>>)
      %dma_wait3A_123 = arith.constant 0 : i32
      %dma_wait3A_124 = tpu.memref_slice %arg8[%add3A_86, %dma_wait3A_123] : memref<262144x32xf32, #tpu.memory_space<hbm>> -> memref<1024x32xf32, #tpu.memory_space<hbm>>
      %dma_wait3A_125 = arith.constant 0 : i32
      %dma_wait3A_126 = tpu.memref_slice %arg8[%add3A_86, %dma_wait3A_125] : memref<262144x32xf32, #tpu.memory_space<hbm>> -> memref<1024x32xf32, #tpu.memory_space<hbm>>
      tpu.wait_dma2 semaphore(%run_scoped3A : memref<!tpu.dma_semaphore, #tpu.memory_space<semaphore_mem>>) src(%arg12 : memref<1024x32xf32, #tpu.memory_space<vmem>>) dst(%dma_wait3A_126 : memref<1024x32xf32, #tpu.memory_space<hbm>>)
      tpu.yield
    }) : () -> ()
    "tpu.region"() ({
      %run_scoped3A = tpu.sem_alloc : memref<!tpu.dma_semaphore, #tpu.memory_space<semaphore_mem>>
      %dma_start3A_119 = arith.constant 0 : i32
      %dma_start3A_120 = tpu.memref_slice %arg9[%add3A_86, %dma_start3A_119] : memref<262144x32xf32, #tpu.memory_space<hbm>> -> memref<1024x32xf32, #tpu.memory_space<hbm>>
      %dma_start3A_121 = arith.constant 0 : i32
      %dma_start3A_122 = tpu.memref_slice %arg9[%add3A_86, %dma_start3A_121] : memref<262144x32xf32, #tpu.memory_space<hbm>> -> memref<1024x32xf32, #tpu.memory_space<hbm>>
      tpu.enqueue_dma source(%arg14 : memref<1024x32xf32, #tpu.memory_space<vmem>>) target(%dma_start3A_122 : memref<1024x32xf32, #tpu.memory_space<hbm>>) target_semaphore(%run_scoped3A : memref<!tpu.dma_semaphore, #tpu.memory_space<semaphore_mem>>)
      %dma_wait3A_123 = arith.constant 0 : i32
      %dma_wait3A_124 = tpu.memref_slice %arg9[%add3A_86, %dma_wait3A_123] : memref<262144x32xf32, #tpu.memory_space<hbm>> -> memref<1024x32xf32, #tpu.memory_space<hbm>>
      %dma_wait3A_125 = arith.constant 0 : i32
      %dma_wait3A_126 = tpu.memref_slice %arg9[%add3A_86, %dma_wait3A_125] : memref<262144x32xf32, #tpu.memory_space<hbm>> -> memref<1024x32xf32, #tpu.memory_space<hbm>>
      tpu.wait_dma2 semaphore(%run_scoped3A : memref<!tpu.dma_semaphore, #tpu.memory_space<semaphore_mem>>) src(%arg14 : memref<1024x32xf32, #tpu.memory_space<vmem>>) dst(%dma_wait3A_126 : memref<1024x32xf32, #tpu.memory_space<hbm>>)
      tpu.yield
    }) : () -> ()
    %add3A_99 = arith.constant 7168 : i32
    %add3A_100 = arith.addi %mul3A_2, %add3A_99 : i32
    "tpu.region"() ({
      %run_scoped3A = tpu.sem_alloc : memref<!tpu.dma_semaphore, #tpu.memory_space<semaphore_mem>>
      %dma_start3A_119 = tpu.memref_slice %arg5[%add3A_100] : memref<262144xi32, #tpu.memory_space<hbm>> -> memref<1024xi32, #tpu.memory_space<hbm>>
      %dma_start3A_120 = tpu.memref_slice %arg5[%add3A_100] : memref<262144xi32, #tpu.memory_space<hbm>> -> memref<1024xi32, #tpu.memory_space<hbm>>
      tpu.enqueue_dma source(%dma_start3A_120 : memref<1024xi32, #tpu.memory_space<hbm>>) target(%arg11 : memref<1024xi32, #tpu.memory_space<vmem>>) target_semaphore(%run_scoped3A : memref<!tpu.dma_semaphore, #tpu.memory_space<semaphore_mem>>)
      %dma_wait3A_121 = tpu.memref_slice %arg5[%add3A_100] : memref<262144xi32, #tpu.memory_space<hbm>> -> memref<1024xi32, #tpu.memory_space<hbm>>
      %dma_wait3A_122 = tpu.memref_slice %arg5[%add3A_100] : memref<262144xi32, #tpu.memory_space<hbm>> -> memref<1024xi32, #tpu.memory_space<hbm>>
      tpu.wait_dma2 semaphore(%run_scoped3A : memref<!tpu.dma_semaphore, #tpu.memory_space<semaphore_mem>>) src(%dma_wait3A_122 : memref<1024xi32, #tpu.memory_space<hbm>>) dst(%arg11 : memref<1024xi32, #tpu.memory_space<vmem>>)
      tpu.yield
    }) : () -> ()
    "tpu.region"() ({
      %run_scoped3A = tpu.sem_alloc : memref<!tpu.dma_semaphore, #tpu.memory_space<semaphore_mem>>
      %dma_start3A_119 = tpu.memref_slice %arg6[%add3A_100] : memref<262144xi32, #tpu.memory_space<hbm>> -> memref<1024xi32, #tpu.memory_space<hbm>>
      %dma_start3A_120 = tpu.memref_slice %arg6[%add3A_100] : memref<262144xi32, #tpu.memory_space<hbm>> -> memref<1024xi32, #tpu.memory_space<hbm>>
      tpu.enqueue_dma source(%dma_start3A_120 : memref<1024xi32, #tpu.memory_space<hbm>>) target(%arg13 : memref<1024xi32, #tpu.memory_space<vmem>>) target_semaphore(%run_scoped3A : memref<!tpu.dma_semaphore, #tpu.memory_space<semaphore_mem>>)
      %dma_wait3A_121 = tpu.memref_slice %arg6[%add3A_100] : memref<262144xi32, #tpu.memory_space<hbm>> -> memref<1024xi32, #tpu.memory_space<hbm>>
      %dma_wait3A_122 = tpu.memref_slice %arg6[%add3A_100] : memref<262144xi32, #tpu.memory_space<hbm>> -> memref<1024xi32, #tpu.memory_space<hbm>>
      tpu.wait_dma2 semaphore(%run_scoped3A : memref<!tpu.dma_semaphore, #tpu.memory_space<semaphore_mem>>) src(%dma_wait3A_122 : memref<1024xi32, #tpu.memory_space<hbm>>) dst(%arg13 : memref<1024xi32, #tpu.memory_space<vmem>>)
      tpu.yield
    }) : () -> ()
    %dma_start3A_101 = arith.constant 0 : i32
    %dma_start3A_102 = arith.constant 0 : i32
    %dma_start3A_103 = tpu.memref_slice %arg2[%dma_start3A_101, %dma_start3A_102] : memref<100000x32xf32, #tpu.memory_space<hbm>> -> memref<100000x32xf32, #tpu.memory_space<hbm>>
    tpu.enqueue_indirect_dma source(%dma_start3A_103 : memref<100000x32xf32, #tpu.memory_space<hbm>>) target(%arg12 : memref<1024x32xf32, #tpu.memory_space<vmem>>) offsets(%arg11 : memref<1024xi32, #tpu.memory_space<vmem>>) semaphore(%arg17 : memref<!tpu.dma_semaphore, #tpu.memory_space<semaphore_mem>>)
    %dma_start3A_104 = arith.constant 0 : i32
    %dma_start3A_105 = arith.constant 0 : i32
    %dma_start3A_106 = tpu.memref_slice %arg3[%dma_start3A_104, %dma_start3A_105] : memref<1000x32xf32, #tpu.memory_space<hbm>> -> memref<1000x32xf32, #tpu.memory_space<hbm>>
    tpu.enqueue_indirect_dma source(%dma_start3A_106 : memref<1000x32xf32, #tpu.memory_space<hbm>>) target(%arg14 : memref<1024x32xf32, #tpu.memory_space<vmem>>) offsets(%arg13 : memref<1024xi32, #tpu.memory_space<vmem>>) semaphore(%arg17 : memref<!tpu.dma_semaphore, #tpu.memory_space<semaphore_mem>>)
    %dma_wait3A_107 = arith.constant 0 : i32
    %dma_wait3A_108 = arith.constant 0 : i32
    %dma_wait3A_109 = tpu.memref_slice %arg2[%dma_wait3A_107, %dma_wait3A_108] : memref<100000x32xf32, #tpu.memory_space<hbm>> -> memref<100000x32xf32, #tpu.memory_space<hbm>>
    tpu.wait_indirect_dma semaphore(%arg17 : memref<!tpu.dma_semaphore, #tpu.memory_space<semaphore_mem>>) src(%dma_wait3A_109 : memref<100000x32xf32, #tpu.memory_space<hbm>>) dst(%arg12 : memref<1024x32xf32, #tpu.memory_space<vmem>>)
    %dma_wait3A_110 = arith.constant 0 : i32
    %dma_wait3A_111 = arith.constant 0 : i32
    %dma_wait3A_112 = tpu.memref_slice %arg3[%dma_wait3A_110, %dma_wait3A_111] : memref<1000x32xf32, #tpu.memory_space<hbm>> -> memref<1000x32xf32, #tpu.memory_space<hbm>>
    tpu.wait_indirect_dma semaphore(%arg17 : memref<!tpu.dma_semaphore, #tpu.memory_space<semaphore_mem>>) src(%dma_wait3A_112 : memref<1000x32xf32, #tpu.memory_space<hbm>>) dst(%arg14 : memref<1024x32xf32, #tpu.memory_space<vmem>>)
    "tpu.region"() ({
      %run_scoped3A = tpu.sem_alloc : memref<!tpu.dma_semaphore, #tpu.memory_space<semaphore_mem>>
      %dma_start3A_119 = arith.constant 0 : i32
      %dma_start3A_120 = tpu.memref_slice %arg8[%add3A_100, %dma_start3A_119] : memref<262144x32xf32, #tpu.memory_space<hbm>> -> memref<1024x32xf32, #tpu.memory_space<hbm>>
      %dma_start3A_121 = arith.constant 0 : i32
      %dma_start3A_122 = tpu.memref_slice %arg8[%add3A_100, %dma_start3A_121] : memref<262144x32xf32, #tpu.memory_space<hbm>> -> memref<1024x32xf32, #tpu.memory_space<hbm>>
      tpu.enqueue_dma source(%arg12 : memref<1024x32xf32, #tpu.memory_space<vmem>>) target(%dma_start3A_122 : memref<1024x32xf32, #tpu.memory_space<hbm>>) target_semaphore(%run_scoped3A : memref<!tpu.dma_semaphore, #tpu.memory_space<semaphore_mem>>)
      %dma_wait3A_123 = arith.constant 0 : i32
      %dma_wait3A_124 = tpu.memref_slice %arg8[%add3A_100, %dma_wait3A_123] : memref<262144x32xf32, #tpu.memory_space<hbm>> -> memref<1024x32xf32, #tpu.memory_space<hbm>>
      %dma_wait3A_125 = arith.constant 0 : i32
      %dma_wait3A_126 = tpu.memref_slice %arg8[%add3A_100, %dma_wait3A_125] : memref<262144x32xf32, #tpu.memory_space<hbm>> -> memref<1024x32xf32, #tpu.memory_space<hbm>>
      tpu.wait_dma2 semaphore(%run_scoped3A : memref<!tpu.dma_semaphore, #tpu.memory_space<semaphore_mem>>) src(%arg12 : memref<1024x32xf32, #tpu.memory_space<vmem>>) dst(%dma_wait3A_126 : memref<1024x32xf32, #tpu.memory_space<hbm>>)
      tpu.yield
    }) : () -> ()
    "tpu.region"() ({
      %run_scoped3A = tpu.sem_alloc : memref<!tpu.dma_semaphore, #tpu.memory_space<semaphore_mem>>
      %dma_start3A_119 = arith.constant 0 : i32
      %dma_start3A_120 = tpu.memref_slice %arg9[%add3A_100, %dma_start3A_119] : memref<262144x32xf32, #tpu.memory_space<hbm>> -> memref<1024x32xf32, #tpu.memory_space<hbm>>
      %dma_start3A_121 = arith.constant 0 : i32
      %dma_start3A_122 = tpu.memref_slice %arg9[%add3A_100, %dma_start3A_121] : memref<262144x32xf32, #tpu.memory_space<hbm>> -> memref<1024x32xf32, #tpu.memory_space<hbm>>
      tpu.enqueue_dma source(%arg14 : memref<1024x32xf32, #tpu.memory_space<vmem>>) target(%dma_start3A_122 : memref<1024x32xf32, #tpu.memory_space<hbm>>) target_semaphore(%run_scoped3A : memref<!tpu.dma_semaphore, #tpu.memory_space<semaphore_mem>>)
      %dma_wait3A_123 = arith.constant 0 : i32
      %dma_wait3A_124 = tpu.memref_slice %arg9[%add3A_100, %dma_wait3A_123] : memref<262144x32xf32, #tpu.memory_space<hbm>> -> memref<1024x32xf32, #tpu.memory_space<hbm>>
      %dma_wait3A_125 = arith.constant 0 : i32
      %dma_wait3A_126 = tpu.memref_slice %arg9[%add3A_100, %dma_wait3A_125] : memref<262144x32xf32, #tpu.memory_space<hbm>> -> memref<1024x32xf32, #tpu.memory_space<hbm>>
      tpu.wait_dma2 semaphore(%run_scoped3A : memref<!tpu.dma_semaphore, #tpu.memory_space<semaphore_mem>>) src(%arg14 : memref<1024x32xf32, #tpu.memory_space<vmem>>) dst(%dma_wait3A_126 : memref<1024x32xf32, #tpu.memory_space<hbm>>)
      tpu.yield
    }) : () -> ()
    %mul3A_113 = arith.constant 4096 : i32
    %mul3A_114 = arith.muli %add3A, %mul3A_113 : i32
    "tpu.region"() ({
      %run_scoped3A = tpu.sem_alloc : memref<!tpu.dma_semaphore, #tpu.memory_space<semaphore_mem>>
      %dma_start3A_119 = tpu.memref_slice %arg7[%mul3A_114] : memref<131072xi32, #tpu.memory_space<hbm>> -> memref<4096xi32, #tpu.memory_space<hbm>>
      %dma_start3A_120 = tpu.memref_slice %arg7[%mul3A_114] : memref<131072xi32, #tpu.memory_space<hbm>> -> memref<4096xi32, #tpu.memory_space<hbm>>
      tpu.enqueue_dma source(%dma_start3A_120 : memref<4096xi32, #tpu.memory_space<hbm>>) target(%arg15 : memref<4096xi32, #tpu.memory_space<vmem>>) target_semaphore(%run_scoped3A : memref<!tpu.dma_semaphore, #tpu.memory_space<semaphore_mem>>)
      %dma_wait3A_121 = tpu.memref_slice %arg7[%mul3A_114] : memref<131072xi32, #tpu.memory_space<hbm>> -> memref<4096xi32, #tpu.memory_space<hbm>>
      %dma_wait3A_122 = tpu.memref_slice %arg7[%mul3A_114] : memref<131072xi32, #tpu.memory_space<hbm>> -> memref<4096xi32, #tpu.memory_space<hbm>>
      tpu.wait_dma2 semaphore(%run_scoped3A : memref<!tpu.dma_semaphore, #tpu.memory_space<semaphore_mem>>) src(%dma_wait3A_122 : memref<4096xi32, #tpu.memory_space<hbm>>) dst(%arg15 : memref<4096xi32, #tpu.memory_space<vmem>>)
      tpu.yield
    }) : () -> ()
    %dma_start3A_115 = arith.constant 0 : i32
    %dma_start3A_116 = tpu.memref_slice %arg4[%dma_start3A_115] : memref<3200000xf32, #tpu.memory_space<hbm>> -> memref<3200000xf32, #tpu.memory_space<hbm>>
    tpu.enqueue_indirect_dma source(%dma_start3A_116 : memref<3200000xf32, #tpu.memory_space<hbm>>) target(%arg16 : memref<4096xf32, #tpu.memory_space<vmem>>) offsets(%arg15 : memref<4096xi32, #tpu.memory_space<vmem>>) semaphore(%arg18 : memref<!tpu.dma_semaphore, #tpu.memory_space<semaphore_mem>>)
    %dma_wait3A_117 = arith.constant 0 : i32
    %dma_wait3A_118 = tpu.memref_slice %arg4[%dma_wait3A_117] : memref<3200000xf32, #tpu.memory_space<hbm>> -> memref<3200000xf32, #tpu.memory_space<hbm>>
    tpu.wait_indirect_dma semaphore(%arg18 : memref<!tpu.dma_semaphore, #tpu.memory_space<semaphore_mem>>) src(%dma_wait3A_118 : memref<3200000xf32, #tpu.memory_space<hbm>>) dst(%arg16 : memref<4096xf32, #tpu.memory_space<vmem>>)
    "tpu.region"() ({
      %run_scoped3A = tpu.sem_alloc : memref<!tpu.dma_semaphore, #tpu.memory_space<semaphore_mem>>
      %dma_start3A_119 = tpu.memref_slice %arg10[%mul3A_114] : memref<131072xf32, #tpu.memory_space<hbm>> -> memref<4096xf32, #tpu.memory_space<hbm>>
      %dma_start3A_120 = tpu.memref_slice %arg10[%mul3A_114] : memref<131072xf32, #tpu.memory_space<hbm>> -> memref<4096xf32, #tpu.memory_space<hbm>>
      tpu.enqueue_dma source(%arg16 : memref<4096xf32, #tpu.memory_space<vmem>>) target(%dma_start3A_120 : memref<4096xf32, #tpu.memory_space<hbm>>) target_semaphore(%run_scoped3A : memref<!tpu.dma_semaphore, #tpu.memory_space<semaphore_mem>>)
      %dma_wait3A_121 = tpu.memref_slice %arg10[%mul3A_114] : memref<131072xf32, #tpu.memory_space<hbm>> -> memref<4096xf32, #tpu.memory_space<hbm>>
      %dma_wait3A_122 = tpu.memref_slice %arg10[%mul3A_114] : memref<131072xf32, #tpu.memory_space<hbm>> -> memref<4096xf32, #tpu.memory_space<hbm>>
      tpu.wait_dma2 semaphore(%run_scoped3A : memref<!tpu.dma_semaphore, #tpu.memory_space<semaphore_mem>>) src(%arg16 : memref<4096xf32, #tpu.memory_space<vmem>>) dst(%dma_wait3A_122 : memref<4096xf32, #tpu.memory_space<hbm>>)
      tpu.yield
    }) : () -> ()
    return
  }
}

module attributes {stable_mosaic.version = 14 : i64} {
  func.func @_att_body(%arg0: i32, %arg1: memref<2048x128xf32, #tpu.memory_space<vmem>>, %arg2: memref<2048x128xf32, #tpu.memory_space<vmem>>, %arg3: memref<32x128xf32, #tpu.memory_space<vmem>>, %arg4: memref<128x1xi32, #tpu.memory_space<vmem>>, %arg5: memref<32x80xf32, #tpu.memory_space<vmem>>, %arg6: memref<32x80xf32, #tpu.memory_space<vmem>>, %arg7: memref<32x80xf32, #tpu.memory_space<vmem>>, %arg8: memref<1x80xf32, #tpu.memory_space<vmem>>, %arg9: memref<80x40xf32, #tpu.memory_space<vmem>>, %arg10: memref<1x40xf32, #tpu.memory_space<vmem>>, %arg11: memref<40x8xf32, #tpu.memory_space<vmem>>, %arg12: memref<128x128xf32, #tpu.memory_space<vmem>>) attributes {dimension_semantics = [#tpu.dimension_semantics<arbitrary>], iteration_bounds = array<i64: 32>, scalar_prefetch = 0 : i64, scratch_operands = 0 : i64, tpu.core_type = #tpu.core_type<tc>, window_params = [{transform_indices = @transform_0, window_bounds = array<i64: 2048, 128>}, {transform_indices = @transform_1, window_bounds = array<i64: 2048, 128>}, {transform_indices = @transform_2, window_bounds = array<i64: 32, 128>}, {transform_indices = @transform_3, window_bounds = array<i64: 128, 1>}, {pipeline_mode = #tpu.pipeline_mode<synchronous>, transform_indices = @transform_4, window_bounds = array<i64: 32, 80>}, {pipeline_mode = #tpu.pipeline_mode<synchronous>, transform_indices = @transform_5, window_bounds = array<i64: 32, 80>}, {pipeline_mode = #tpu.pipeline_mode<synchronous>, transform_indices = @transform_6, window_bounds = array<i64: 32, 80>}, {pipeline_mode = #tpu.pipeline_mode<synchronous>, transform_indices = @transform_7, window_bounds = array<i64: 1, 80>}, {pipeline_mode = #tpu.pipeline_mode<synchronous>, transform_indices = @transform_8, window_bounds = array<i64: 80, 40>}, {pipeline_mode = #tpu.pipeline_mode<synchronous>, transform_indices = @transform_9, window_bounds = array<i64: 1, 40>}, {pipeline_mode = #tpu.pipeline_mode<synchronous>, transform_indices = @transform_10, window_bounds = array<i64: 40, 8>}, {transform_indices = @transform_11, window_bounds = array<i64: 128, 128>}]} {
    %get3A = arith.constant 0 : index
    %get3A_0 = arith.constant 0 : index
    %get3A_1 = vector.load %arg1[%get3A, %get3A_0] : memref<2048x128xf32, #tpu.memory_space<vmem>>, vector<2048x128xf32>
    %get3A_2 = arith.constant 0 : index
    %get3A_3 = arith.constant 0 : index
    %get3A_4 = vector.load %arg3[%get3A_2, %get3A_3] : memref<32x128xf32, #tpu.memory_space<vmem>>, vector<32x128xf32>
    %reshape3A = vector.shape_cast %get3A_4 : vector<32x128xf32> to vector<128x32xf32>
    %concatenate3A = tpu.concatenate %reshape3A, %reshape3A, %reshape3A, %reshape3A in 1 : vector<128x32xf32>, vector<128x32xf32>, vector<128x32xf32>, vector<128x32xf32> -> vector<128x128xf32>
    %reshape3A_5 = vector.shape_cast %get3A_1 : vector<2048x128xf32> to vector<128x16x128xf32>
    %broadcast_in_dim3A = vector.shape_cast %concatenate3A : vector<128x128xf32> to vector<128x1x128xf32>
    %mul3A = vector.broadcast %broadcast_in_dim3A : vector<128x1x128xf32> to vector<128x16x128xf32>
    %mul3A_6 = arith.mulf %reshape3A_5, %mul3A : vector<128x16x128xf32>
    %reshape3A_7 = vector.shape_cast %mul3A_6 : vector<128x16x128xf32> to vector<2048x128xf32>
    %get3A_8 = arith.constant 0 : index
    %get3A_9 = arith.constant 0 : index
    %get3A_10 = vector.load %arg5[%get3A_8, %get3A_9] : memref<32x80xf32, #tpu.memory_space<vmem>>, vector<32x80xf32>
    %dot_general3A = arith.constant dense<0.000000e+00> : vector<128x80xf32>
    %dot_general3A_11 = tpu.matmul %reshape3A, %get3A_10, %dot_general3A {dimension_numbers = #tpu.dot_dimension_numbers<[1], [0], [0], [1], [0, 0, 1, 1], [], []>, transpose_lhs_hint = false} : vector<128x32xf32>, vector<32x80xf32>, vector<128x80xf32> -> vector<128x80xf32>
    %get3A_12 = arith.constant 0 : index
    %get3A_13 = arith.constant 0 : index
    %get3A_14 = vector.load %arg8[%get3A_12, %get3A_13] : memref<1x80xf32, #tpu.memory_space<vmem>>, vector<1x80xf32>
    %add3A = vector.broadcast %get3A_14 : vector<1x80xf32> to vector<128x80xf32>
    %add3A_15 = arith.addf %dot_general3A_11, %add3A : vector<128x80xf32>
    %slice3A = vector.extract_strided_slice %get3A_1 {offsets = [0, 0], sizes = [2048, 32], strides = [1, 1]} : vector<2048x128xf32> to vector<2048x32xf32>
    %get3A_16 = arith.constant 0 : index
    %get3A_17 = arith.constant 0 : index
    %get3A_18 = vector.load %arg6[%get3A_16, %get3A_17] : memref<32x80xf32, #tpu.memory_space<vmem>>, vector<32x80xf32>
    %dot_general3A_19 = arith.constant dense<0.000000e+00> : vector<2048x80xf32>
    %dot_general3A_20 = tpu.matmul %slice3A, %get3A_18, %dot_general3A_19 {dimension_numbers = #tpu.dot_dimension_numbers<[1], [0], [0], [1], [0, 0, 1, 1], [], []>, transpose_lhs_hint = false} : vector<2048x32xf32>, vector<32x80xf32>, vector<2048x80xf32> -> vector<2048x80xf32>
    %slice3A_21 = vector.extract_strided_slice %reshape3A_7 {offsets = [0, 0], sizes = [2048, 32], strides = [1, 1]} : vector<2048x128xf32> to vector<2048x32xf32>
    %get3A_22 = arith.constant 0 : index
    %get3A_23 = arith.constant 0 : index
    %get3A_24 = vector.load %arg7[%get3A_22, %get3A_23] : memref<32x80xf32, #tpu.memory_space<vmem>>, vector<32x80xf32>
    %dot_general3A_25 = arith.constant dense<0.000000e+00> : vector<2048x80xf32>
    %dot_general3A_26 = tpu.matmul %slice3A_21, %get3A_24, %dot_general3A_25 {dimension_numbers = #tpu.dot_dimension_numbers<[1], [0], [0], [1], [0, 0, 1, 1], [], []>, transpose_lhs_hint = false} : vector<2048x32xf32>, vector<32x80xf32>, vector<2048x80xf32> -> vector<2048x80xf32>
    %add3A_27 = arith.addf %dot_general3A_20, %dot_general3A_26 : vector<2048x80xf32>
    %reshape3A_28 = vector.shape_cast %add3A_27 : vector<2048x80xf32> to vector<128x16x80xf32>
    %broadcast_in_dim3A_29 = vector.shape_cast %add3A_15 : vector<128x80xf32> to vector<128x1x80xf32>
    %add3A_30 = vector.broadcast %broadcast_in_dim3A_29 : vector<128x1x80xf32> to vector<128x16x80xf32>
    %add3A_31 = arith.addf %reshape3A_28, %add3A_30 : vector<128x16x80xf32>
    %max3A = arith.constant 0.000000e+00 : f32
    %max3A_32 = vector.broadcast %max3A : f32 to vector<128x16x80xf32>
    %max3A_33 = arith.maximumf %add3A_31, %max3A_32 : vector<128x16x80xf32>
    %reshape3A_34 = vector.shape_cast %max3A_33 : vector<128x16x80xf32> to vector<2048x80xf32>
    %get3A_35 = arith.constant 0 : index
    %get3A_36 = arith.constant 0 : index
    %get3A_37 = vector.load %arg9[%get3A_35, %get3A_36] : memref<80x40xf32, #tpu.memory_space<vmem>>, vector<80x40xf32>
    %dot_general3A_38 = arith.constant dense<0.000000e+00> : vector<2048x40xf32>
    %dot_general3A_39 = tpu.matmul %reshape3A_34, %get3A_37, %dot_general3A_38 {dimension_numbers = #tpu.dot_dimension_numbers<[1], [0], [0], [1], [0, 0, 1, 1], [], []>, transpose_lhs_hint = false} : vector<2048x80xf32>, vector<80x40xf32>, vector<2048x40xf32> -> vector<2048x40xf32>
    %get3A_40 = arith.constant 0 : index
    %get3A_41 = arith.constant 0 : index
    %get3A_42 = vector.load %arg10[%get3A_40, %get3A_41] : memref<1x40xf32, #tpu.memory_space<vmem>>, vector<1x40xf32>
    %add3A_43 = vector.broadcast %get3A_42 : vector<1x40xf32> to vector<2048x40xf32>
    %add3A_44 = arith.addf %dot_general3A_39, %add3A_43 : vector<2048x40xf32>
    %max3A_45 = arith.constant 0.000000e+00 : f32
    %max3A_46 = vector.broadcast %max3A_45 : f32 to vector<2048x40xf32>
    %max3A_47 = arith.maximumf %add3A_44, %max3A_46 : vector<2048x40xf32>
    %get3A_48 = arith.constant 0 : index
    %get3A_49 = arith.constant 0 : index
    %get3A_50 = vector.load %arg11[%get3A_48, %get3A_49] : memref<40x8xf32, #tpu.memory_space<vmem>>, vector<40x8xf32>
    %dot_general3A_51 = arith.constant dense<0.000000e+00> : vector<2048x8xf32>
    %dot_general3A_52 = tpu.matmul %max3A_47, %get3A_50, %dot_general3A_51 {dimension_numbers = #tpu.dot_dimension_numbers<[1], [0], [0], [1], [0, 0, 1, 1], [], []>, transpose_lhs_hint = false} : vector<2048x40xf32>, vector<40x8xf32>, vector<2048x8xf32> -> vector<2048x8xf32>
    %slice3A_53 = vector.extract_strided_slice %dot_general3A_52 {offsets = [0, 0], sizes = [2048, 1], strides = [1, 1]} : vector<2048x8xf32> to vector<2048x1xf32>
    %slice3A_54 = vector.extract_strided_slice %get3A_1 {offsets = [0, 32], sizes = [2048, 32], strides = [1, 1]} : vector<2048x128xf32> to vector<2048x32xf32>
    %get3A_55 = arith.constant 0 : index
    %get3A_56 = arith.constant 0 : index
    %get3A_57 = vector.load %arg6[%get3A_55, %get3A_56] : memref<32x80xf32, #tpu.memory_space<vmem>>, vector<32x80xf32>
    %dot_general3A_58 = arith.constant dense<0.000000e+00> : vector<2048x80xf32>
    %dot_general3A_59 = tpu.matmul %slice3A_54, %get3A_57, %dot_general3A_58 {dimension_numbers = #tpu.dot_dimension_numbers<[1], [0], [0], [1], [0, 0, 1, 1], [], []>, transpose_lhs_hint = false} : vector<2048x32xf32>, vector<32x80xf32>, vector<2048x80xf32> -> vector<2048x80xf32>
    %slice3A_60 = vector.extract_strided_slice %reshape3A_7 {offsets = [0, 32], sizes = [2048, 32], strides = [1, 1]} : vector<2048x128xf32> to vector<2048x32xf32>
    %get3A_61 = arith.constant 0 : index
    %get3A_62 = arith.constant 0 : index
    %get3A_63 = vector.load %arg7[%get3A_61, %get3A_62] : memref<32x80xf32, #tpu.memory_space<vmem>>, vector<32x80xf32>
    %dot_general3A_64 = arith.constant dense<0.000000e+00> : vector<2048x80xf32>
    %dot_general3A_65 = tpu.matmul %slice3A_60, %get3A_63, %dot_general3A_64 {dimension_numbers = #tpu.dot_dimension_numbers<[1], [0], [0], [1], [0, 0, 1, 1], [], []>, transpose_lhs_hint = false} : vector<2048x32xf32>, vector<32x80xf32>, vector<2048x80xf32> -> vector<2048x80xf32>
    %add3A_66 = arith.addf %dot_general3A_59, %dot_general3A_65 : vector<2048x80xf32>
    %reshape3A_67 = vector.shape_cast %add3A_66 : vector<2048x80xf32> to vector<128x16x80xf32>
    %broadcast_in_dim3A_68 = vector.shape_cast %add3A_15 : vector<128x80xf32> to vector<128x1x80xf32>
    %add3A_69 = vector.broadcast %broadcast_in_dim3A_68 : vector<128x1x80xf32> to vector<128x16x80xf32>
    %add3A_70 = arith.addf %reshape3A_67, %add3A_69 : vector<128x16x80xf32>
    %max3A_71 = arith.constant 0.000000e+00 : f32
    %max3A_72 = vector.broadcast %max3A_71 : f32 to vector<128x16x80xf32>
    %max3A_73 = arith.maximumf %add3A_70, %max3A_72 : vector<128x16x80xf32>
    %reshape3A_74 = vector.shape_cast %max3A_73 : vector<128x16x80xf32> to vector<2048x80xf32>
    %get3A_75 = arith.constant 0 : index
    %get3A_76 = arith.constant 0 : index
    %get3A_77 = vector.load %arg9[%get3A_75, %get3A_76] : memref<80x40xf32, #tpu.memory_space<vmem>>, vector<80x40xf32>
    %dot_general3A_78 = arith.constant dense<0.000000e+00> : vector<2048x40xf32>
    %dot_general3A_79 = tpu.matmul %reshape3A_74, %get3A_77, %dot_general3A_78 {dimension_numbers = #tpu.dot_dimension_numbers<[1], [0], [0], [1], [0, 0, 1, 1], [], []>, transpose_lhs_hint = false} : vector<2048x80xf32>, vector<80x40xf32>, vector<2048x40xf32> -> vector<2048x40xf32>
    %get3A_80 = arith.constant 0 : index
    %get3A_81 = arith.constant 0 : index
    %get3A_82 = vector.load %arg10[%get3A_80, %get3A_81] : memref<1x40xf32, #tpu.memory_space<vmem>>, vector<1x40xf32>
    %add3A_83 = vector.broadcast %get3A_82 : vector<1x40xf32> to vector<2048x40xf32>
    %add3A_84 = arith.addf %dot_general3A_79, %add3A_83 : vector<2048x40xf32>
    %max3A_85 = arith.constant 0.000000e+00 : f32
    %max3A_86 = vector.broadcast %max3A_85 : f32 to vector<2048x40xf32>
    %max3A_87 = arith.maximumf %add3A_84, %max3A_86 : vector<2048x40xf32>
    %get3A_88 = arith.constant 0 : index
    %get3A_89 = arith.constant 0 : index
    %get3A_90 = vector.load %arg11[%get3A_88, %get3A_89] : memref<40x8xf32, #tpu.memory_space<vmem>>, vector<40x8xf32>
    %dot_general3A_91 = arith.constant dense<0.000000e+00> : vector<2048x8xf32>
    %dot_general3A_92 = tpu.matmul %max3A_87, %get3A_90, %dot_general3A_91 {dimension_numbers = #tpu.dot_dimension_numbers<[1], [0], [0], [1], [0, 0, 1, 1], [], []>, transpose_lhs_hint = false} : vector<2048x40xf32>, vector<40x8xf32>, vector<2048x8xf32> -> vector<2048x8xf32>
    %slice3A_93 = vector.extract_strided_slice %dot_general3A_92 {offsets = [0, 0], sizes = [2048, 1], strides = [1, 1]} : vector<2048x8xf32> to vector<2048x1xf32>
    %slice3A_94 = vector.extract_strided_slice %get3A_1 {offsets = [0, 64], sizes = [2048, 32], strides = [1, 1]} : vector<2048x128xf32> to vector<2048x32xf32>
    %get3A_95 = arith.constant 0 : index
    %get3A_96 = arith.constant 0 : index
    %get3A_97 = vector.load %arg6[%get3A_95, %get3A_96] : memref<32x80xf32, #tpu.memory_space<vmem>>, vector<32x80xf32>
    %dot_general3A_98 = arith.constant dense<0.000000e+00> : vector<2048x80xf32>
    %dot_general3A_99 = tpu.matmul %slice3A_94, %get3A_97, %dot_general3A_98 {dimension_numbers = #tpu.dot_dimension_numbers<[1], [0], [0], [1], [0, 0, 1, 1], [], []>, transpose_lhs_hint = false} : vector<2048x32xf32>, vector<32x80xf32>, vector<2048x80xf32> -> vector<2048x80xf32>
    %slice3A_100 = vector.extract_strided_slice %reshape3A_7 {offsets = [0, 64], sizes = [2048, 32], strides = [1, 1]} : vector<2048x128xf32> to vector<2048x32xf32>
    %get3A_101 = arith.constant 0 : index
    %get3A_102 = arith.constant 0 : index
    %get3A_103 = vector.load %arg7[%get3A_101, %get3A_102] : memref<32x80xf32, #tpu.memory_space<vmem>>, vector<32x80xf32>
    %dot_general3A_104 = arith.constant dense<0.000000e+00> : vector<2048x80xf32>
    %dot_general3A_105 = tpu.matmul %slice3A_100, %get3A_103, %dot_general3A_104 {dimension_numbers = #tpu.dot_dimension_numbers<[1], [0], [0], [1], [0, 0, 1, 1], [], []>, transpose_lhs_hint = false} : vector<2048x32xf32>, vector<32x80xf32>, vector<2048x80xf32> -> vector<2048x80xf32>
    %add3A_106 = arith.addf %dot_general3A_99, %dot_general3A_105 : vector<2048x80xf32>
    %reshape3A_107 = vector.shape_cast %add3A_106 : vector<2048x80xf32> to vector<128x16x80xf32>
    %broadcast_in_dim3A_108 = vector.shape_cast %add3A_15 : vector<128x80xf32> to vector<128x1x80xf32>
    %add3A_109 = vector.broadcast %broadcast_in_dim3A_108 : vector<128x1x80xf32> to vector<128x16x80xf32>
    %add3A_110 = arith.addf %reshape3A_107, %add3A_109 : vector<128x16x80xf32>
    %max3A_111 = arith.constant 0.000000e+00 : f32
    %max3A_112 = vector.broadcast %max3A_111 : f32 to vector<128x16x80xf32>
    %max3A_113 = arith.maximumf %add3A_110, %max3A_112 : vector<128x16x80xf32>
    %reshape3A_114 = vector.shape_cast %max3A_113 : vector<128x16x80xf32> to vector<2048x80xf32>
    %get3A_115 = arith.constant 0 : index
    %get3A_116 = arith.constant 0 : index
    %get3A_117 = vector.load %arg9[%get3A_115, %get3A_116] : memref<80x40xf32, #tpu.memory_space<vmem>>, vector<80x40xf32>
    %dot_general3A_118 = arith.constant dense<0.000000e+00> : vector<2048x40xf32>
    %dot_general3A_119 = tpu.matmul %reshape3A_114, %get3A_117, %dot_general3A_118 {dimension_numbers = #tpu.dot_dimension_numbers<[1], [0], [0], [1], [0, 0, 1, 1], [], []>, transpose_lhs_hint = false} : vector<2048x80xf32>, vector<80x40xf32>, vector<2048x40xf32> -> vector<2048x40xf32>
    %get3A_120 = arith.constant 0 : index
    %get3A_121 = arith.constant 0 : index
    %get3A_122 = vector.load %arg10[%get3A_120, %get3A_121] : memref<1x40xf32, #tpu.memory_space<vmem>>, vector<1x40xf32>
    %add3A_123 = vector.broadcast %get3A_122 : vector<1x40xf32> to vector<2048x40xf32>
    %add3A_124 = arith.addf %dot_general3A_119, %add3A_123 : vector<2048x40xf32>
    %max3A_125 = arith.constant 0.000000e+00 : f32
    %max3A_126 = vector.broadcast %max3A_125 : f32 to vector<2048x40xf32>
    %max3A_127 = arith.maximumf %add3A_124, %max3A_126 : vector<2048x40xf32>
    %get3A_128 = arith.constant 0 : index
    %get3A_129 = arith.constant 0 : index
    %get3A_130 = vector.load %arg11[%get3A_128, %get3A_129] : memref<40x8xf32, #tpu.memory_space<vmem>>, vector<40x8xf32>
    %dot_general3A_131 = arith.constant dense<0.000000e+00> : vector<2048x8xf32>
    %dot_general3A_132 = tpu.matmul %max3A_127, %get3A_130, %dot_general3A_131 {dimension_numbers = #tpu.dot_dimension_numbers<[1], [0], [0], [1], [0, 0, 1, 1], [], []>, transpose_lhs_hint = false} : vector<2048x40xf32>, vector<40x8xf32>, vector<2048x8xf32> -> vector<2048x8xf32>
    %slice3A_133 = vector.extract_strided_slice %dot_general3A_132 {offsets = [0, 0], sizes = [2048, 1], strides = [1, 1]} : vector<2048x8xf32> to vector<2048x1xf32>
    %slice3A_134 = vector.extract_strided_slice %get3A_1 {offsets = [0, 96], sizes = [2048, 32], strides = [1, 1]} : vector<2048x128xf32> to vector<2048x32xf32>
    %get3A_135 = arith.constant 0 : index
    %get3A_136 = arith.constant 0 : index
    %get3A_137 = vector.load %arg6[%get3A_135, %get3A_136] : memref<32x80xf32, #tpu.memory_space<vmem>>, vector<32x80xf32>
    %dot_general3A_138 = arith.constant dense<0.000000e+00> : vector<2048x80xf32>
    %dot_general3A_139 = tpu.matmul %slice3A_134, %get3A_137, %dot_general3A_138 {dimension_numbers = #tpu.dot_dimension_numbers<[1], [0], [0], [1], [0, 0, 1, 1], [], []>, transpose_lhs_hint = false} : vector<2048x32xf32>, vector<32x80xf32>, vector<2048x80xf32> -> vector<2048x80xf32>
    %slice3A_140 = vector.extract_strided_slice %reshape3A_7 {offsets = [0, 96], sizes = [2048, 32], strides = [1, 1]} : vector<2048x128xf32> to vector<2048x32xf32>
    %get3A_141 = arith.constant 0 : index
    %get3A_142 = arith.constant 0 : index
    %get3A_143 = vector.load %arg7[%get3A_141, %get3A_142] : memref<32x80xf32, #tpu.memory_space<vmem>>, vector<32x80xf32>
    %dot_general3A_144 = arith.constant dense<0.000000e+00> : vector<2048x80xf32>
    %dot_general3A_145 = tpu.matmul %slice3A_140, %get3A_143, %dot_general3A_144 {dimension_numbers = #tpu.dot_dimension_numbers<[1], [0], [0], [1], [0, 0, 1, 1], [], []>, transpose_lhs_hint = false} : vector<2048x32xf32>, vector<32x80xf32>, vector<2048x80xf32> -> vector<2048x80xf32>
    %add3A_146 = arith.addf %dot_general3A_139, %dot_general3A_145 : vector<2048x80xf32>
    %reshape3A_147 = vector.shape_cast %add3A_146 : vector<2048x80xf32> to vector<128x16x80xf32>
    %broadcast_in_dim3A_148 = vector.shape_cast %add3A_15 : vector<128x80xf32> to vector<128x1x80xf32>
    %add3A_149 = vector.broadcast %broadcast_in_dim3A_148 : vector<128x1x80xf32> to vector<128x16x80xf32>
    %add3A_150 = arith.addf %reshape3A_147, %add3A_149 : vector<128x16x80xf32>
    %max3A_151 = arith.constant 0.000000e+00 : f32
    %max3A_152 = vector.broadcast %max3A_151 : f32 to vector<128x16x80xf32>
    %max3A_153 = arith.maximumf %add3A_150, %max3A_152 : vector<128x16x80xf32>
    %reshape3A_154 = vector.shape_cast %max3A_153 : vector<128x16x80xf32> to vector<2048x80xf32>
    %get3A_155 = arith.constant 0 : index
    %get3A_156 = arith.constant 0 : index
    %get3A_157 = vector.load %arg9[%get3A_155, %get3A_156] : memref<80x40xf32, #tpu.memory_space<vmem>>, vector<80x40xf32>
    %dot_general3A_158 = arith.constant dense<0.000000e+00> : vector<2048x40xf32>
    %dot_general3A_159 = tpu.matmul %reshape3A_154, %get3A_157, %dot_general3A_158 {dimension_numbers = #tpu.dot_dimension_numbers<[1], [0], [0], [1], [0, 0, 1, 1], [], []>, transpose_lhs_hint = false} : vector<2048x80xf32>, vector<80x40xf32>, vector<2048x40xf32> -> vector<2048x40xf32>
    %get3A_160 = arith.constant 0 : index
    %get3A_161 = arith.constant 0 : index
    %get3A_162 = vector.load %arg10[%get3A_160, %get3A_161] : memref<1x40xf32, #tpu.memory_space<vmem>>, vector<1x40xf32>
    %add3A_163 = vector.broadcast %get3A_162 : vector<1x40xf32> to vector<2048x40xf32>
    %add3A_164 = arith.addf %dot_general3A_159, %add3A_163 : vector<2048x40xf32>
    %max3A_165 = arith.constant 0.000000e+00 : f32
    %max3A_166 = vector.broadcast %max3A_165 : f32 to vector<2048x40xf32>
    %max3A_167 = arith.maximumf %add3A_164, %max3A_166 : vector<2048x40xf32>
    %get3A_168 = arith.constant 0 : index
    %get3A_169 = arith.constant 0 : index
    %get3A_170 = vector.load %arg11[%get3A_168, %get3A_169] : memref<40x8xf32, #tpu.memory_space<vmem>>, vector<40x8xf32>
    %dot_general3A_171 = arith.constant dense<0.000000e+00> : vector<2048x8xf32>
    %dot_general3A_172 = tpu.matmul %max3A_167, %get3A_170, %dot_general3A_171 {dimension_numbers = #tpu.dot_dimension_numbers<[1], [0], [0], [1], [0, 0, 1, 1], [], []>, transpose_lhs_hint = false} : vector<2048x40xf32>, vector<40x8xf32>, vector<2048x8xf32> -> vector<2048x8xf32>
    %slice3A_173 = vector.extract_strided_slice %dot_general3A_172 {offsets = [0, 0], sizes = [2048, 1], strides = [1, 1]} : vector<2048x8xf32> to vector<2048x1xf32>
    %concatenate3A_174 = tpu.concatenate %slice3A_53, %slice3A_93, %slice3A_133, %slice3A_173 in 1 : vector<2048x1xf32>, vector<2048x1xf32>, vector<2048x1xf32>, vector<2048x1xf32> -> vector<2048x4xf32>
    %reshape3A_175 = vector.shape_cast %concatenate3A_174 : vector<2048x4xf32> to vector<128x16x4xf32>
    %iota3A = tpu.iota {dimensions = array<i32: 1>} : vector<128x16x4xi32>
    %iota3A_176 = tpu.iota {dimensions = array<i32: 2>} : vector<128x16x4xi32>
    %mul3A_177 = arith.constant 4 : i32
    %mul3A_178 = vector.broadcast %mul3A_177 : i32 to vector<128x16x4xi32>
    %mul3A_179 = arith.muli %mul3A_178, %iota3A : vector<128x16x4xi32>
    %add3A_180 = arith.addi %mul3A_179, %iota3A_176 : vector<128x16x4xi32>
    %get3A_181 = arith.constant 0 : index
    %get3A_182 = arith.constant 0 : index
    %get3A_183 = vector.load %arg4[%get3A_181, %get3A_182] : memref<128x1xi32, #tpu.memory_space<vmem>>, vector<128x1xi32>
    %max3A_184 = arith.constant 1 : i32
    %max3A_185 = vector.broadcast %max3A_184 : i32 to vector<128x1xi32>
    %max3A_186 = arith.maxsi %get3A_183, %max3A_185 : vector<128x1xi32>
    %reshape3A_187 = vector.shape_cast %max3A_186 : vector<128x1xi32> to vector<128x1x1xi32>
    %lt3A = vector.broadcast %reshape3A_187 : vector<128x1x1xi32> to vector<128x16x4xi32>
    %lt3A_188 = arith.cmpi slt, %add3A_180, %lt3A : vector<128x16x4xi32>
    %jit3A = arith.constant -1.000000e+09 : f32
    %broadcast_in_dim3A_189 = vector.broadcast %jit3A : f32 to vector<128x16x4xf32>
    %select_n3A = arith.select %lt3A_188, %reshape3A_175, %broadcast_in_dim3A_189 : vector<128x16x4xi1>, vector<128x16x4xf32>
    %reduce_max3A = arith.constant dense<0xFF800000> : vector<128xf32>
    %reduce_max3A_190 = vector.multi_reduction <maximumf>, %select_n3A, %reduce_max3A [1, 2] : vector<128x16x4xf32> to vector<128xf32>
    %broadcast_in_dim3A_191 = vector.shape_cast %reduce_max3A_190 : vector<128xf32> to vector<128x1x1xf32>
    %sub3A = vector.broadcast %broadcast_in_dim3A_191 : vector<128x1x1xf32> to vector<128x16x4xf32>
    %sub3A_192 = arith.subf %select_n3A, %sub3A : vector<128x16x4xf32>
    %exp3A = math.exp %sub3A_192 : vector<128x16x4xf32>
    %reduce_sum3A = arith.constant dense<0.000000e+00> : vector<128xf32>
    %reduce_sum3A_193 = vector.multi_reduction <add>, %exp3A, %reduce_sum3A [1, 2] : vector<128x16x4xf32> to vector<128xf32>
    %broadcast_in_dim3A_194 = vector.shape_cast %reduce_sum3A_193 : vector<128xf32> to vector<128x1x1xf32>
    %div3A = vector.broadcast %broadcast_in_dim3A_194 : vector<128x1x1xf32> to vector<128x16x4xf32>
    %div3A_195 = arith.divf %exp3A, %div3A : vector<128x16x4xf32>
    %iota3A_196 = tpu.iota {dimensions = array<i32: 1>} : vector<4x128xi32>
    %iota3A_197 = tpu.iota {dimensions = array<i32: 0>} : vector<4x128xi32>
    %jit3A_198 = arith.constant 32 : i32
    %div3A_199 = vector.broadcast %jit3A_198 : i32 to vector<4x128xi32>
    %div3A_200 = arith.divsi %iota3A_196, %div3A_199 : vector<4x128xi32>
    %sign3A = arith.constant 0 : i32
    %sign3A_201 = vector.broadcast %sign3A : i32 to vector<4x128xi32>
    %sign3A_202 = arith.cmpi sgt, %iota3A_196, %sign3A_201 : vector<4x128xi32>
    %sign3A_203 = arith.extui %sign3A_202 : vector<4x128xi1> to vector<4x128xi32>
    %sign3A_204 = arith.constant 0 : i32
    %sign3A_205 = vector.broadcast %sign3A_204 : i32 to vector<4x128xi32>
    %sign3A_206 = arith.cmpi slt, %iota3A_196, %sign3A_205 : vector<4x128xi32>
    %sign3A_207 = arith.extui %sign3A_206 : vector<4x128xi1> to vector<4x128xi32>
    %sign3A_208 = arith.subi %sign3A_203, %sign3A_207 : vector<4x128xi32>
    %sign3A_209 = arith.constant 0 : i32
    %sign3A_210 = arith.cmpi sgt, %jit3A_198, %sign3A_209 : i32
    %sign3A_211 = arith.extui %sign3A_210 : i1 to i32
    %sign3A_212 = arith.constant 0 : i32
    %sign3A_213 = arith.cmpi slt, %jit3A_198, %sign3A_212 : i32
    %sign3A_214 = arith.extui %sign3A_213 : i1 to i32
    %sign3A_215 = arith.subi %sign3A_211, %sign3A_214 : i32
    %ne3A = vector.broadcast %sign3A_215 : i32 to vector<4x128xi32>
    %ne3A_216 = arith.cmpi ne, %sign3A_208, %ne3A : vector<4x128xi32>
    %rem3A = vector.broadcast %jit3A_198 : i32 to vector<4x128xi32>
    %rem3A_217 = arith.remsi %iota3A_196, %rem3A : vector<4x128xi32>
    %ne3A_218 = arith.constant 0 : i32
    %ne3A_219 = vector.broadcast %ne3A_218 : i32 to vector<4x128xi32>
    %ne3A_220 = arith.cmpi ne, %rem3A_217, %ne3A_219 : vector<4x128xi32>
    %and3A = arith.andi %ne3A_216, %ne3A_220 : vector<4x128xi1>
    %sub3A_221 = arith.constant 1 : i32
    %sub3A_222 = vector.broadcast %sub3A_221 : i32 to vector<4x128xi32>
    %sub3A_223 = arith.subi %div3A_200, %sub3A_222 : vector<4x128xi32>
    %select_n3A_224 = arith.select %and3A, %sub3A_223, %div3A_200 : vector<4x128xi1>, vector<4x128xi32>
    %eq3A = arith.cmpi eq, %select_n3A_224, %iota3A_197 : vector<4x128xi32>
    %convert_element_type3A = arith.extui %eq3A : vector<4x128xi1> to vector<4x128xi32>
    %convert_element_type3A_225 = arith.sitofp %convert_element_type3A : vector<4x128xi32> to vector<4x128xf32>
    %reshape3A_226 = vector.shape_cast %div3A_195 : vector<128x16x4xf32> to vector<2048x4xf32>
    %dot_general3A_227 = arith.constant dense<0.000000e+00> : vector<2048x128xf32>
    %dot_general3A_228 = tpu.matmul %reshape3A_226, %convert_element_type3A_225, %dot_general3A_227 {dimension_numbers = #tpu.dot_dimension_numbers<[1], [0], [0], [1], [0, 0, 1, 1], [], []>, transpose_lhs_hint = false} : vector<2048x4xf32>, vector<4x128xf32>, vector<2048x128xf32> -> vector<2048x128xf32>
    %reshape3A_229 = vector.shape_cast %dot_general3A_228 : vector<2048x128xf32> to vector<128x16x128xf32>
    %mul3A_230 = arith.mulf %reshape3A_5, %reshape3A_229 : vector<128x16x128xf32>
    %reduce_sum3A_231 = arith.constant dense<0.000000e+00> : vector<128x128xf32>
    %reduce_sum3A_232 = vector.multi_reduction <add>, %mul3A_230, %reduce_sum3A_231 [1] : vector<128x16x128xf32> to vector<128x128xf32>
    %slice3A_233 = vector.extract_strided_slice %reduce_sum3A_232 {offsets = [0, 0], sizes = [128, 32], strides = [1, 1]} : vector<128x128xf32> to vector<128x32xf32>
    %slice3A_234 = vector.extract_strided_slice %reduce_sum3A_232 {offsets = [0, 32], sizes = [128, 32], strides = [1, 1]} : vector<128x128xf32> to vector<128x32xf32>
    %add3A_235 = arith.addf %slice3A_233, %slice3A_234 : vector<128x32xf32>
    %slice3A_236 = vector.extract_strided_slice %reduce_sum3A_232 {offsets = [0, 64], sizes = [128, 32], strides = [1, 1]} : vector<128x128xf32> to vector<128x32xf32>
    %add3A_237 = arith.addf %add3A_235, %slice3A_236 : vector<128x32xf32>
    %slice3A_238 = vector.extract_strided_slice %reduce_sum3A_232 {offsets = [0, 96], sizes = [128, 32], strides = [1, 1]} : vector<128x128xf32> to vector<128x32xf32>
    %add3A_239 = arith.addf %add3A_237, %slice3A_238 : vector<128x32xf32>
    %get3A_240 = arith.constant 0 : index
    %get3A_241 = arith.constant 0 : index
    %get3A_242 = vector.load %arg2[%get3A_240, %get3A_241] : memref<2048x128xf32, #tpu.memory_space<vmem>>, vector<2048x128xf32>
    %reshape3A_243 = vector.shape_cast %get3A_242 : vector<2048x128xf32> to vector<128x16x128xf32>
    %reduce_max3A_244 = arith.constant dense<0xFF800000> : vector<128x128xf32>
    %reduce_max3A_245 = vector.multi_reduction <maximumf>, %reshape3A_243, %reduce_max3A_244 [1] : vector<128x16x128xf32> to vector<128x128xf32>
    %slice3A_246 = vector.extract_strided_slice %reduce_max3A_245 {offsets = [0, 0], sizes = [128, 32], strides = [1, 1]} : vector<128x128xf32> to vector<128x32xf32>
    %slice3A_247 = vector.extract_strided_slice %reduce_max3A_245 {offsets = [0, 32], sizes = [128, 32], strides = [1, 1]} : vector<128x128xf32> to vector<128x32xf32>
    %max3A_248 = arith.maximumf %slice3A_246, %slice3A_247 : vector<128x32xf32>
    %slice3A_249 = vector.extract_strided_slice %reduce_max3A_245 {offsets = [0, 64], sizes = [128, 32], strides = [1, 1]} : vector<128x128xf32> to vector<128x32xf32>
    %slice3A_250 = vector.extract_strided_slice %reduce_max3A_245 {offsets = [0, 96], sizes = [128, 32], strides = [1, 1]} : vector<128x128xf32> to vector<128x32xf32>
    %max3A_251 = arith.maximumf %slice3A_249, %slice3A_250 : vector<128x32xf32>
    %max3A_252 = arith.maximumf %max3A_248, %max3A_251 : vector<128x32xf32>
    %concatenate3A_253 = tpu.concatenate %add3A_239, %max3A_252, %reshape3A, %reshape3A in 1 : vector<128x32xf32>, vector<128x32xf32>, vector<128x32xf32>, vector<128x32xf32> -> vector<128x128xf32>
    %swap3A = arith.constant 0 : index
    %swap3A_254 = arith.constant 0 : index
    %swap3A_255 = vector.load %arg12[%swap3A, %swap3A_254] : memref<128x128xf32, #tpu.memory_space<vmem>>, vector<128x128xf32>
    tpu.vector_store %arg12[%swap3A, %swap3A_254], %concatenate3A_253 {strides = array<i32>} : memref<128x128xf32, #tpu.memory_space<vmem>>, vector<128x128xf32>,
    return
  }
  func.func @transform_0(%arg0: i32) -> (i32, i32) {
    %c0_i32 = arith.constant 0 : i32
    %c0_i32_0 = arith.constant 0 : i32
    return %arg0, %c0_i32 : i32, i32
  }
  func.func @transform_1(%arg0: i32) -> (i32, i32) {
    %c0_i32 = arith.constant 0 : i32
    %c0_i32_0 = arith.constant 0 : i32
    return %arg0, %c0_i32 : i32, i32
  }
  func.func @transform_2(%arg0: i32) -> (i32, i32) {
    %c0_i32 = arith.constant 0 : i32
    %c0_i32_0 = arith.constant 0 : i32
    return %arg0, %c0_i32 : i32, i32
  }
  func.func @transform_3(%arg0: i32) -> (i32, i32) {
    %c0_i32 = arith.constant 0 : i32
    %c0_i32_0 = arith.constant 0 : i32
    return %arg0, %c0_i32 : i32, i32
  }
  func.func @transform_4(%arg0: i32) -> (i32, i32) {
    %c0_i32 = arith.constant 0 : i32
    %c0_i32_0 = arith.constant 0 : i32
    %c0_i32_1 = arith.constant 0 : i32
    return %c0_i32, %c0_i32_0 : i32, i32
  }
  func.func @transform_5(%arg0: i32) -> (i32, i32) {
    %c0_i32 = arith.constant 0 : i32
    %c0_i32_0 = arith.constant 0 : i32
    %c0_i32_1 = arith.constant 0 : i32
    return %c0_i32, %c0_i32_0 : i32, i32
  }
  func.func @transform_6(%arg0: i32) -> (i32, i32) {
    %c0_i32 = arith.constant 0 : i32
    %c0_i32_0 = arith.constant 0 : i32
    %c0_i32_1 = arith.constant 0 : i32
    return %c0_i32, %c0_i32_0 : i32, i32
  }
  func.func @transform_7(%arg0: i32) -> (i32, i32) {
    %c0_i32 = arith.constant 0 : i32
    %c0_i32_0 = arith.constant 0 : i32
    %c0_i32_1 = arith.constant 0 : i32
    return %c0_i32, %c0_i32_0 : i32, i32
  }
  func.func @transform_8(%arg0: i32) -> (i32, i32) {
    %c0_i32 = arith.constant 0 : i32
    %c0_i32_0 = arith.constant 0 : i32
    %c0_i32_1 = arith.constant 0 : i32
    return %c0_i32, %c0_i32_0 : i32, i32
  }
  func.func @transform_9(%arg0: i32) -> (i32, i32) {
    %c0_i32 = arith.constant 0 : i32
    %c0_i32_0 = arith.constant 0 : i32
    %c0_i32_1 = arith.constant 0 : i32
    return %c0_i32, %c0_i32_0 : i32, i32
  }
  func.func @transform_10(%arg0: i32) -> (i32, i32) {
    %c0_i32 = arith.constant 0 : i32
    %c0_i32_0 = arith.constant 0 : i32
    %c0_i32_1 = arith.constant 0 : i32
    return %c0_i32, %c0_i32_0 : i32, i32
  }
  func.func @transform_11(%arg0: i32) -> (i32, i32) {
    %c0_i32 = arith.constant 0 : i32
    %c0_i32_0 = arith.constant 0 : i32
    return %arg0, %c0_i32 : i32, i32
  }
}

module attributes {stable_mosaic.version = 14 : i64} {
  func.func @_head_body(%arg0: memref<4096x4xf32, #tpu.memory_space<vmem>>, %arg1: memref<4096x128xf32, #tpu.memory_space<vmem>>, %arg2: memref<4096x128xf32, #tpu.memory_space<vmem>>, %arg3: memref<4x200xf32, #tpu.memory_space<vmem>>, %arg4: memref<128x200xf32, #tpu.memory_space<vmem>>, %arg5: memref<32x200xf32, #tpu.memory_space<vmem>>, %arg6: memref<32x200xf32, #tpu.memory_space<vmem>>, %arg7: memref<32x200xf32, #tpu.memory_space<vmem>>, %arg8: memref<1x200xf32, #tpu.memory_space<vmem>>, %arg9: memref<1x200xf32, #tpu.memory_space<vmem>>, %arg10: memref<1x200xf32, #tpu.memory_space<vmem>>, %arg11: memref<200x80xf32, #tpu.memory_space<vmem>>, %arg12: memref<1x80xf32, #tpu.memory_space<vmem>>, %arg13: memref<1x80xf32, #tpu.memory_space<vmem>>, %arg14: memref<1x80xf32, #tpu.memory_space<vmem>>, %arg15: memref<1x80xf32, #tpu.memory_space<vmem>>, %arg16: memref<1x1xf32, #tpu.memory_space<vmem>>, %arg17: memref<4096x1xf32, #tpu.memory_space<vmem>>) attributes {dimension_semantics = [], scalar_prefetch = 0 : i64, scratch_operands = 0 : i64, tpu.core_type = #tpu.core_type<tc>} {
    %get3A = arith.constant 0 : index
    %get3A_0 = arith.constant 0 : index
    %get3A_1 = vector.load %arg1[%get3A, %get3A_0] : memref<4096x128xf32, #tpu.memory_space<vmem>>, vector<4096x128xf32>
    %get3A_2 = arith.constant 0 : index
    %get3A_3 = arith.constant 0 : index
    %get3A_4 = vector.load %arg0[%get3A_2, %get3A_3] : memref<4096x4xf32, #tpu.memory_space<vmem>>, vector<4096x4xf32>
    %get3A_5 = arith.constant 0 : index
    %get3A_6 = arith.constant 0 : index
    %get3A_7 = vector.load %arg3[%get3A_5, %get3A_6] : memref<4x200xf32, #tpu.memory_space<vmem>>, vector<4x200xf32>
    %dot_general3A = arith.constant dense<0.000000e+00> : vector<4096x200xf32>
    %dot_general3A_8 = tpu.matmul %get3A_4, %get3A_7, %dot_general3A {dimension_numbers = #tpu.dot_dimension_numbers<[1], [0], [0], [1], [0, 0, 1, 1], [], []>, transpose_lhs_hint = false} : vector<4096x4xf32>, vector<4x200xf32>, vector<4096x200xf32> -> vector<4096x200xf32>
    %get3A_9 = arith.constant 0 : index
    %get3A_10 = arith.constant 0 : index
    %get3A_11 = vector.load %arg2[%get3A_9, %get3A_10] : memref<4096x128xf32, #tpu.memory_space<vmem>>, vector<4096x128xf32>
    %get3A_12 = arith.constant 0 : index
    %get3A_13 = arith.constant 0 : index
    %get3A_14 = vector.load %arg4[%get3A_12, %get3A_13] : memref<128x200xf32, #tpu.memory_space<vmem>>, vector<128x200xf32>
    %dot_general3A_15 = arith.constant dense<0.000000e+00> : vector<4096x200xf32>
    %dot_general3A_16 = tpu.matmul %get3A_11, %get3A_14, %dot_general3A_15 {dimension_numbers = #tpu.dot_dimension_numbers<[1], [0], [0], [1], [0, 0, 1, 1], [], []>, transpose_lhs_hint = false} : vector<4096x128xf32>, vector<128x200xf32>, vector<4096x200xf32> -> vector<4096x200xf32>
    %add3A = arith.addf %dot_general3A_8, %dot_general3A_16 : vector<4096x200xf32>
    %slice3A = vector.extract_strided_slice %get3A_1 {offsets = [0, 64], sizes = [4096, 32], strides = [1, 1]} : vector<4096x128xf32> to vector<4096x32xf32>
    %get3A_17 = arith.constant 0 : index
    %get3A_18 = arith.constant 0 : index
    %get3A_19 = vector.load %arg5[%get3A_17, %get3A_18] : memref<32x200xf32, #tpu.memory_space<vmem>>, vector<32x200xf32>
    %dot_general3A_20 = arith.constant dense<0.000000e+00> : vector<4096x200xf32>
    %dot_general3A_21 = tpu.matmul %slice3A, %get3A_19, %dot_general3A_20 {dimension_numbers = #tpu.dot_dimension_numbers<[1], [0], [0], [1], [0, 0, 1, 1], [], []>, transpose_lhs_hint = false} : vector<4096x32xf32>, vector<32x200xf32>, vector<4096x200xf32> -> vector<4096x200xf32>
    %add3A_22 = arith.addf %add3A, %dot_general3A_21 : vector<4096x200xf32>
    %slice3A_23 = vector.extract_strided_slice %get3A_1 {offsets = [0, 32], sizes = [4096, 32], strides = [1, 1]} : vector<4096x128xf32> to vector<4096x32xf32>
    %get3A_24 = arith.constant 0 : index
    %get3A_25 = arith.constant 0 : index
    %get3A_26 = vector.load %arg6[%get3A_24, %get3A_25] : memref<32x200xf32, #tpu.memory_space<vmem>>, vector<32x200xf32>
    %dot_general3A_27 = arith.constant dense<0.000000e+00> : vector<4096x200xf32>
    %dot_general3A_28 = tpu.matmul %slice3A_23, %get3A_26, %dot_general3A_27 {dimension_numbers = #tpu.dot_dimension_numbers<[1], [0], [0], [1], [0, 0, 1, 1], [], []>, transpose_lhs_hint = false} : vector<4096x32xf32>, vector<32x200xf32>, vector<4096x200xf32> -> vector<4096x200xf32>
    %add3A_29 = arith.addf %add3A_22, %dot_general3A_28 : vector<4096x200xf32>
    %slice3A_30 = vector.extract_strided_slice %get3A_1 {offsets = [0, 0], sizes = [4096, 32], strides = [1, 1]} : vector<4096x128xf32> to vector<4096x32xf32>
    %get3A_31 = arith.constant 0 : index
    %get3A_32 = arith.constant 0 : index
    %get3A_33 = vector.load %arg7[%get3A_31, %get3A_32] : memref<32x200xf32, #tpu.memory_space<vmem>>, vector<32x200xf32>
    %dot_general3A_34 = arith.constant dense<0.000000e+00> : vector<4096x200xf32>
    %dot_general3A_35 = tpu.matmul %slice3A_30, %get3A_33, %dot_general3A_34 {dimension_numbers = #tpu.dot_dimension_numbers<[1], [0], [0], [1], [0, 0, 1, 1], [], []>, transpose_lhs_hint = false} : vector<4096x32xf32>, vector<32x200xf32>, vector<4096x200xf32> -> vector<4096x200xf32>
    %add3A_36 = arith.addf %add3A_29, %dot_general3A_35 : vector<4096x200xf32>
    %get3A_37 = arith.constant 0 : index
    %get3A_38 = arith.constant 0 : index
    %get3A_39 = vector.load %arg8[%get3A_37, %get3A_38] : memref<1x200xf32, #tpu.memory_space<vmem>>, vector<1x200xf32>
    %add3A_40 = vector.broadcast %get3A_39 : vector<1x200xf32> to vector<4096x200xf32>
    %add3A_41 = arith.addf %add3A_36, %add3A_40 : vector<4096x200xf32>
    %reduce_sum3A = arith.constant dense<0.000000e+00> : vector<200xf32>
    %reduce_sum3A_42 = vector.multi_reduction <add>, %add3A_41, %reduce_sum3A [0] : vector<4096x200xf32> to vector<200xf32>
    %broadcast_in_dim3A = vector.shape_cast %reduce_sum3A_42 : vector<200xf32> to vector<1x200xf32>
    %div3A = arith.constant 4.096000e+03 : f32
    %div3A_43 = vector.broadcast %div3A : f32 to vector<1x200xf32>
    %div3A_44 = arith.divf %broadcast_in_dim3A, %div3A_43 : vector<1x200xf32>
    %sub3A = vector.broadcast %div3A_44 : vector<1x200xf32> to vector<4096x200xf32>
    %sub3A_45 = arith.subf %add3A_41, %sub3A : vector<4096x200xf32>
    %integer_pow3A = arith.mulf %sub3A_45, %sub3A_45 : vector<4096x200xf32>
    %reduce_sum3A_46 = arith.constant dense<0.000000e+00> : vector<200xf32>
    %reduce_sum3A_47 = vector.multi_reduction <add>, %integer_pow3A, %reduce_sum3A_46 [0] : vector<4096x200xf32> to vector<200xf32>
    %broadcast_in_dim3A_48 = vector.shape_cast %reduce_sum3A_47 : vector<200xf32> to vector<1x200xf32>
    %div3A_49 = arith.constant 4.096000e+03 : f32
    %div3A_50 = vector.broadcast %div3A_49 : f32 to vector<1x200xf32>
    %div3A_51 = arith.divf %broadcast_in_dim3A_48, %div3A_50 : vector<1x200xf32>
    %sub3A_52 = vector.broadcast %div3A_44 : vector<1x200xf32> to vector<4096x200xf32>
    %sub3A_53 = arith.subf %add3A_41, %sub3A_52 : vector<4096x200xf32>
    %add3A_54 = arith.constant 9.99999974E-6 : f32
    %add3A_55 = vector.broadcast %add3A_54 : f32 to vector<1x200xf32>
    %add3A_56 = arith.addf %div3A_51, %add3A_55 : vector<1x200xf32>
    %sqrt3A = math.sqrt %add3A_56 : vector<1x200xf32>
    %div3A_57 = vector.broadcast %sqrt3A : vector<1x200xf32> to vector<4096x200xf32>
    %div3A_58 = arith.divf %sub3A_53, %div3A_57 : vector<4096x200xf32>
    %get3A_59 = arith.constant 0 : index
    %get3A_60 = arith.constant 0 : index
    %get3A_61 = vector.load %arg9[%get3A_59, %get3A_60] : memref<1x200xf32, #tpu.memory_space<vmem>>, vector<1x200xf32>
    %mul3A = vector.broadcast %get3A_61 : vector<1x200xf32> to vector<4096x200xf32>
    %mul3A_62 = arith.mulf %div3A_58, %mul3A : vector<4096x200xf32>
    %get3A_63 = arith.constant 0 : index
    %get3A_64 = arith.constant 0 : index
    %get3A_65 = vector.load %arg10[%get3A_63, %get3A_64] : memref<1x200xf32, #tpu.memory_space<vmem>>, vector<1x200xf32>
    %add3A_66 = vector.broadcast %get3A_65 : vector<1x200xf32> to vector<4096x200xf32>
    %add3A_67 = arith.addf %mul3A_62, %add3A_66 : vector<4096x200xf32>
    %max3A = arith.constant 0.000000e+00 : f32
    %max3A_68 = vector.broadcast %max3A : f32 to vector<4096x200xf32>
    %max3A_69 = arith.maximumf %add3A_67, %max3A_68 : vector<4096x200xf32>
    %get3A_70 = arith.constant 0 : index
    %get3A_71 = arith.constant 0 : index
    %get3A_72 = vector.load %arg11[%get3A_70, %get3A_71] : memref<200x80xf32, #tpu.memory_space<vmem>>, vector<200x80xf32>
    %dot_general3A_73 = arith.constant dense<0.000000e+00> : vector<4096x80xf32>
    %dot_general3A_74 = tpu.matmul %max3A_69, %get3A_72, %dot_general3A_73 {dimension_numbers = #tpu.dot_dimension_numbers<[1], [0], [0], [1], [0, 0, 1, 1], [], []>, transpose_lhs_hint = false} : vector<4096x200xf32>, vector<200x80xf32>, vector<4096x80xf32> -> vector<4096x80xf32>
    %get3A_75 = arith.constant 0 : index
    %get3A_76 = arith.constant 0 : index
    %get3A_77 = vector.load %arg12[%get3A_75, %get3A_76] : memref<1x80xf32, #tpu.memory_space<vmem>>, vector<1x80xf32>
    %add3A_78 = vector.broadcast %get3A_77 : vector<1x80xf32> to vector<4096x80xf32>
    %add3A_79 = arith.addf %dot_general3A_74, %add3A_78 : vector<4096x80xf32>
    %reduce_sum3A_80 = arith.constant dense<0.000000e+00> : vector<80xf32>
    %reduce_sum3A_81 = vector.multi_reduction <add>, %add3A_79, %reduce_sum3A_80 [0] : vector<4096x80xf32> to vector<80xf32>
    %broadcast_in_dim3A_82 = vector.shape_cast %reduce_sum3A_81 : vector<80xf32> to vector<1x80xf32>
    %div3A_83 = arith.constant 4.096000e+03 : f32
    %div3A_84 = vector.broadcast %div3A_83 : f32 to vector<1x80xf32>
    %div3A_85 = arith.divf %broadcast_in_dim3A_82, %div3A_84 : vector<1x80xf32>
    %sub3A_86 = vector.broadcast %div3A_85 : vector<1x80xf32> to vector<4096x80xf32>
    %sub3A_87 = arith.subf %add3A_79, %sub3A_86 : vector<4096x80xf32>
    %integer_pow3A_88 = arith.mulf %sub3A_87, %sub3A_87 : vector<4096x80xf32>
    %reduce_sum3A_89 = arith.constant dense<0.000000e+00> : vector<80xf32>
    %reduce_sum3A_90 = vector.multi_reduction <add>, %integer_pow3A_88, %reduce_sum3A_89 [0] : vector<4096x80xf32> to vector<80xf32>
    %broadcast_in_dim3A_91 = vector.shape_cast %reduce_sum3A_90 : vector<80xf32> to vector<1x80xf32>
    %div3A_92 = arith.constant 4.096000e+03 : f32
    %div3A_93 = vector.broadcast %div3A_92 : f32 to vector<1x80xf32>
    %div3A_94 = arith.divf %broadcast_in_dim3A_91, %div3A_93 : vector<1x80xf32>
    %sub3A_95 = vector.broadcast %div3A_85 : vector<1x80xf32> to vector<4096x80xf32>
    %sub3A_96 = arith.subf %add3A_79, %sub3A_95 : vector<4096x80xf32>
    %add3A_97 = arith.constant 9.99999974E-6 : f32
    %add3A_98 = vector.broadcast %add3A_97 : f32 to vector<1x80xf32>
    %add3A_99 = arith.addf %div3A_94, %add3A_98 : vector<1x80xf32>
    %sqrt3A_100 = math.sqrt %add3A_99 : vector<1x80xf32>
    %div3A_101 = vector.broadcast %sqrt3A_100 : vector<1x80xf32> to vector<4096x80xf32>
    %div3A_102 = arith.divf %sub3A_96, %div3A_101 : vector<4096x80xf32>
    %get3A_103 = arith.constant 0 : index
    %get3A_104 = arith.constant 0 : index
    %get3A_105 = vector.load %arg13[%get3A_103, %get3A_104] : memref<1x80xf32, #tpu.memory_space<vmem>>, vector<1x80xf32>
    %mul3A_106 = vector.broadcast %get3A_105 : vector<1x80xf32> to vector<4096x80xf32>
    %mul3A_107 = arith.mulf %div3A_102, %mul3A_106 : vector<4096x80xf32>
    %get3A_108 = arith.constant 0 : index
    %get3A_109 = arith.constant 0 : index
    %get3A_110 = vector.load %arg14[%get3A_108, %get3A_109] : memref<1x80xf32, #tpu.memory_space<vmem>>, vector<1x80xf32>
    %add3A_111 = vector.broadcast %get3A_110 : vector<1x80xf32> to vector<4096x80xf32>
    %add3A_112 = arith.addf %mul3A_107, %add3A_111 : vector<4096x80xf32>
    %max3A_113 = arith.constant 0.000000e+00 : f32
    %max3A_114 = vector.broadcast %max3A_113 : f32 to vector<4096x80xf32>
    %max3A_115 = arith.maximumf %add3A_112, %max3A_114 : vector<4096x80xf32>
    %get3A_116 = arith.constant 0 : index
    %get3A_117 = arith.constant 0 : index
    %get3A_118 = vector.load %arg15[%get3A_116, %get3A_117] : memref<1x80xf32, #tpu.memory_space<vmem>>, vector<1x80xf32>
    %mul3A_119 = vector.broadcast %get3A_118 : vector<1x80xf32> to vector<4096x80xf32>
    %mul3A_120 = arith.mulf %max3A_115, %mul3A_119 : vector<4096x80xf32>
    %reduce_sum3A_121 = arith.constant dense<0.000000e+00> : vector<4096xf32>
    %reduce_sum3A_122 = vector.multi_reduction <add>, %mul3A_120, %reduce_sum3A_121 [1] : vector<4096x80xf32> to vector<4096xf32>
    %broadcast_in_dim3A_123 = vector.shape_cast %reduce_sum3A_122 : vector<4096xf32> to vector<4096x1xf32>
    %get3A_124 = arith.constant 0 : index
    %get3A_125 = arith.constant 0 : index
    %get3A_126 = vector.load %arg16[%get3A_124, %get3A_125] : memref<1x1xf32, #tpu.memory_space<vmem>>, vector<1x1xf32>
    %add3A_127 = vector.broadcast %get3A_126 : vector<1x1xf32> to vector<4096x1xf32>
    %add3A_128 = arith.addf %broadcast_in_dim3A_123, %add3A_127 : vector<4096x1xf32>
    %neg3A = arith.constant 0.000000e+00 : f32
    %neg3A_129 = vector.broadcast %neg3A : f32 to vector<4096x1xf32>
    %neg3A_130 = arith.subf %neg3A_129, %add3A_128 : vector<4096x1xf32>
    %exp3A = math.exp %neg3A_130 : vector<4096x1xf32>
    %add3A_131 = arith.constant 1.000000e+00 : f32
    %add3A_132 = vector.broadcast %add3A_131 : f32 to vector<4096x1xf32>
    %add3A_133 = arith.addf %add3A_132, %exp3A : vector<4096x1xf32>
    %div3A_134 = arith.constant 1.000000e+00 : f32
    %div3A_135 = vector.broadcast %div3A_134 : f32 to vector<4096x1xf32>
    %div3A_136 = arith.divf %div3A_135, %add3A_133 : vector<4096x1xf32>
    %swap3A = arith.constant 0 : index
    %swap3A_137 = arith.constant 0 : index
    %swap3A_138 = vector.load %arg17[%swap3A, %swap3A_137] : memref<4096x1xf32, #tpu.memory_space<vmem>>, vector<4096x1xf32>
    tpu.vector_store %arg17[%swap3A, %swap3A_137], %div3A_136 {strides = array<i32>} : memref<4096x1xf32, #tpu.memory_space<vmem>>, vector<4096x1xf32>,
    return
  }
}

</mosaic_0001>

<sc_bundles>
// kernel: kernel.6.cloned.1.call-start
scs
__scs_entry_jumppad:
0x0: {  	(pc) =	sbr.rel $0x88, $3  }
0x1: {  	(tag) =	ssettag $0x0;
	lr =	simm.s32 $0x1  }
0x2: {  	[smem:$0x3F88] =	sst lr;
	_ =	strace $0xD0000000  }
0x3: {  	_ = 	snop  }
0x4: {  	_ = 	snop  }
0x5: {  	_ = 	snop  }
0x6: {  	_ = 	snop  }
0x7: {  	_ = 	snop  }
__scs_overlays_trampoline_lowered:
0x8: {  	[smem:$0x3F97] =	sst s0  }
0x9: {  	[smem:$0x3F98] =	sst s1  }
0xa: {  	[smem:$0x3F99] =	sst s2  }
0xb: {  	[smem:$0x3F9A] =	sst s3  }
0xc: {  	[smem:$0x3F9B] =	sst s4  }
0xd: {  	[smem:$0x3F9C] =	sst s5  }
0xe: {  	[smem:$0x3F9D] =	sst s6  }
0xf: {  	[smem:$0x3F9E] =	sst s7  }
0x10: {  	[smem:$0x3F9F] =	sst s8  }
0x11: {  	[smem:$0x3FA0] =	sst s9;
	s0 =	simm.s32 @!p0 $0x0  }
0x12: {  	s1 =	sld [smem:$0x3F86];
	s0 =	simm.s32 @p0 $0x1  }
0x13: {  	[smem:$0x3FA1] =	sst s0;
	s0 =	simm.s32 @!p1 $0x0  }
0x14: {  	s2 =	sld [smem:$0x3F85];
	s0 =	simm.s32 @p1 $0x1  }
0x15: {  	[smem:$0x3FA2] =	sst s0;
	s0 =	simm.s32 @!p2 $0x0  }
0x16: {  	s3 =	sld [smem:$0x3FDB];
	s0 =	simm.s32 @p2 $0x1  }
0x17: {  	s4 =	simm.s32 $0x1BF5;
	[smem:$0x3FA4] =	sst s0  }
0x18: {  	s0 =	sld [smem:$0x3F87];
	_ =	swait.ge [sflag:s4], $0x0  }
0x19: {  	s7 =	sld [smem:$0x3F88]  }
0x1a: {  	s8 =	sadd.s32 $0xFFFFE003, lr  }
0x1b: {  	s9 =	sadd.s32 $0xFFFFFEF7, lr;
	s5 =	simm.s32 $0xFFFFFFFF;
	p2 =	slt.u32 s8, $0xFFFFF086  }
0x1c: {  	p1 =	slt.u32 s9, $0xF7A;
	s5 =	simm.s32 @!p2 $0x0  }
0x1d: {  	s5 =	simm.s32 @p1 $0x1;
	p0 =	seq.s32 s7, s2  }
0x1e: {  	s7 =	smul.u32 @!p0 $0xF7A, s2;
	p2 =	seq.s32 @!p0 s5, $0x0  }
0x1f: {  	s9 =	smul.u32 $0xF7A, s1;
	s8 =	simm.s32 @!p0 $0x1BF5;
	p2 =	por !p2, p0  }
0x20: {  	[sflag:s8] =	ssyncset.s32 @!p0 $0xFFFFF086;
	s6 =	sadd.s32 @!p0 s3, s7;
	s7 =	simm.s32 @!p0 $0x108  }
0x21: {  	s3 =	sadd.s32 s3, s9;
	s6 =	sadd.s32 @!p0 $0x88, s6;
	s7 =	simm.s32 @p2 $0x1082  }
0x22: {  	[simem:s7], [sflag:s8] =	dma.local @!p0 [hbm:s6], $0xF7A  }
0x23: {  	s9 =	sor.u32 $0xD0000000, s2;
	s6 =	simm.s32 $0x108;
	_ =	swait.ge @!p0 [sflag:s8], $0x0  }
0x24: {  	s3 =	sadd.s32 $0x88, s3;
	s6 =	simm.s32 @!p1 $0x1082;
	[sflag:s4] =	ssyncset.s32 $0xFFFFF086  }
0x25: {  	[simem:s6], [sflag:s4] =	dma.local [hbm:s3], $0xF7A  }
0x26: {  	[smem:$0x3F88] =	sst s1;
	(tag) =	ssettag s2;
	_ =	strace s9  }
0x27: {  	s1 =	sld [smem:$0x3F98]  }
0x28: {  	s2 =	sld [smem:$0x3F99]  }
0x29: {  	s4 =	sld [smem:$0x3F9B]  }
0x2a: {  	p0 =	seq.s32 s5, $0x0;
	s5 =	sld [smem:$0x3F9C]  }
0x2b: {  	s6 =	sld [smem:$0x3F9D]  }
0x2c: {  	s7 =	sld [smem:$0x3F9E]  }
0x2d: {  	s3 =	simm.s32 $0x108;
	s8 =	sld [smem:$0x3F9F]  }
0x2e: {  	s3 =	simm.s32 @!p0 $0x1082;
	s9 =	sld [smem:$0x3FA0]  }
0x2f: {  	lr =	sadd.s32 s0, s3;
	s0 =	sld [smem:$0x3F97]  }
0x30: {  	s3 =	sld [smem:$0x3F9A]  }
0x31: {  	[smem:$0x3FA3] =	sst s10  }
0x32: {  	s10 =	sld [smem:$0x3FA1];
	_ =	sdelay $0x3  }
0x33: {  	p0 =	seq.s32 s10, $0x1;
	s10 =	sld [smem:$0x3FA3];
	_ =	sdelay $0x3  }
0x34: {  	[smem:$0x3FA3] =	sst s10  }
0x35: {  	s10 =	sld [smem:$0x3FA2];
	_ =	sdelay $0x3  }
0x36: {  	p1 =	seq.s32 s10, $0x1;
	s10 =	sld [smem:$0x3FA3];
	_ =	sdelay $0x3  }
0x37: {  	[smem:$0x3FA3] =	sst s10  }
0x38: {  	s10 =	sld [smem:$0x3FA4]  }
0x39: {  	_ = 	snop;
	(pc) =	sbr.ind lr, $3  }
0x3a: {  	_ = 	snop  }
0x3b: {  	_ = 	snop  }
0x3c: {  	p2 =	seq.s32 s10, $0x1;
	s10 =	sld [smem:$0x3FA3]  }
0x3d: {  	_ =	shalt  }
0x3e: {  	_ =	shalt  }
0x3f: {  	_ =	shalt  }
0x40: {  	_ =	shalt  }
0x41: {  	_ =	shalt  }
0x42: {  	_ =	shalt  }
0x43: {  	_ =	shalt  }
0x44: {  	_ =	shalt  }
0x45: {  	_ =	shalt  }
0x46: {  	_ =	shalt  }
0x47: {  	_ =	shalt  }
0x48: {  	_ =	shalt  }
0x49: {  	_ =	shalt  }
0x4a: {  	_ =	shalt  }
0x4b: {  	_ =	shalt  }
0x4c: {  	_ =	shalt  }
0x4d: {  	_ =	shalt  }
0x4e: {  	_ =	shalt  }
0x4f: {  	_ =	shalt  }
0x50: {  	_ =	shalt  }
0x51: {  	_ =	shalt  }
0x52: {  	_ =	shalt  }
0x53: {  	_ =	shalt  }
0x54: {  	_ =	shalt  }
0x55: {  	_ =	shalt  }
0x56: {  	_ =	shalt  }
0x57: {  	_ =	shalt  }
0x58: {  	_ =	shalt  }
0x59: {  	_ =	shalt  }
0x5a: {  	_ =	shalt  }
0x5b: {  	_ =	shalt  }
0x5c: {  	_ =	shalt  }
0x5d: {  	_ =	shalt  }
0x5e: {  	_ =	shalt  }
0x5f: {  	_ =	shalt  }
0x60: {  	_ =	shalt  }
0x61: {  	_ =	shalt  }
0x62: {  	_ =	shalt  }
0x63: {  	_ =	shalt  }
0x64: {  	_ =	shalt  }
0x65: {  	_ =	shalt  }
0x66: {  	_ =	shalt  }
0x67: {  	_ =	shalt  }
0x68: {  	_ =	shalt  }
0x69: {  	_ =	shalt  }
0x6a: {  	_ =	shalt  }
0x6b: {  	_ =	shalt  }
0x6c: {  	_ =	shalt  }
0x6d: {  	_ =	shalt  }
0x6e: {  	_ =	shalt  }
0x6f: {  	_ =	shalt  }
0x70: {  	_ =	shalt  }
0x71: {  	_ =	shalt  }
0x72: {  	_ =	shalt  }
0x73: {  	_ =	shalt  }
0x74: {  	_ =	shalt  }
0x75: {  	_ =	shalt  }
0x76: {  	_ =	shalt  }
0x77: {  	_ =	shalt  }
0x78: {  	_ =	shalt  }
0x79: {  	_ =	shalt  }
0x7a: {  	_ =	shalt  }
0x7b: {  	_ =	shalt  }
0x7c: {  	_ =	shalt  }
0x7d: {  	_ =	shalt  }
0x7e: {  	_ =	shalt  }
0x7f: {  	_ =	shalt  }
0x80: {  	_ =	shalt  }
0x81: {  	_ =	shalt  }
0x82: {  	_ =	shalt  }
0x83: {  	_ =	shalt  }
0x84: {  	_ =	shalt  }
0x85: {  	_ =	shalt  }
0x86: {  	_ =	shalt  }
0x87: {  	_ =	shalt  }
.Lfunc_end0:
.L_simem_size_0:
called_computation_lowered:
.L_overlay_start_0:
0x88: {  	s2 =	sld [smem:$0x3FD9]  }
0x89: {  	s3 =	sld [smem:$0x3FFE];
	_ =	sdelay $0x1  }
0x8a: {  	s1 =	srdreg.scid  }
0x8b: {  	s0 =	sand.u32 $0x1, s1  }
0x8c: {  	s16 =	sshll.u32 s0, $0xA;
	s2 =	sadd.s32 s3, s2  }
0x8d: {  	s2 =	sadd.s32 s2, s16  }
0x8e: {  	[smem:$0x3FAF] =	sst s2  }
0x8f: {  	_ = 	snop  }
0x90: {  	(tm) =	ssettm $0x1  }
0x91: {  	s17 =	sld [smem:$0x3FFB];
	_ =	sdelay $0x3  }
0x92: {  	_ =	strace s17  }
0x93: {  	s2 =	sld [smem:$0x3FFC];
	_ =	sdelay $0x3  }
0x94: {  	_ =	strace s2  }
0x95: {  	s2 =	sld [smem:$0x3FFD];
	_ =	sdelay $0x3  }
0x96: {  	_ =	strace s2  }
0x97: {  	_ =	strace $0x8FFFFFFF  }
0x98: {  	s18 =	sld [smem:$0x3FDB];
	_ =	sdelay $0x1  }
0x99: {  	s19 =	simm.s32 $_scs_section_size  }
0x9a: {  	s4 =	simm.s32 $_size__tile_overlayer_lowered;
	s5 =	simm.s32 $_tile_overlayer_lowered  }
0x9b: {  	s22 =	simm.s32 $0x1BFF;
	s21 =	sshll.u32 s5, $0x1;
	s2 =	sadd.s32 s19, s18  }
0x9c: {  	s6 =	simm.s32 $0x0;
	s20 =	sshll.u32 s4, $0x1;
	s4 =	sadd.s32 s21, s2  }
0x9d: {  	[timem:s6], [sflag:s22] =	dma.local [hbm:s4], s20  }
0x9e: {  	_ =	swait.ge [sflag:s22], s20  }
0x9f: {  	s3 =	ssub.s32 $0x0, s20;
	[sflag:s22] =	ssyncset.done $0x0  }
0xa0: {  	[sflag:s22] =	ssyncadd.s32 s3;
	_ =	sdelay $0x1  }
0xa1: {  	s23 =	simm.s32 $0x1B8B  }
0xa2: {  	_ =	swait.ge [sflag:s23], $0x1  }
0xa3: {  	[sflag:s23] =	ssyncset.done $0x0  }
0xa4: {  	s25 =	simm.s32 $0x1B8E;
	s24 =	sld [smem:$0x3FFE];
	[sflag:s23] =	ssyncadd.s32 $0xFFFFFFFF  }
0xa5: {  	s26 =	simm.s32 $execute0_lowered;
	[smem:$0x3FD2] =	sst s25  }
0xa6: {  	s4 =	sshll.u32 s26, $0x1;
	_ =	strace $0x80000046;
	[dreg:$0x1] =	wrdreg $0xFFFFFFFF  }
0xa7: {  	s28 =	simm.s32 $_size_execute0_lowered;
	s2 =	sadd.s32 s2, s4;
	[dreg:$0x0] =	wrdreg $0x0  }
0xa8: {  	s4 =	sshll.u32 s28, $0x1;
	[dreg:$0x2] =	wrdreg s2  }
0xa9: {  	[dreg:$0x3] =	wrdreg s4  }
0xaa: {  	[dreg:$0x4] =	wrdreg $0xC0  }
0xab: {  	_ =	task [dreg:s6], $0x5FFFF  }
0xac: {  	[dreg:$0x1] =	wrdreg $0xFFFFFFFF  }
0xad: {  	[dreg:$0x0] =	wrdreg $0x60  }
0xae: {  	[dreg:$0x2] =	wrdreg s24  }
0xaf: {  	[dreg:$0x3] =	wrdreg $0x9  }
0xb0: {  	_ =	task.clear_ibuf [dreg:s6], $0x4FFFF;
	_ =	strace $0x90000046  }
0xb1: {  	s29 =	simm.s32 $0x9;
	_ =	strace $0x80000048  }
0xb2: {  	_ =	swait.ge [sflag:s29], $0x1  }
0xb3: {  	[sflag:s29] =	ssyncadd.s32 $0xFFFFFFFF  }
0xb4: {  	_ =	strace $0x90000048  }
0xb5: {  	_ =	sfence  }
0xb6: {  	s30 =	sld [smem:$0x0];
	_ =	sdelay $0x2  }
0xb7: {  	s31 =	sshll.u32 s1, $0xD;
	s1 =	sshrl.u32 s1, $0x2  }
0xb8: {  	s3 =	sand.u32 $0x4000, s31;
	s1 =	sadd.s32 s1, s30  }
0xb9: {  	s0 =	sor.u32 s3, s0;
	s1 =	sshll.u32 s1, $0x11  }
0xba: {  	s0 =	sor.u32 s1, s0  }
0xbb: {  	s0 =	sadd.s32 $0x8F2B, s0  }
0xbc: {  	[sflag:s0] =	ssyncadd.remote.s32 $0x1  }
0xbd: {  	_ =	sfence.sel $0xFFFF  }
0xbe: {  	[dreg:$0x0] =	wrdreg $0xFFFFFFFF;
	(pc) =	sbr.abs _section_cstart, $3  }
0xbf: {  	[dreg:$0x1] =	wrdreg $0xFFFFFFFF  }
0xc0: {  	_ =	task.clear_ibuf [dreg:s6], $0x2FFFF;
	_ =	strace $0x9FFFFFFF  }
0xc1: {  	(tm) =	ssettm $0x7FFFFFFF  }
tec
execute0_lowered:
.L_overlay_start_1:
0x0: {  	(tag) =	ssettag $0x1  }
0x1: {  	s2 =	rddreg [dreg:$0x0]  }
0x2: {  	s1 =	simm.s32 $0x0;
	s5 =	srdreg.scid;
	s6 =	stileid.u32  }
0x3: {  	p0 =	por $0x0, $0x0;
	[smem:$0x7FF] =	sst s1;
	s3 =	sadd.s32 $0x18BE00, s2  }
0x4: {  	s4 =	sadd.s32 $0x7B000, s2;
	s0 =	sadd.s32 $0x5400, s2;
	s10 =	sand.u32 $0x1, s5  }
0x5: {  	s6 =	sshll.u32 s6, $0x1;
	s5 =	sadd.s32 $0x67000, s2;
	s7 =	sadd.s32 $0x1EDA00, s2  }
0x6: {  	_ =	strace $0x80000047;
	[dreg:$0x2] =	wrdreg s0;
	s9 =	sor.u32 s10, s6  }
0x7: {  	s0 =	sadd.s32 $0x6F000, s2;
	s6 =	sadd.s32 $0x80000, s2;
	s11 =	sshll.u32 s9, $0xA  }
0x8: {  	s12 =	sshll.u32 s9, $0x9;
	s8 =	sshll.u32 s9, $0xD;
	s13 =	sadd.s32 s0, s11  }
0x9: {  	s9 =	sshll.u32 s9, $0xF;
	s11 =	sadd.s32 s5, s11;
	[dreg:$0x3] =	wrdreg s13  }
0xa: {  	s24 =	sadd.s32 s6, s9;
	s25 =	sor.u32 $0x400, s8;
	[dreg:$0x4] =	wrdreg s11  }
0xb: {  	s26 =	sadd.s32 s7, s9;
	[dreg:$0x5] =	wrdreg s24;
	s14 =	sshrl.u32 s25, $0x3  }
0xc: {  	s10 =	ssub.s32 $0x2, s10;
	[dreg:$0x6] =	wrdreg s26;
	s15 =	sadd.s32 s0, s14  }
0xd: {  	s17 =	sshll.u32 s25, $0x2;
	s16 =	sadd.s32 s5, s14;
	[dreg:$0x7] =	wrdreg s15  }
0xe: {  	s19 =	sor.u32 $0x800, s8;
	s18 =	sadd.s32 s6, s17;
	[dreg:$0x8] =	wrdreg s16  }
0xf: {  	s21 =	sshrl.u32 s19, $0x3;
	s20 =	sadd.s32 s7, s17;
	[dreg:$0x9] =	wrdreg s18  }
0x10: {  	s9 =	sadd.s32 s12, s2;
	s22 =	sadd.s32 s0, s21;
	[dreg:$0xa] =	wrdreg s20  }
0x11: {  	s24 =	sshll.u32 s19, $0x2;
	s23 =	sadd.s32 s5, s21;
	[dreg:$0xb] =	wrdreg s22  }
0x12: {  	s26 =	sor.u32 $0xC00, s8;
	s25 =	sadd.s32 s6, s24;
	[dreg:$0xc] =	wrdreg s23  }
0x13: {  	s11 =	simm.s32 $0x10800;
	s13 =	sadd.s32 s7, s24;
	[dreg:$0xd] =	wrdreg s25  }
0x14: {  	s14 =	sshrl.u32 s26, $0x3;
	s15 =	sshrl.u32 s10, $0x1;
	[dreg:$0xe] =	wrdreg s13  }
0x15: {  	s16 =	sadd.s32 s0, s14;
	s17 =	sadd.s32 s5, s14;
	s18 =	sshll.u32 s26, $0x2  }
0x16: {  	s20 =	sor.u32 $0x1000, s8;
	s25 =	sor.u32 $0x1400, s8;
	[dreg:$0xf] =	wrdreg s16  }
0x17: {  	s14 =	sor.u32 $0x1800, s8;
	s8 =	sor.u32 $0x1C00, s8;
	[dreg:$0x10] =	wrdreg s17  }
0x18: {  	s19 =	sadd.s32 s6, s18;
	s21 =	sadd.s32 s7, s18;
	s22 =	sshrl.u32 s20, $0x3  }
0x19: {  	s13 =	ssub.s32 s10, s15;
	s24 =	sshll.u32 s20, $0x2;
	s12 =	sshrl.u32 s25, $0x3  }
0x1a: {  	s10 =	sshll.u32 s25, $0x2;
	s15 =	sshrl.u32 s14, $0x3;
	s2 =	sshll.u32 s14, $0x2  }
0x1b: {  	s16 =	sshrl.u32 s8, $0x3;
	s18 =	sshll.u32 s8, $0x2;
	[dreg:$0x11] =	wrdreg s19  }
0x1c: {  	s14 =	simm.s32 $0x400;
	[dreg:$0x12] =	wrdreg s21;
	s23 =	sadd.s32 s0, s22  }
0x1d: {  	s31 =	sadd.s32 s5, s22;
	s30 =	sadd.s32 s6, s24;
	s29 =	sadd.s32 s7, s24  }
0x1e: {  	s28 =	sadd.s32 s0, s12;
	s26 =	sadd.s32 s5, s12;
	s25 =	sadd.s32 s6, s10  }
0x1f: {  	s24 =	sadd.s32 s7, s10;
	s22 =	sadd.s32 s5, s15;
	s21 =	sadd.s32 s6, s2  }
0x20: {  	s20 =	sadd.s32 s7, s2;
	s17 =	sadd.s32 s0, s16;
	s19 =	smax.u32 s13, $0x1  }
0x21: {  	s16 =	sadd.s32 s5, s16;
	s10 =	sadd.s32 s6, s18;
	p1 =	sne.s32 s19, $0x1  }
.Ltmp0:
0x22: {  	s8 =	sadd.s32 s7, s18;
	s7 =	sadd.s32 $0x77000, s9;
	(pc) =	sbr.rel @!p1 .LBB2_3-.Ltmp0, $4  }
0x23: {  	s6 =	sadd.s32 $0x7C000, s9;
	s5 =	simm.s32 $0x3;
	s18 =	simm.s32 $0x8400  }
0x24: {  	s13 =	simm.s32 $0x1000;
	s9 =	simm.s32 $0x11800;
	s2 =	rddreg [dreg:$0x3]  }
0x25: {  	s12 =	simm.s32 $0x2;
	[dreg:$0x13] =	wrdreg s23;
	s23 =	sadd.s32 s0, s15  }
0x26: {  	s0 =	sadd.s32 $0xFFFFFFFF, s19;
	s15 =	simm.s32 $0x8800;
	s19 =	simm.s32 $0x1  }
0x27: {  	[tilespmem:s1], [sflag:$0x3] =	stream.linear.gather [hbm4b:s2+s1], $0x400, $0x38;
	[tilespmem:$0x12800] =	vst v63  }
0x28: {  	_ =	swait.ge [sflag:s5], $0x400  }
0x29: {  	[sflag:s5] =	ssyncset.done $0x0  }
0x2a: {  	s2 =	rddreg [dreg:$0x4];
	[sflag:s5] =	ssyncadd.s32 $0xFFFFFC00  }
0x2b: {  	[tilespmem:s18], [sflag:$0x3] =	stream.linear.gather [hbm4b:s2+s1], $0x400, $0x38;
	[tilespmem:$0x12800] =	vst v63  }
0x2c: {  	_ =	swait.ge [sflag:s5], $0x400  }
0x2d: {  	[sflag:s5] =	ssyncset.done $0x0  }
0x2e: {  	[sflag:s5] =	ssyncadd.s32 $0xFFFFFC00  }
0x2f: {  	[tilespmem:s14], [sflag:$0x1] =	stream.indirect.gather [hbm4b:s3+s14], $0x20, s1, s14, $0xb8;
	[tilespmem:$0x12800] =	vst v63  }
0x30: {  	_ = 	snop  }
0x31: {  	[tilespmem:s15], [sflag:$0x1] =	stream.indirect.gather [hbm4b:s4+s14], $0x20, s18, s14, $0xb8;
	[tilespmem:$0x12800] =	vst v63  }
0x32: {  	_ =	swait.ge [sflag:s19], $0x8000  }
0x33: {  	[sflag:s19] =	ssyncset.done $0x0  }
0x34: {  	[sflag:s19] =	ssyncadd.s32 $0xFFFF8000  }
0x35: {  	_ =	swait.ge [sflag:s19], $0x8000  }
0x36: {  	[sflag:s19] =	ssyncset.done $0x0  }
0x37: {  	s2 =	rddreg [dreg:$0x5];
	[sflag:s19] =	ssyncadd.s32 $0xFFFF8000  }
0x38: {  	[hbm4b:s2+s1] =	stream.linear.scatter [tilespmem:s14], [sflag:$0x3], $0x8000, $0x38;
	[tilespmem:$0x12800] =	vst v63  }
0x39: {  	_ =	swait.ge [sflag:s5], $0x8000  }
0x3a: {  	[sflag:s5] =	ssyncset.done $0x0  }
0x3b: {  	s2 =	rddreg [dreg:$0x6];
	[sflag:s5] =	ssyncadd.s32 $0xFFFF8000  }
0x3c: {  	[hbm4b:s2+s1] =	stream.linear.scatter [tilespmem:s15], [sflag:$0x3], $0x8000, $0x38;
	[tilespmem:$0x12800] =	vst v63  }
0x3d: {  	_ =	swait.ge [sflag:s5], $0x8000  }
0x3e: {  	[sflag:s5] =	ssyncset.done $0x0  }
0x3f: {  	s2 =	rddreg [dreg:$0x7];
	[sflag:s5] =	ssyncadd.s32 $0xFFFF8000  }
0x40: {  	[tilespmem:s1], [sflag:$0x3] =	stream.linear.gather [hbm4b:s2+s1], $0x400, $0x38;
	[tilespmem:$0x12800] =	vst v63  }
0x41: {  	_ =	swait.ge [sflag:s5], $0x400  }
0x42: {  	[sflag:s5] =	ssyncset.done $0x0  }
0x43: {  	s2 =	rddreg [dreg:$0x8];
	[sflag:s5] =	ssyncadd.s32 $0xFFFFFC00  }
0x44: {  	[tilespmem:s18], [sflag:$0x3] =	stream.linear.gather [hbm4b:s2+s1], $0x400, $0x38;
	[tilespmem:$0x12800] =	vst v63  }
0x45: {  	_ =	swait.ge [sflag:s5], $0x400  }
0x46: {  	[sflag:s5] =	ssyncset.done $0x0  }
0x47: {  	[sflag:s5] =	ssyncadd.s32 $0xFFFFFC00  }
0x48: {  	[tilespmem:s14], [sflag:$0x1] =	stream.indirect.gather [hbm4b:s3+s14], $0x20, s1, s14, $0xb8;
	[tilespmem:$0x12800] =	vst v63  }
0x49: {  	_ = 	snop  }
0x4a: {  	[tilespmem:s15], [sflag:$0x1] =	stream.indirect.gather [hbm4b:s4+s14], $0x20, s18, s14, $0xb8;
	[tilespmem:$0x12800] =	vst v63  }
0x4b: {  	_ =	swait.ge [sflag:s19], $0x8000  }
0x4c: {  	[sflag:s19] =	ssyncset.done $0x0  }
0x4d: {  	[sflag:s19] =	ssyncadd.s32 $0xFFFF8000  }
0x4e: {  	_ =	swait.ge [sflag:s19], $0x8000  }
0x4f: {  	[sflag:s19] =	ssyncset.done $0x0  }
0x50: {  	s2 =	rddreg [dreg:$0x9];
	[sflag:s19] =	ssyncadd.s32 $0xFFFF8000  }
0x51: {  	[hbm4b:s2+s1] =	stream.linear.scatter [tilespmem:s14], [sflag:$0x3], $0x8000, $0x38;
	[tilespmem:$0x12800] =	vst v63  }
0x52: {  	_ =	swait.ge [sflag:s5], $0x8000  }
0x53: {  	[sflag:s5] =	ssyncset.done $0x0  }
0x54: {  	s2 =	rddreg [dreg:$0xa];
	[sflag:s5] =	ssyncadd.s32 $0xFFFF8000  }
0x55: {  	[hbm4b:s2+s1] =	stream.linear.scatter [tilespmem:s15], [sflag:$0x3], $0x8000, $0x38;
	[tilespmem:$0x12800] =	vst v63  }
0x56: {  	_ =	swait.ge [sflag:s5], $0x8000  }
0x57: {  	[sflag:s5] =	ssyncset.done $0x0  }
0x58: {  	s2 =	rddreg [dreg:$0xb];
	[sflag:s5] =	ssyncadd.s32 $0xFFFF8000  }
0x59: {  	[tilespmem:s1], [sflag:$0x3] =	stream.linear.gather [hbm4b:s2+s1], $0x400, $0x38;
	[tilespmem:$0x12800] =	vst v63  }
0x5a: {  	_ =	swait.ge [sflag:s5], $0x400  }
0x5b: {  	[sflag:s5] =	ssyncset.done $0x0  }
0x5c: {  	s2 =	rddreg [dreg:$0xc];
	[sflag:s5] =	ssyncadd.s32 $0xFFFFFC00  }
0x5d: {  	[tilespmem:s18], [sflag:$0x3] =	stream.linear.gather [hbm4b:s2+s1], $0x400, $0x38;
	[tilespmem:$0x12800] =	vst v63  }
0x5e: {  	_ =	swait.ge [sflag:s5], $0x400  }
0x5f: {  	[sflag:s5] =	ssyncset.done $0x0  }
0x60: {  	[sflag:s5] =	ssyncadd.s32 $0xFFFFFC00  }
0x61: {  	[tilespmem:s14], [sflag:$0x1] =	stream.indirect.gather [hbm4b:s3+s14], $0x20, s1, s14, $0xb8;
	[tilespmem:$0x12800] =	vst v63  }
0x62: {  	_ = 	snop  }
0x63: {  	[tilespmem:s15], [sflag:$0x1] =	stream.indirect.gather [hbm4b:s4+s14], $0x20, s18, s14, $0xb8;
	[tilespmem:$0x12800] =	vst v63  }
0x64: {  	_ =	swait.ge [sflag:s19], $0x8000  }
0x65: {  	[sflag:s19] =	ssyncset.done $0x0  }
0x66: {  	[sflag:s19] =	ssyncadd.s32 $0xFFFF8000  }
0x67: {  	_ =	swait.ge [sflag:s19], $0x8000  }
0x68: {  	[sflag:s19] =	ssyncset.done $0x0  }
0x69: {  	s2 =	rddreg [dreg:$0xd];
	[sflag:s19] =	ssyncadd.s32 $0xFFFF8000  }
0x6a: {  	[hbm4b:s2+s1] =	stream.linear.scatter [tilespmem:s14], [sflag:$0x3], $0x8000, $0x38;
	[tilespmem:$0x12800] =	vst v63  }
0x6b: {  	_ =	swait.ge [sflag:s5], $0x8000  }
0x6c: {  	[sflag:s5] =	ssyncset.done $0x0  }
0x6d: {  	s2 =	rddreg [dreg:$0xe];
	[sflag:s5] =	ssyncadd.s32 $0xFFFF8000  }
0x6e: {  	[hbm4b:s2+s1] =	stream.linear.scatter [tilespmem:s15], [sflag:$0x3], $0x8000, $0x38;
	[tilespmem:$0x12800] =	vst v63  }
0x6f: {  	_ =	swait.ge [sflag:s5], $0x8000  }
0x70: {  	[sflag:s5] =	ssyncset.done $0x0  }
0x71: {  	s2 =	rddreg [dreg:$0xf];
	[sflag:s5] =	ssyncadd.s32 $0xFFFF8000  }
0x72: {  	[tilespmem:s1], [sflag:$0x3] =	stream.linear.gather [hbm4b:s2+s1], $0x400, $0x38;
	[tilespmem:$0x12800] =	vst v63  }
0x73: {  	_ =	swait.ge [sflag:s5], $0x400  }
0x74: {  	[sflag:s5] =	ssyncset.done $0x0  }
0x75: {  	s2 =	rddreg [dreg:$0x10];
	[sflag:s5] =	ssyncadd.s32 $0xFFFFFC00  }
0x76: {  	[tilespmem:s18], [sflag:$0x3] =	stream.linear.gather [hbm4b:s2+s1], $0x400, $0x38;
	[tilespmem:$0x12800] =	vst v63  }
0x77: {  	_ =	swait.ge [sflag:s5], $0x400  }
0x78: {  	[sflag:s5] =	ssyncset.done $0x0  }
0x79: {  	[sflag:s5] =	ssyncadd.s32 $0xFFFFFC00  }
0x7a: {  	[tilespmem:s14], [sflag:$0x1] =	stream.indirect.gather [hbm4b:s3+s14], $0x20, s1, s14, $0xb8;
	[tilespmem:$0x12800] =	vst v63  }
0x7b: {  	_ = 	snop  }
0x7c: {  	[tilespmem:s15], [sflag:$0x1] =	stream.indirect.gather [hbm4b:s4+s14], $0x20, s18, s14, $0xb8;
	[tilespmem:$0x12800] =	vst v63  }
0x7d: {  	_ =	swait.ge [sflag:s19], $0x8000  }
0x7e: {  	[sflag:s19] =	ssyncset.done $0x0  }
0x7f: {  	[sflag:s19] =	ssyncadd.s32 $0xFFFF8000  }
0x80: {  	_ =	swait.ge [sflag:s19], $0x8000  }
0x81: {  	[sflag:s19] =	ssyncset.done $0x0  }
0x82: {  	s2 =	rddreg [dreg:$0x11];
	[sflag:s19] =	ssyncadd.s32 $0xFFFF8000  }
0x83: {  	[hbm4b:s2+s1] =	stream.linear.scatter [tilespmem:s14], [sflag:$0x3], $0x8000, $0x38;
	[tilespmem:$0x12800] =	vst v63  }
0x84: {  	_ =	swait.ge [sflag:s5], $0x8000  }
0x85: {  	[sflag:s5] =	ssyncset.done $0x0  }
0x86: {  	s2 =	rddreg [dreg:$0x12];
	[sflag:s5] =	ssyncadd.s32 $0xFFFF8000  }
0x87: {  	[hbm4b:s2+s1] =	stream.linear.scatter [tilespmem:s15], [sflag:$0x3], $0x8000, $0x38;
	[tilespmem:$0x12800] =	vst v63  }
0x88: {  	_ =	swait.ge [sflag:s5], $0x8000  }
0x89: {  	[sflag:s5] =	ssyncset.done $0x0  }
0x8a: {  	s2 =	rddreg [dreg:$0x13];
	[sflag:s5] =	ssyncadd.s32 $0xFFFF8000  }
0x8b: {  	[tilespmem:s1], [sflag:$0x3] =	stream.linear.gather [hbm4b:s2+s1], $0x400, $0x38;
	[tilespmem:$0x12800] =	vst v63  }
0x8c: {  	_ =	swait.ge [sflag:s5], $0x400  }
0x8d: {  	[sflag:s5] =	ssyncset.done $0x0  }
0x8e: {  	[sflag:s5] =	ssyncadd.s32 $0xFFFFFC00  }
0x8f: {  	[tilespmem:s18], [sflag:$0x3] =	stream.linear.gather [hbm4b:s31+s1], $0x400, $0x38;
	[tilespmem:$0x12800] =	vst v63  }
0x90: {  	_ =	swait.ge [sflag:s5], $0x400  }
0x91: {  	[sflag:s5] =	ssyncset.done $0x0  }
0x92: {  	[sflag:s5] =	ssyncadd.s32 $0xFFFFFC00  }
0x93: {  	[tilespmem:s14], [sflag:$0x1] =	stream.indirect.gather [hbm4b:s3+s14], $0x20, s1, s14, $0xb8;
	[tilespmem:$0x12800] =	vst v63  }
0x94: {  	_ = 	snop  }
0x95: {  	[tilespmem:s15], [sflag:$0x1] =	stream.indirect.gather [hbm4b:s4+s14], $0x20, s18, s14, $0xb8;
	[tilespmem:$0x12800] =	vst v63  }
0x96: {  	_ =	swait.ge [sflag:s19], $0x8000  }
0x97: {  	[sflag:s19] =	ssyncset.done $0x0  }
0x98: {  	[sflag:s19] =	ssyncadd.s32 $0xFFFF8000  }
0x99: {  	_ =	swait.ge [sflag:s19], $0x8000  }
0x9a: {  	[sflag:s19] =	ssyncset.done $0x0  }
0x9b: {  	[sflag:s19] =	ssyncadd.s32 $0xFFFF8000  }
0x9c: {  	[hbm4b:s30+s1] =	stream.linear.scatter [tilespmem:s14], [sflag:$0x3], $0x8000, $0x38;
	[tilespmem:$0x12800] =	vst v63  }
0x9d: {  	_ =	swait.ge [sflag:s5], $0x8000  }
0x9e: {  	[sflag:s5] =	ssyncset.done $0x0  }
0x9f: {  	[sflag:s5] =	ssyncadd.s32 $0xFFFF8000  }
0xa0: {  	[hbm4b:s29+s1] =	stream.linear.scatter [tilespmem:s15], [sflag:$0x3], $0x8000, $0x38;
	[tilespmem:$0x12800] =	vst v63  }
0xa1: {  	_ =	swait.ge [sflag:s5], $0x8000  }
0xa2: {  	[sflag:s5] =	ssyncset.done $0x0  }
0xa3: {  	[sflag:s5] =	ssyncadd.s32 $0xFFFF8000  }
0xa4: {  	[tilespmem:s1], [sflag:$0x3] =	stream.linear.gather [hbm4b:s28+s1], $0x400, $0x38;
	[tilespmem:$0x12800] =	vst v63  }
0xa5: {  	_ =	swait.ge [sflag:s5], $0x400  }
0xa6: {  	[sflag:s5] =	ssyncset.done $0x0  }
0xa7: {  	[sflag:s5] =	ssyncadd.s32 $0xFFFFFC00  }
0xa8: {  	[tilespmem:s18], [sflag:$0x3] =	stream.linear.gather [hbm4b:s26+s1], $0x400, $0x38;
	[tilespmem:$0x12800] =	vst v63  }
0xa9: {  	_ =	swait.ge [sflag:s5], $0x400  }
0xaa: {  	[sflag:s5] =	ssyncset.done $0x0  }
0xab: {  	[sflag:s5] =	ssyncadd.s32 $0xFFFFFC00  }
0xac: {  	[tilespmem:s14], [sflag:$0x1] =	stream.indirect.gather [hbm4b:s3+s14], $0x20, s1, s14, $0xb8;
	[tilespmem:$0x12800] =	vst v63  }
0xad: {  	_ = 	snop  }
0xae: {  	[tilespmem:s15], [sflag:$0x1] =	stream.indirect.gather [hbm4b:s4+s14], $0x20, s18, s14, $0xb8;
	[tilespmem:$0x12800] =	vst v63  }
0xaf: {  	_ =	swait.ge [sflag:s19], $0x8000  }
0xb0: {  	[sflag:s19] =	ssyncset.done $0x0  }
0xb1: {  	[sflag:s19] =	ssyncadd.s32 $0xFFFF8000  }
0xb2: {  	_ =	swait.ge [sflag:s19], $0x8000  }
0xb3: {  	[sflag:s19] =	ssyncset.done $0x0  }
0xb4: {  	[sflag:s19] =	ssyncadd.s32 $0xFFFF8000  }
0xb5: {  	[hbm4b:s25+s1] =	stream.linear.scatter [tilespmem:s14], [sflag:$0x3], $0x8000, $0x38;
	[tilespmem:$0x12800] =	vst v63  }
0xb6: {  	_ =	swait.ge [sflag:s5], $0x8000  }
0xb7: {  	[sflag:s5] =	ssyncset.done $0x0  }
0xb8: {  	[sflag:s5] =	ssyncadd.s32 $0xFFFF8000  }
0xb9: {  	[hbm4b:s24+s1] =	stream.linear.scatter [tilespmem:s15], [sflag:$0x3], $0x8000, $0x38;
	[tilespmem:$0x12800] =	vst v63  }
0xba: {  	_ =	swait.ge [sflag:s5], $0x8000  }
0xbb: {  	[sflag:s5] =	ssyncset.done $0x0  }
0xbc: {  	[sflag:s5] =	ssyncadd.s32 $0xFFFF8000  }
0xbd: {  	[tilespmem:s1], [sflag:$0x3] =	stream.linear.gather [hbm4b:s23+s1], $0x400, $0x38;
	[tilespmem:$0x12800] =	vst v63  }
0xbe: {  	_ =	swait.ge [sflag:s5], $0x400  }
0xbf: {  	[sflag:s5] =	ssyncset.done $0x0  }
0xc0: {  	[sflag:s5] =	ssyncadd.s32 $0xFFFFFC00  }
0xc1: {  	[tilespmem:s18], [sflag:$0x3] =	stream.linear.gather [hbm4b:s22+s1], $0x400, $0x38;
	[tilespmem:$0x12800] =	vst v63  }
0xc2: {  	_ =	swait.ge [sflag:s5], $0x400  }
0xc3: {  	[sflag:s5] =	ssyncset.done $0x0  }
0xc4: {  	[sflag:s5] =	ssyncadd.s32 $0xFFFFFC00  }
0xc5: {  	[tilespmem:s14], [sflag:$0x1] =	stream.indirect.gather [hbm4b:s3+s14], $0x20, s1, s14, $0xb8;
	[tilespmem:$0x12800] =	vst v63  }
0xc6: {  	_ = 	snop  }
0xc7: {  	[tilespmem:s15], [sflag:$0x1] =	stream.indirect.gather [hbm4b:s4+s14], $0x20, s18, s14, $0xb8;
	[tilespmem:$0x12800] =	vst v63  }
0xc8: {  	_ =	swait.ge [sflag:s19], $0x8000  }
0xc9: {  	[sflag:s19] =	ssyncset.done $0x0  }
0xca: {  	[sflag:s19] =	ssyncadd.s32 $0xFFFF8000  }
0xcb: {  	_ =	swait.ge [sflag:s19], $0x8000  }
0xcc: {  	[sflag:s19] =	ssyncset.done $0x0  }
0xcd: {  	[sflag:s19] =	ssyncadd.s32 $0xFFFF8000  }
0xce: {  	[hbm4b:s21+s1] =	stream.linear.scatter [tilespmem:s14], [sflag:$0x3], $0x8000, $0x38;
	[tilespmem:$0x12800] =	vst v63  }
0xcf: {  	_ =	swait.ge [sflag:s5], $0x8000  }
0xd0: {  	[sflag:s5] =	ssyncset.done $0x0  }
0xd1: {  	[sflag:s5] =	ssyncadd.s32 $0xFFFF8000  }
0xd2: {  	[hbm4b:s20+s1] =	stream.linear.scatter [tilespmem:s15], [sflag:$0x3], $0x8000, $0x38;
	[tilespmem:$0x12800] =	vst v63  }
0xd3: {  	_ =	swait.ge [sflag:s5], $0x8000  }
0xd4: {  	[sflag:s5] =	ssyncset.done $0x0  }
0xd5: {  	[sflag:s5] =	ssyncadd.s32 $0xFFFF8000  }
0xd6: {  	[tilespmem:s1], [sflag:$0x3] =	stream.linear.gather [hbm4b:s17+s1], $0x400, $0x38;
	[tilespmem:$0x12800] =	vst v63  }
0xd7: {  	_ =	swait.ge [sflag:s5], $0x400  }
0xd8: {  	[sflag:s5] =	ssyncset.done $0x0  }
0xd9: {  	[sflag:s5] =	ssyncadd.s32 $0xFFFFFC00  }
0xda: {  	[tilespmem:s18], [sflag:$0x3] =	stream.linear.gather [hbm4b:s16+s1], $0x400, $0x38;
	[tilespmem:$0x12800] =	vst v63  }
0xdb: {  	_ =	swait.ge [sflag:s5], $0x400  }
0xdc: {  	[sflag:s5] =	ssyncset.done $0x0  }
0xdd: {  	[sflag:s5] =	ssyncadd.s32 $0xFFFFFC00  }
0xde: {  	[tilespmem:s14], [sflag:$0x1] =	stream.indirect.gather [hbm4b:s3+s14], $0x20, s1, s14, $0xb8;
	[tilespmem:$0x12800] =	vst v63  }
0xdf: {  	_ = 	snop  }
0xe0: {  	[tilespmem:s15], [sflag:$0x1] =	stream.indirect.gather [hbm4b:s4+s14], $0x20, s18, s14, $0xb8;
	[tilespmem:$0x12800] =	vst v63  }
0xe1: {  	_ =	swait.ge [sflag:s19], $0x8000  }
0xe2: {  	[sflag:s19] =	ssyncset.done $0x0  }
0xe3: {  	[sflag:s19] =	ssyncadd.s32 $0xFFFF8000  }
0xe4: {  	_ =	swait.ge [sflag:s19], $0x8000  }
0xe5: {  	[sflag:s19] =	ssyncset.done $0x0  }
0xe6: {  	[sflag:s19] =	ssyncadd.s32 $0xFFFF8000  }
0xe7: {  	[hbm4b:s10+s1] =	stream.linear.scatter [tilespmem:s14], [sflag:$0x3], $0x8000, $0x38;
	[tilespmem:$0x12800] =	vst v63  }
0xe8: {  	_ =	swait.ge [sflag:s5], $0x8000  }
0xe9: {  	[sflag:s5] =	ssyncset.done $0x0  }
0xea: {  	[sflag:s5] =	ssyncadd.s32 $0xFFFF8000  }
0xeb: {  	[hbm4b:s8+s1] =	stream.linear.scatter [tilespmem:s15], [sflag:$0x3], $0x8000, $0x38;
	[tilespmem:$0x12800] =	vst v63  }
0xec: {  	_ =	swait.ge [sflag:s5], $0x8000  }
0xed: {  	[sflag:s5] =	ssyncset.done $0x0  }
0xee: {  	[sflag:s5] =	ssyncadd.s32 $0xFFFF8000  }
0xef: {  	[tilespmem:s11], [sflag:$0x3] =	stream.linear.gather [hbm4b:s7+s1], $0x1000, $0x38;
	[tilespmem:$0x12800] =	vst v63  }
0xf0: {  	_ =	swait.ge [sflag:s5], $0x1000  }
0xf1: {  	[sflag:s5] =	ssyncset.done $0x0  }
0xf2: {  	s2 =	rddreg [dreg:$0x2];
	[sflag:s5] =	ssyncadd.s32 $0xFFFFF000  }
0xf3: {  	[tilespmem:s9], [sflag:$0x2] =	stream.indirect.gather [hbm4b:s2+s13], $0x1, s11, s13, $0xb8;
	[tilespmem:$0x12800] =	vst v63  }
0xf4: {  	p1 =	sne.s32 s0, $0x1;
	_ =	swait.ge [sflag:s12], $0x1000  }
.Ltmp1:
0xf5: {  	[sflag:s12] =	ssyncset.done $0x0;
	(pc) =	sbr.rel @!p1 .LBB2_3-.Ltmp1, $4  }
0xf6: {  	[sflag:s12] =	ssyncadd.s32 $0xFFFFF000  }
0xf7: {  	[hbm4b:s6+s1] =	stream.linear.scatter [tilespmem:s9], [sflag:$0x3], $0x1000, $0x38;
	[tilespmem:$0x12800] =	vst v63  }
0xf8: {  	s0 =	sadd.s32 $0xFFFFFFFF, s0;
	_ =	swait.ge [sflag:s5], $0x1000  }
0xf9: {  	p0 =	por $0x1, $0x1;
	s2 =	rddreg [dreg:$0x3];
	[sflag:s5] =	ssyncset.done $0x0  }
.LBB2_2:
0xfa: {  	[sflag:s5] =	ssyncadd.s32 $0xFFFFF000  }
0xfb: {  	[tilespmem:s1], [sflag:$0x3] =	stream.linear.gather [hbm4b:s2+s1], $0x400, $0x38;
	[tilespmem:$0x12800] =	vst v63  }
0xfc: {  	_ =	swait.ge [sflag:s5], $0x400  }
0xfd: {  	[sflag:s5] =	ssyncset.done $0x0  }
0xfe: {  	s2 =	rddreg [dreg:$0x4];
	[sflag:s5] =	ssyncadd.s32 $0xFFFFFC00  }
0xff: {  	[tilespmem:s18], [sflag:$0x3] =	stream.linear.gather [hbm4b:s2+s1], $0x400, $0x38;
	[tilespmem:$0x12800] =	vst v63  }
0x100: {  	_ =	swait.ge [sflag:s5], $0x400  }
0x101: {  	[sflag:s5] =	ssyncset.done $0x0  }
0x102: {  	[sflag:s5] =	ssyncadd.s32 $0xFFFFFC00  }
0x103: {  	[tilespmem:s14], [sflag:$0x1] =	stream.indirect.gather [hbm4b:s3+s14], $0x20, s1, s14, $0xb8;
	[tilespmem:$0x12800] =	vst v63  }
0x104: {  	_ = 	snop  }
0x105: {  	[tilespmem:s15], [sflag:$0x1] =	stream.indirect.gather [hbm4b:s4+s14], $0x20, s18, s14, $0xb8;
	[tilespmem:$0x12800] =	vst v63  }
0x106: {  	_ =	swait.ge [sflag:s19], $0x8000  }
0x107: {  	[sflag:s19] =	ssyncset.done $0x0  }
0x108: {  	[sflag:s19] =	ssyncadd.s32 $0xFFFF8000  }
0x109: {  	_ =	swait.ge [sflag:s19], $0x8000  }
0x10a: {  	[sflag:s19] =	ssyncset.done $0x0  }
0x10b: {  	s2 =	rddreg [dreg:$0x5];
	[sflag:s19] =	ssyncadd.s32 $0xFFFF8000  }
0x10c: {  	[hbm4b:s2+s1] =	stream.linear.scatter [tilespmem:s14], [sflag:$0x3], $0x8000, $0x38;
	[tilespmem:$0x12800] =	vst v63  }
0x10d: {  	_ =	swait.ge [sflag:s5], $0x8000  }
0x10e: {  	[sflag:s5] =	ssyncset.done $0x0  }
0x10f: {  	s2 =	rddreg [dreg:$0x6];
	[sflag:s5] =	ssyncadd.s32 $0xFFFF8000  }
0x110: {  	[hbm4b:s2+s1] =	stream.linear.scatter [tilespmem:s15], [sflag:$0x3], $0x8000, $0x38;
	[tilespmem:$0x12800] =	vst v63  }
0x111: {  	_ =	swait.ge [sflag:s5], $0x8000  }
0x112: {  	[sflag:s5] =	ssyncset.done $0x0  }
0x113: {  	s2 =	rddreg [dreg:$0x7];
	[sflag:s5] =	ssyncadd.s32 $0xFFFF8000  }
0x114: {  	[tilespmem:s1], [sflag:$0x3] =	stream.linear.gather [hbm4b:s2+s1], $0x400, $0x38;
	[tilespmem:$0x12800] =	vst v63  }
0x115: {  	_ =	swait.ge [sflag:s5], $0x400  }
0x116: {  	[sflag:s5] =	ssyncset.done $0x0  }
0x117: {  	s2 =	rddreg [dreg:$0x8];
	[sflag:s5] =	ssyncadd.s32 $0xFFFFFC00  }
0x118: {  	[tilespmem:s18], [sflag:$0x3] =	stream.linear.gather [hbm4b:s2+s1], $0x400, $0x38;
	[tilespmem:$0x12800] =	vst v63  }
0x119: {  	_ =	swait.ge [sflag:s5], $0x400  }
0x11a: {  	[sflag:s5] =	ssyncset.done $0x0  }
0x11b: {  	[sflag:s5] =	ssyncadd.s32 $0xFFFFFC00  }
0x11c: {  	[tilespmem:s14], [sflag:$0x1] =	stream.indirect.gather [hbm4b:s3+s14], $0x20, s1, s14, $0xb8;
	[tilespmem:$0x12800] =	vst v63  }
0x11d: {  	_ = 	snop  }
0x11e: {  	[tilespmem:s15], [sflag:$0x1] =	stream.indirect.gather [hbm4b:s4+s14], $0x20, s18, s14, $0xb8;
	[tilespmem:$0x12800] =	vst v63  }
0x11f: {  	_ =	swait.ge [sflag:s19], $0x8000  }
0x120: {  	[sflag:s19] =	ssyncset.done $0x0  }
0x121: {  	[sflag:s19] =	ssyncadd.s32 $0xFFFF8000  }
0x122: {  	_ =	swait.ge [sflag:s19], $0x8000  }
0x123: {  	[sflag:s19] =	ssyncset.done $0x0  }
0x124: {  	s2 =	rddreg [dreg:$0x9];
	[sflag:s19] =	ssyncadd.s32 $0xFFFF8000  }
0x125: {  	[hbm4b:s2+s1] =	stream.linear.scatter [tilespmem:s14], [sflag:$0x3], $0x8000, $0x38;
	[tilespmem:$0x12800] =	vst v63  }
0x126: {  	_ =	swait.ge [sflag:s5], $0x8000  }
0x127: {  	[sflag:s5] =	ssyncset.done $0x0  }
0x128: {  	s2 =	rddreg [dreg:$0xa];
	[sflag:s5] =	ssyncadd.s32 $0xFFFF8000  }
0x129: {  	[hbm4b:s2+s1] =	stream.linear.scatter [tilespmem:s15], [sflag:$0x3], $0x8000, $0x38;
	[tilespmem:$0x12800] =	vst v63  }
0x12a: {  	_ =	swait.ge [sflag:s5], $0x8000  }
0x12b: {  	[sflag:s5] =	ssyncset.done $0x0  }
0x12c: {  	s2 =	rddreg [dreg:$0xb];
	[sflag:s5] =	ssyncadd.s32 $0xFFFF8000  }
0x12d: {  	[tilespmem:s1], [sflag:$0x3] =	stream.linear.gather [hbm4b:s2+s1], $0x400, $0x38;
	[tilespmem:$0x12800] =	vst v63  }
0x12e: {  	_ =	swait.ge [sflag:s5], $0x400  }
0x12f: {  	[sflag:s5] =	ssyncset.done $0x0  }
0x130: {  	s2 =	rddreg [dreg:$0xc];
	[sflag:s5] =	ssyncadd.s32 $0xFFFFFC00  }
0x131: {  	[tilespmem:s18], [sflag:$0x3] =	stream.linear.gather [hbm4b:s2+s1], $0x400, $0x38;
	[tilespmem:$0x12800] =	vst v63  }
0x132: {  	_ =	swait.ge [sflag:s5], $0x400  }
0x133: {  	[sflag:s5] =	ssyncset.done $0x0  }
0x134: {  	[sflag:s5] =	ssyncadd.s32 $0xFFFFFC00  }
0x135: {  	[tilespmem:s14], [sflag:$0x1] =	stream.indirect.gather [hbm4b:s3+s14], $0x20, s1, s14, $0xb8;
	[tilespmem:$0x12800] =	vst v63  }
0x136: {  	_ = 	snop  }
0x137: {  	[tilespmem:s15], [sflag:$0x1] =	stream.indirect.gather [hbm4b:s4+s14], $0x20, s18, s14, $0xb8;
	[tilespmem:$0x12800] =	vst v63  }
0x138: {  	_ =	swait.ge [sflag:s19], $0x8000  }
0x139: {  	[sflag:s19] =	ssyncset.done $0x0  }
0x13a: {  	[sflag:s19] =	ssyncadd.s32 $0xFFFF8000  }
0x13b: {  	_ =	swait.ge [sflag:s19], $0x8000  }
0x13c: {  	[sflag:s19] =	ssyncset.done $0x0  }
0x13d: {  	s2 =	rddreg [dreg:$0xd];
	[sflag:s19] =	ssyncadd.s32 $0xFFFF8000  }
0x13e: {  	[hbm4b:s2+s1] =	stream.linear.scatter [tilespmem:s14], [sflag:$0x3], $0x8000, $0x38;
	[tilespmem:$0x12800] =	vst v63  }
0x13f: {  	_ =	swait.ge [sflag:s5], $0x8000  }
0x140: {  	[sflag:s5] =	ssyncset.done $0x0  }
0x141: {  	s2 =	rddreg [dreg:$0xe];
	[sflag:s5] =	ssyncadd.s32 $0xFFFF8000  }
0x142: {  	[hbm4b:s2+s1] =	stream.linear.scatter [tilespmem:s15], [sflag:$0x3], $0x8000, $0x38;
	[tilespmem:$0x12800] =	vst v63  }
0x143: {  	_ =	swait.ge [sflag:s5], $0x8000  }
0x144: {  	[sflag:s5] =	ssyncset.done $0x0  }
0x145: {  	s2 =	rddreg [dreg:$0xf];
	[sflag:s5] =	ssyncadd.s32 $0xFFFF8000  }
0x146: {  	[tilespmem:s1], [sflag:$0x3] =	stream.linear.gather [hbm4b:s2+s1], $0x400, $0x38;
	[tilespmem:$0x12800] =	vst v63  }
0x147: {  	_ =	swait.ge [sflag:s5], $0x400  }
0x148: {  	[sflag:s5] =	ssyncset.done $0x0  }
0x149: {  	s2 =	rddreg [dreg:$0x10];
	[sflag:s5] =	ssyncadd.s32 $0xFFFFFC00  }
0x14a: {  	[tilespmem:s18], [sflag:$0x3] =	stream.linear.gather [hbm4b:s2+s1], $0x400, $0x38;
	[tilespmem:$0x12800] =	vst v63  }
0x14b: {  	_ =	swait.ge [sflag:s5], $0x400  }
0x14c: {  	[sflag:s5] =	ssyncset.done $0x0  }
0x14d: {  	[sflag:s5] =	ssyncadd.s32 $0xFFFFFC00  }
0x14e: {  	[tilespmem:s14], [sflag:$0x1] =	stream.indirect.gather [hbm4b:s3+s14], $0x20, s1, s14, $0xb8;
	[tilespmem:$0x12800] =	vst v63  }
0x14f: {  	_ = 	snop  }
0x150: {  	[tilespmem:s15], [sflag:$0x1] =	stream.indirect.gather [hbm4b:s4+s14], $0x20, s18, s14, $0xb8;
	[tilespmem:$0x12800] =	vst v63  }
0x151: {  	_ =	swait.ge [sflag:s19], $0x8000  }
0x152: {  	[sflag:s19] =	ssyncset.done $0x0  }
0x153: {  	[sflag:s19] =	ssyncadd.s32 $0xFFFF8000  }
0x154: {  	_ =	swait.ge [sflag:s19], $0x8000  }
0x155: {  	[sflag:s19] =	ssyncset.done $0x0  }
0x156: {  	s2 =	rddreg [dreg:$0x11];
	[sflag:s19] =	ssyncadd.s32 $0xFFFF8000  }
0x157: {  	[hbm4b:s2+s1] =	stream.linear.scatter [tilespmem:s14], [sflag:$0x3], $0x8000, $0x38;
	[tilespmem:$0x12800] =	vst v63  }
0x158: {  	_ =	swait.ge [sflag:s5], $0x8000  }
0x159: {  	[sflag:s5] =	ssyncset.done $0x0  }
0x15a: {  	s2 =	rddreg [dreg:$0x12];
	[sflag:s5] =	ssyncadd.s32 $0xFFFF8000  }
0x15b: {  	[hbm4b:s2+s1] =	stream.linear.scatter [tilespmem:s15], [sflag:$0x3], $0x8000, $0x38;
	[tilespmem:$0x12800] =	vst v63  }
0x15c: {  	_ =	swait.ge [sflag:s5], $0x8000  }
0x15d: {  	[sflag:s5] =	ssyncset.done $0x0  }
0x15e: {  	s2 =	rddreg [dreg:$0x13];
	[sflag:s5] =	ssyncadd.s32 $0xFFFF8000  }
0x15f: {  	[tilespmem:s1], [sflag:$0x3] =	stream.linear.gather [hbm4b:s2+s1], $0x400, $0x38;
	[tilespmem:$0x12800] =	vst v63  }
0x160: {  	_ =	swait.ge [sflag:s5], $0x400  }
0x161: {  	[sflag:s5] =	ssyncset.done $0x0  }
0x162: {  	[sflag:s5] =	ssyncadd.s32 $0xFFFFFC00  }
0x163: {  	[tilespmem:s18], [sflag:$0x3] =	stream.linear.gather [hbm4b:s31+s1], $0x400, $0x38;
	[tilespmem:$0x12800] =	vst v63  }
0x164: {  	_ =	swait.ge [sflag:s5], $0x400  }
0x165: {  	[sflag:s5] =	ssyncset.done $0x0  }
0x166: {  	[sflag:s5] =	ssyncadd.s32 $0xFFFFFC00  }
0x167: {  	[tilespmem:s14], [sflag:$0x1] =	stream.indirect.gather [hbm4b:s3+s14], $0x20, s1, s14, $0xb8;
	[tilespmem:$0x12800] =	vst v63  }
0x168: {  	_ = 	snop  }
0x169: {  	[tilespmem:s15], [sflag:$0x1] =	stream.indirect.gather [hbm4b:s4+s14], $0x20, s18, s14, $0xb8;
	[tilespmem:$0x12800] =	vst v63  }
0x16a: {  	_ =	swait.ge [sflag:s19], $0x8000  }
0x16b: {  	[sflag:s19] =	ssyncset.done $0x0  }
0x16c: {  	[sflag:s19] =	ssyncadd.s32 $0xFFFF8000  }
0x16d: {  	_ =	swait.ge [sflag:s19], $0x8000  }
0x16e: {  	[sflag:s19] =	ssyncset.done $0x0  }
0x16f: {  	[sflag:s19] =	ssyncadd.s32 $0xFFFF8000  }
0x170: {  	[hbm4b:s30+s1] =	stream.linear.scatter [tilespmem:s14], [sflag:$0x3], $0x8000, $0x38;
	[tilespmem:$0x12800] =	vst v63  }
0x171: {  	_ =	swait.ge [sflag:s5], $0x8000  }
0x172: {  	[sflag:s5] =	ssyncset.done $0x0  }
0x173: {  	[sflag:s5] =	ssyncadd.s32 $0xFFFF8000  }
0x174: {  	[hbm4b:s29+s1] =	stream.linear.scatter [tilespmem:s15], [sflag:$0x3], $0x8000, $0x38;
	[tilespmem:$0x12800] =	vst v63  }
0x175: {  	_ =	swait.ge [sflag:s5], $0x8000  }
0x176: {  	[sflag:s5] =	ssyncset.done $0x0  }
0x177: {  	[sflag:s5] =	ssyncadd.s32 $0xFFFF8000  }
0x178: {  	[tilespmem:s1], [sflag:$0x3] =	stream.linear.gather [hbm4b:s28+s1], $0x400, $0x38;
	[tilespmem:$0x12800] =	vst v63  }
0x179: {  	_ =	swait.ge [sflag:s5], $0x400  }
0x17a: {  	[sflag:s5] =	ssyncset.done $0x0  }
0x17b: {  	[sflag:s5] =	ssyncadd.s32 $0xFFFFFC00  }
0x17c: {  	[tilespmem:s18], [sflag:$0x3] =	stream.linear.gather [hbm4b:s26+s1], $0x400, $0x38;
	[tilespmem:$0x12800] =	vst v63  }
0x17d: {  	_ =	swait.ge [sflag:s5], $0x400  }
0x17e: {  	[sflag:s5] =	ssyncset.done $0x0  }
0x17f: {  	[sflag:s5] =	ssyncadd.s32 $0xFFFFFC00  }
0x180: {  	[tilespmem:s14], [sflag:$0x1] =	stream.indirect.gather [hbm4b:s3+s14], $0x20, s1, s14, $0xb8;
	[tilespmem:$0x12800] =	vst v63  }
0x181: {  	_ = 	snop  }
0x182: {  	[tilespmem:s15], [sflag:$0x1] =	stream.indirect.gather [hbm4b:s4+s14], $0x20, s18, s14, $0xb8;
	[tilespmem:$0x12800] =	vst v63  }
0x183: {  	_ =	swait.ge [sflag:s19], $0x8000  }
0x184: {  	[sflag:s19] =	ssyncset.done $0x0  }
0x185: {  	[sflag:s19] =	ssyncadd.s32 $0xFFFF8000  }
0x186: {  	_ =	swait.ge [sflag:s19], $0x8000  }
0x187: {  	[sflag:s19] =	ssyncset.done $0x0  }
0x188: {  	[sflag:s19] =	ssyncadd.s32 $0xFFFF8000  }
0x189: {  	[hbm4b:s25+s1] =	stream.linear.scatter [tilespmem:s14], [sflag:$0x3], $0x8000, $0x38;
	[tilespmem:$0x12800] =	vst v63  }
0x18a: {  	_ =	swait.ge [sflag:s5], $0x8000  }
0x18b: {  	[sflag:s5] =	ssyncset.done $0x0  }
0x18c: {  	[sflag:s5] =	ssyncadd.s32 $0xFFFF8000  }
0x18d: {  	[hbm4b:s24+s1] =	stream.linear.scatter [tilespmem:s15], [sflag:$0x3], $0x8000, $0x38;
	[tilespmem:$0x12800] =	vst v63  }
0x18e: {  	_ =	swait.ge [sflag:s5], $0x8000  }
0x18f: {  	[sflag:s5] =	ssyncset.done $0x0  }
0x190: {  	[sflag:s5] =	ssyncadd.s32 $0xFFFF8000  }
0x191: {  	[tilespmem:s1], [sflag:$0x3] =	stream.linear.gather [hbm4b:s23+s1], $0x400, $0x38;
	[tilespmem:$0x12800] =	vst v63  }
0x192: {  	_ =	swait.ge [sflag:s5], $0x400  }
0x193: {  	[sflag:s5] =	ssyncset.done $0x0  }
0x194: {  	[sflag:s5] =	ssyncadd.s32 $0xFFFFFC00  }
0x195: {  	[tilespmem:s18], [sflag:$0x3] =	stream.linear.gather [hbm4b:s22+s1], $0x400, $0x38;
	[tilespmem:$0x12800] =	vst v63  }
0x196: {  	_ =	swait.ge [sflag:s5], $0x400  }
0x197: {  	[sflag:s5] =	ssyncset.done $0x0  }
0x198: {  	[sflag:s5] =	ssyncadd.s32 $0xFFFFFC00  }
0x199: {  	[tilespmem:s14], [sflag:$0x1] =	stream.indirect.gather [hbm4b:s3+s14], $0x20, s1, s14, $0xb8;
	[tilespmem:$0x12800] =	vst v63  }
0x19a: {  	_ = 	snop  }
0x19b: {  	[tilespmem:s15], [sflag:$0x1] =	stream.indirect.gather [hbm4b:s4+s14], $0x20, s18, s14, $0xb8;
	[tilespmem:$0x12800] =	vst v63  }
0x19c: {  	_ =	swait.ge [sflag:s19], $0x8000  }
0x19d: {  	[sflag:s19] =	ssyncset.done $0x0  }
0x19e: {  	[sflag:s19] =	ssyncadd.s32 $0xFFFF8000  }
0x19f: {  	_ =	swait.ge [sflag:s19], $0x8000  }
0x1a0: {  	[sflag:s19] =	ssyncset.done $0x0  }
0x1a1: {  	[sflag:s19] =	ssyncadd.s32 $0xFFFF8000  }
0x1a2: {  	[hbm4b:s21+s1] =	stream.linear.scatter [tilespmem:s14], [sflag:$0x3], $0x8000, $0x38;
	[tilespmem:$0x12800] =	vst v63  }
0x1a3: {  	_ =	swait.ge [sflag:s5], $0x8000  }
0x1a4: {  	[sflag:s5] =	ssyncset.done $0x0  }
0x1a5: {  	[sflag:s5] =	ssyncadd.s32 $0xFFFF8000  }
0x1a6: {  	[hbm4b:s20+s1] =	stream.linear.scatter [tilespmem:s15], [sflag:$0x3], $0x8000, $0x38;
	[tilespmem:$0x12800] =	vst v63  }
0x1a7: {  	_ =	swait.ge [sflag:s5], $0x8000  }
0x1a8: {  	[sflag:s5] =	ssyncset.done $0x0  }
0x1a9: {  	[sflag:s5] =	ssyncadd.s32 $0xFFFF8000  }
0x1aa: {  	[tilespmem:s1], [sflag:$0x3] =	stream.linear.gather [hbm4b:s17+s1], $0x400, $0x38;
	[tilespmem:$0x12800] =	vst v63  }
0x1ab: {  	_ =	swait.ge [sflag:s5], $0x400  }
0x1ac: {  	[sflag:s5] =	ssyncset.done $0x0  }
0x1ad: {  	[sflag:s5] =	ssyncadd.s32 $0xFFFFFC00  }
0x1ae: {  	[tilespmem:s18], [sflag:$0x3] =	stream.linear.gather [hbm4b:s16+s1], $0x400, $0x38;
	[tilespmem:$0x12800] =	vst v63  }
0x1af: {  	_ =	swait.ge [sflag:s5], $0x400  }
0x1b0: {  	[sflag:s5] =	ssyncset.done $0x0  }
0x1b1: {  	[sflag:s5] =	ssyncadd.s32 $0xFFFFFC00  }
0x1b2: {  	[tilespmem:s14], [sflag:$0x1] =	stream.indirect.gather [hbm4b:s3+s14], $0x20, s1, s14, $0xb8;
	[tilespmem:$0x12800] =	vst v63  }
0x1b3: {  	_ = 	snop  }
0x1b4: {  	[tilespmem:s15], [sflag:$0x1] =	stream.indirect.gather [hbm4b:s4+s14], $0x20, s18, s14, $0xb8;
	[tilespmem:$0x12800] =	vst v63  }
0x1b5: {  	_ =	swait.ge [sflag:s19], $0x8000  }
0x1b6: {  	[sflag:s19] =	ssyncset.done $0x0  }
0x1b7: {  	[sflag:s19] =	ssyncadd.s32 $0xFFFF8000  }
0x1b8: {  	_ =	swait.ge [sflag:s19], $0x8000  }
0x1b9: {  	[sflag:s19] =	ssyncset.done $0x0  }
0x1ba: {  	[sflag:s19] =	ssyncadd.s32 $0xFFFF8000  }
0x1bb: {  	[hbm4b:s10+s1] =	stream.linear.scatter [tilespmem:s14], [sflag:$0x3], $0x8000, $0x38;
	[tilespmem:$0x12800] =	vst v63  }
0x1bc: {  	_ =	swait.ge [sflag:s5], $0x8000  }
0x1bd: {  	[sflag:s5] =	ssyncset.done $0x0  }
0x1be: {  	[sflag:s5] =	ssyncadd.s32 $0xFFFF8000  }
0x1bf: {  	[hbm4b:s8+s1] =	stream.linear.scatter [tilespmem:s15], [sflag:$0x3], $0x8000, $0x38;
	[tilespmem:$0x12800] =	vst v63  }
0x1c0: {  	_ =	swait.ge [sflag:s5], $0x8000  }
0x1c1: {  	[sflag:s5] =	ssyncset.done $0x0  }
0x1c2: {  	[sflag:s5] =	ssyncadd.s32 $0xFFFF8000  }
0x1c3: {  	[tilespmem:s11], [sflag:$0x3] =	stream.linear.gather [hbm4b:s7+s1], $0x1000, $0x38;
	[tilespmem:$0x12800] =	vst v63  }
0x1c4: {  	_ =	swait.ge [sflag:s5], $0x1000  }
0x1c5: {  	[sflag:s5] =	ssyncset.done $0x0  }
0x1c6: {  	s2 =	rddreg [dreg:$0x2];
	[sflag:s5] =	ssyncadd.s32 $0xFFFFF000  }
0x1c7: {  	[tilespmem:s9], [sflag:$0x2] =	stream.indirect.gather [hbm4b:s2+s13], $0x1, s11, s13, $0xb8;
	[tilespmem:$0x12800] =	vst v63  }
0x1c8: {  	p1 =	sne.s32 s0, $0x1;
	_ =	swait.ge [sflag:s12], $0x1000  }
.Ltmp2:
0x1c9: {  	[sflag:s12] =	ssyncset.done $0x0;
	(pc) =	sbr.rel @p1 .LBB2_2-.Ltmp2, $4  }
0x1ca: {  	[sflag:s12] =	ssyncadd.s32 $0xFFFFF000  }
0x1cb: {  	[hbm4b:s6+s1] =	stream.linear.scatter [tilespmem:s9], [sflag:$0x3], $0x1000, $0x38;
	[tilespmem:$0x12800] =	vst v63  }
0x1cc: {  	_ =	swait.ge [sflag:s5], $0x1000  }
0x1cd: {  	s0 =	sadd.s32 $0xFFFFFFFF, s0;
	s2 =	rddreg [dreg:$0x3];
	[sflag:s5] =	ssyncset.done $0x0  }
.LBB2_3:
0x1ce: {  	[sflag:s5] =	ssyncadd.s32 @p0 $0xFFFFF000  }
0x1cf: {  	[tilespmem:s1], [sflag:$0x3] =	stream.linear.gather [hbm4b:s2+s1], $0x400, $0x38;
	[tilespmem:$0x12800] =	vst v63  }
0x1d0: {  	_ =	swait.ge [sflag:s5], $0x400  }
0x1d1: {  	[sflag:s5] =	ssyncset.done $0x0  }
0x1d2: {  	s0 =	rddreg [dreg:$0x4];
	[sflag:s5] =	ssyncadd.s32 $0xFFFFFC00  }
0x1d3: {  	[tilespmem:s18], [sflag:$0x3] =	stream.linear.gather [hbm4b:s0+s1], $0x400, $0x38;
	[tilespmem:$0x12800] =	vst v63  }
0x1d4: {  	_ =	swait.ge [sflag:s5], $0x400  }
0x1d5: {  	[sflag:s5] =	ssyncset.done $0x0  }
0x1d6: {  	[sflag:s5] =	ssyncadd.s32 $0xFFFFFC00  }
0x1d7: {  	[tilespmem:s14], [sflag:$0x1] =	stream.indirect.gather [hbm4b:s3+s14], $0x20, s1, s14, $0xb8;
	[tilespmem:$0x12800] =	vst v63  }
0x1d8: {  	_ = 	snop  }
0x1d9: {  	[tilespmem:s15], [sflag:$0x1] =	stream.indirect.gather [hbm4b:s4+s14], $0x20, s18, s14, $0xb8;
	[tilespmem:$0x12800] =	vst v63  }
0x1da: {  	_ =	swait.ge [sflag:s19], $0x8000  }
0x1db: {  	[sflag:s19] =	ssyncset.done $0x0  }
0x1dc: {  	[sflag:s19] =	ssyncadd.s32 $0xFFFF8000  }
0x1dd: {  	_ =	swait.ge [sflag:s19], $0x8000  }
0x1de: {  	[sflag:s19] =	ssyncset.done $0x0  }
0x1df: {  	s2 =	rddreg [dreg:$0x5];
	[sflag:s19] =	ssyncadd.s32 $0xFFFF8000  }
0x1e0: {  	[hbm4b:s2+s1] =	stream.linear.scatter [tilespmem:s14], [sflag:$0x3], $0x8000, $0x38;
	[tilespmem:$0x12800] =	vst v63  }
0x1e1: {  	_ =	swait.ge [sflag:s5], $0x8000  }
0x1e2: {  	[sflag:s5] =	ssyncset.done $0x0  }
0x1e3: {  	s2 =	rddreg [dreg:$0x6];
	[sflag:s5] =	ssyncadd.s32 $0xFFFF8000  }
0x1e4: {  	[hbm4b:s2+s1] =	stream.linear.scatter [tilespmem:s15], [sflag:$0x3], $0x8000, $0x38;
	[tilespmem:$0x12800] =	vst v63  }
0x1e5: {  	_ =	swait.ge [sflag:s5], $0x8000  }
0x1e6: {  	[sflag:s5] =	ssyncset.done $0x0  }
0x1e7: {  	s2 =	rddreg [dreg:$0x7];
	[sflag:s5] =	ssyncadd.s32 $0xFFFF8000  }
0x1e8: {  	[tilespmem:s1], [sflag:$0x3] =	stream.linear.gather [hbm4b:s2+s1], $0x400, $0x38;
	[tilespmem:$0x12800] =	vst v63  }
0x1e9: {  	_ =	swait.ge [sflag:s5], $0x400  }
0x1ea: {  	[sflag:s5] =	ssyncset.done $0x0  }
0x1eb: {  	s2 =	rddreg [dreg:$0x8];
	[sflag:s5] =	ssyncadd.s32 $0xFFFFFC00  }
0x1ec: {  	[tilespmem:s18], [sflag:$0x3] =	stream.linear.gather [hbm4b:s2+s1], $0x400, $0x38;
	[tilespmem:$0x12800] =	vst v63  }
0x1ed: {  	_ =	swait.ge [sflag:s5], $0x400  }
0x1ee: {  	[sflag:s5] =	ssyncset.done $0x0  }
0x1ef: {  	[sflag:s5] =	ssyncadd.s32 $0xFFFFFC00  }
0x1f0: {  	[tilespmem:s14], [sflag:$0x1] =	stream.indirect.gather [hbm4b:s3+s14], $0x20, s1, s14, $0xb8;
	[tilespmem:$0x12800] =	vst v63  }
0x1f1: {  	_ = 	snop  }
0x1f2: {  	[tilespmem:s15], [sflag:$0x1] =	stream.indirect.gather [hbm4b:s4+s14], $0x20, s18, s14, $0xb8;
	[tilespmem:$0x12800] =	vst v63  }
0x1f3: {  	_ =	swait.ge [sflag:s19], $0x8000  }
0x1f4: {  	[sflag:s19] =	ssyncset.done $0x0  }
0x1f5: {  	[sflag:s19] =	ssyncadd.s32 $0xFFFF8000  }
0x1f6: {  	_ =	swait.ge [sflag:s19], $0x8000  }
0x1f7: {  	[sflag:s19] =	ssyncset.done $0x0  }
0x1f8: {  	s2 =	rddreg [dreg:$0x9];
	[sflag:s19] =	ssyncadd.s32 $0xFFFF8000  }
0x1f9: {  	[hbm4b:s2+s1] =	stream.linear.scatter [tilespmem:s14], [sflag:$0x3], $0x8000, $0x38;
	[tilespmem:$0x12800] =	vst v63  }
0x1fa: {  	_ =	swait.ge [sflag:s5], $0x8000  }
0x1fb: {  	[sflag:s5] =	ssyncset.done $0x0  }
0x1fc: {  	s2 =	rddreg [dreg:$0xa];
	[sflag:s5] =	ssyncadd.s32 $0xFFFF8000  }
0x1fd: {  	[hbm4b:s2+s1] =	stream.linear.scatter [tilespmem:s15], [sflag:$0x3], $0x8000, $0x38;
	[tilespmem:$0x12800] =	vst v63  }
0x1fe: {  	_ =	swait.ge [sflag:s5], $0x8000  }
0x1ff: {  	[sflag:s5] =	ssyncset.done $0x0  }
0x200: {  	s2 =	rddreg [dreg:$0xb];
	[sflag:s5] =	ssyncadd.s32 $0xFFFF8000  }
0x201: {  	[tilespmem:s1], [sflag:$0x3] =	stream.linear.gather [hbm4b:s2+s1], $0x400, $0x38;
	[tilespmem:$0x12800] =	vst v63  }
0x202: {  	_ =	swait.ge [sflag:s5], $0x400  }
0x203: {  	[sflag:s5] =	ssyncset.done $0x0  }
0x204: {  	s2 =	rddreg [dreg:$0xc];
	[sflag:s5] =	ssyncadd.s32 $0xFFFFFC00  }
0x205: {  	[tilespmem:s18], [sflag:$0x3] =	stream.linear.gather [hbm4b:s2+s1], $0x400, $0x38;
	[tilespmem:$0x12800] =	vst v63  }
0x206: {  	_ =	swait.ge [sflag:s5], $0x400  }
0x207: {  	[sflag:s5] =	ssyncset.done $0x0  }
0x208: {  	[sflag:s5] =	ssyncadd.s32 $0xFFFFFC00  }
0x209: {  	[tilespmem:s14], [sflag:$0x1] =	stream.indirect.gather [hbm4b:s3+s14], $0x20, s1, s14, $0xb8;
	[tilespmem:$0x12800] =	vst v63  }
0x20a: {  	_ = 	snop  }
0x20b: {  	[tilespmem:s15], [sflag:$0x1] =	stream.indirect.gather [hbm4b:s4+s14], $0x20, s18, s14, $0xb8;
	[tilespmem:$0x12800] =	vst v63  }
0x20c: {  	_ =	swait.ge [sflag:s19], $0x8000  }
0x20d: {  	[sflag:s19] =	ssyncset.done $0x0  }
0x20e: {  	[sflag:s19] =	ssyncadd.s32 $0xFFFF8000  }
0x20f: {  	_ =	swait.ge [sflag:s19], $0x8000  }
0x210: {  	[sflag:s19] =	ssyncset.done $0x0  }
0x211: {  	s2 =	rddreg [dreg:$0xd];
	[sflag:s19] =	ssyncadd.s32 $0xFFFF8000  }
0x212: {  	[hbm4b:s2+s1] =	stream.linear.scatter [tilespmem:s14], [sflag:$0x3], $0x8000, $0x38;
	[tilespmem:$0x12800] =	vst v63  }
0x213: {  	_ =	swait.ge [sflag:s5], $0x8000  }
0x214: {  	[sflag:s5] =	ssyncset.done $0x0  }
0x215: {  	s2 =	rddreg [dreg:$0xe];
	[sflag:s5] =	ssyncadd.s32 $0xFFFF8000  }
0x216: {  	[hbm4b:s2+s1] =	stream.linear.scatter [tilespmem:s15], [sflag:$0x3], $0x8000, $0x38;
	[tilespmem:$0x12800] =	vst v63  }
0x217: {  	_ =	swait.ge [sflag:s5], $0x8000  }
0x218: {  	[sflag:s5] =	ssyncset.done $0x0  }
0x219: {  	s2 =	rddreg [dreg:$0xf];
	[sflag:s5] =	ssyncadd.s32 $0xFFFF8000  }
0x21a: {  	[tilespmem:s1], [sflag:$0x3] =	stream.linear.gather [hbm4b:s2+s1], $0x400, $0x38;
	[tilespmem:$0x12800] =	vst v63  }
0x21b: {  	_ =	swait.ge [sflag:s5], $0x400  }
0x21c: {  	[sflag:s5] =	ssyncset.done $0x0  }
0x21d: {  	s2 =	rddreg [dreg:$0x10];
	[sflag:s5] =	ssyncadd.s32 $0xFFFFFC00  }
0x21e: {  	[tilespmem:s18], [sflag:$0x3] =	stream.linear.gather [hbm4b:s2+s1], $0x400, $0x38;
	[tilespmem:$0x12800] =	vst v63  }
0x21f: {  	_ =	swait.ge [sflag:s5], $0x400  }
0x220: {  	[sflag:s5] =	ssyncset.done $0x0  }
0x221: {  	[sflag:s5] =	ssyncadd.s32 $0xFFFFFC00  }
0x222: {  	[tilespmem:s14], [sflag:$0x1] =	stream.indirect.gather [hbm4b:s3+s14], $0x20, s1, s14, $0xb8;
	[tilespmem:$0x12800] =	vst v63  }
0x223: {  	_ = 	snop  }
0x224: {  	[tilespmem:s15], [sflag:$0x1] =	stream.indirect.gather [hbm4b:s4+s14], $0x20, s18, s14, $0xb8;
	[tilespmem:$0x12800] =	vst v63  }
0x225: {  	_ =	swait.ge [sflag:s19], $0x8000  }
0x226: {  	[sflag:s19] =	ssyncset.done $0x0  }
0x227: {  	[sflag:s19] =	ssyncadd.s32 $0xFFFF8000  }
0x228: {  	_ =	swait.ge [sflag:s19], $0x8000  }
0x229: {  	[sflag:s19] =	ssyncset.done $0x0  }
0x22a: {  	s2 =	rddreg [dreg:$0x11];
	[sflag:s19] =	ssyncadd.s32 $0xFFFF8000  }
0x22b: {  	[hbm4b:s2+s1] =	stream.linear.scatter [tilespmem:s14], [sflag:$0x3], $0x8000, $0x38;
	[tilespmem:$0x12800] =	vst v63  }
0x22c: {  	_ =	swait.ge [sflag:s5], $0x8000  }
0x22d: {  	[sflag:s5] =	ssyncset.done $0x0  }
0x22e: {  	s2 =	rddreg [dreg:$0x12];
	[sflag:s5] =	ssyncadd.s32 $0xFFFF8000  }
0x22f: {  	[hbm4b:s2+s1] =	stream.linear.scatter [tilespmem:s15], [sflag:$0x3], $0x8000, $0x38;
	[tilespmem:$0x12800] =	vst v63  }
0x230: {  	_ =	swait.ge [sflag:s5], $0x8000  }
0x231: {  	[sflag:s5] =	ssyncset.done $0x0  }
0x232: {  	s2 =	rddreg [dreg:$0x13];
	[sflag:s5] =	ssyncadd.s32 $0xFFFF8000  }
0x233: {  	[tilespmem:s1], [sflag:$0x3] =	stream.linear.gather [hbm4b:s2+s1], $0x400, $0x38;
	[tilespmem:$0x12800] =	vst v63  }
0x234: {  	_ =	swait.ge [sflag:s5], $0x400  }
0x235: {  	[sflag:s5] =	ssyncset.done $0x0  }
0x236: {  	[sflag:s5] =	ssyncadd.s32 $0xFFFFFC00  }
0x237: {  	[tilespmem:s18], [sflag:$0x3] =	stream.linear.gather [hbm4b:s31+s1], $0x400, $0x38;
	[tilespmem:$0x12800] =	vst v63  }
0x238: {  	_ =	swait.ge [sflag:s5], $0x400  }
0x239: {  	[sflag:s5] =	ssyncset.done $0x0  }
0x23a: {  	[sflag:s5] =	ssyncadd.s32 $0xFFFFFC00  }
0x23b: {  	[tilespmem:s14], [sflag:$0x1] =	stream.indirect.gather [hbm4b:s3+s14], $0x20, s1, s14, $0xb8;
	[tilespmem:$0x12800] =	vst v63  }
0x23c: {  	_ = 	snop  }
0x23d: {  	[tilespmem:s15], [sflag:$0x1] =	stream.indirect.gather [hbm4b:s4+s14], $0x20, s18, s14, $0xb8;
	[tilespmem:$0x12800] =	vst v63  }
0x23e: {  	_ =	swait.ge [sflag:s19], $0x8000  }
0x23f: {  	[sflag:s19] =	ssyncset.done $0x0  }
0x240: {  	[sflag:s19] =	ssyncadd.s32 $0xFFFF8000  }
0x241: {  	_ =	swait.ge [sflag:s19], $0x8000  }
0x242: {  	[sflag:s19] =	ssyncset.done $0x0  }
0x243: {  	[sflag:s19] =	ssyncadd.s32 $0xFFFF8000  }
0x244: {  	[hbm4b:s30+s1] =	stream.linear.scatter [tilespmem:s14], [sflag:$0x3], $0x8000, $0x38;
	[tilespmem:$0x12800] =	vst v63  }
0x245: {  	_ =	swait.ge [sflag:s5], $0x8000  }
0x246: {  	[sflag:s5] =	ssyncset.done $0x0  }
0x247: {  	[sflag:s5] =	ssyncadd.s32 $0xFFFF8000  }
0x248: {  	[hbm4b:s29+s1] =	stream.linear.scatter [tilespmem:s15], [sflag:$0x3], $0x8000, $0x38;
	[tilespmem:$0x12800] =	vst v63  }
0x249: {  	_ =	swait.ge [sflag:s5], $0x8000  }
0x24a: {  	[sflag:s5] =	ssyncset.done $0x0  }
0x24b: {  	[sflag:s5] =	ssyncadd.s32 $0xFFFF8000  }
0x24c: {  	[tilespmem:s1], [sflag:$0x3] =	stream.linear.gather [hbm4b:s28+s1], $0x400, $0x38;
	[tilespmem:$0x12800] =	vst v63  }
0x24d: {  	_ =	swait.ge [sflag:s5], $0x400  }
0x24e: {  	[sflag:s5] =	ssyncset.done $0x0  }
0x24f: {  	[sflag:s5] =	ssyncadd.s32 $0xFFFFFC00  }
0x250: {  	[tilespmem:s18], [sflag:$0x3] =	stream.linear.gather [hbm4b:s26+s1], $0x400, $0x38;
	[tilespmem:$0x12800] =	vst v63  }
0x251: {  	_ =	swait.ge [sflag:s5], $0x400  }
0x252: {  	[sflag:s5] =	ssyncset.done $0x0  }
0x253: {  	[sflag:s5] =	ssyncadd.s32 $0xFFFFFC00  }
0x254: {  	[tilespmem:s14], [sflag:$0x1] =	stream.indirect.gather [hbm4b:s3+s14], $0x20, s1, s14, $0xb8;
	[tilespmem:$0x12800] =	vst v63  }
0x255: {  	_ = 	snop  }
0x256: {  	[tilespmem:s15], [sflag:$0x1] =	stream.indirect.gather [hbm4b:s4+s14], $0x20, s18, s14, $0xb8;
	[tilespmem:$0x12800] =	vst v63  }
0x257: {  	_ =	swait.ge [sflag:s19], $0x8000  }
0x258: {  	[sflag:s19] =	ssyncset.done $0x0  }
0x259: {  	[sflag:s19] =	ssyncadd.s32 $0xFFFF8000  }
0x25a: {  	_ =	swait.ge [sflag:s19], $0x8000  }
0x25b: {  	[sflag:s19] =	ssyncset.done $0x0  }
0x25c: {  	[sflag:s19] =	ssyncadd.s32 $0xFFFF8000  }
0x25d: {  	[hbm4b:s25+s1] =	stream.linear.scatter [tilespmem:s14], [sflag:$0x3], $0x8000, $0x38;
	[tilespmem:$0x12800] =	vst v63  }
0x25e: {  	_ =	swait.ge [sflag:s5], $0x8000  }
0x25f: {  	[sflag:s5] =	ssyncset.done $0x0  }
0x260: {  	[sflag:s5] =	ssyncadd.s32 $0xFFFF8000  }
0x261: {  	[hbm4b:s24+s1] =	stream.linear.scatter [tilespmem:s15], [sflag:$0x3], $0x8000, $0x38;
	[tilespmem:$0x12800] =	vst v63  }
0x262: {  	_ =	swait.ge [sflag:s5], $0x8000  }
0x263: {  	[sflag:s5] =	ssyncset.done $0x0  }
0x264: {  	[sflag:s5] =	ssyncadd.s32 $0xFFFF8000  }
0x265: {  	[tilespmem:s1], [sflag:$0x3] =	stream.linear.gather [hbm4b:s23+s1], $0x400, $0x38;
	[tilespmem:$0x12800] =	vst v63  }
0x266: {  	_ =	swait.ge [sflag:s5], $0x400  }
0x267: {  	[sflag:s5] =	ssyncset.done $0x0  }
0x268: {  	[sflag:s5] =	ssyncadd.s32 $0xFFFFFC00  }
0x269: {  	[tilespmem:s18], [sflag:$0x3] =	stream.linear.gather [hbm4b:s22+s1], $0x400, $0x38;
	[tilespmem:$0x12800] =	vst v63  }
0x26a: {  	_ =	swait.ge [sflag:s5], $0x400  }
0x26b: {  	[sflag:s5] =	ssyncset.done $0x0  }
0x26c: {  	[sflag:s5] =	ssyncadd.s32 $0xFFFFFC00  }
0x26d: {  	[tilespmem:s14], [sflag:$0x1] =	stream.indirect.gather [hbm4b:s3+s14], $0x20, s1, s14, $0xb8;
	[tilespmem:$0x12800] =	vst v63  }
0x26e: {  	_ = 	snop  }
0x26f: {  	[tilespmem:s15], [sflag:$0x1] =	stream.indirect.gather [hbm4b:s4+s14], $0x20, s18, s14, $0xb8;
	[tilespmem:$0x12800] =	vst v63  }
0x270: {  	_ =	swait.ge [sflag:s19], $0x8000  }
0x271: {  	[sflag:s19] =	ssyncset.done $0x0  }
0x272: {  	[sflag:s19] =	ssyncadd.s32 $0xFFFF8000  }
0x273: {  	_ =	swait.ge [sflag:s19], $0x8000  }
0x274: {  	[sflag:s19] =	ssyncset.done $0x0  }
0x275: {  	[sflag:s19] =	ssyncadd.s32 $0xFFFF8000  }
0x276: {  	[hbm4b:s21+s1] =	stream.linear.scatter [tilespmem:s14], [sflag:$0x3], $0x8000, $0x38;
	[tilespmem:$0x12800] =	vst v63  }
0x277: {  	_ =	swait.ge [sflag:s5], $0x8000  }
0x278: {  	[sflag:s5] =	ssyncset.done $0x0  }
0x279: {  	[sflag:s5] =	ssyncadd.s32 $0xFFFF8000  }
0x27a: {  	[hbm4b:s20+s1] =	stream.linear.scatter [tilespmem:s15], [sflag:$0x3], $0x8000, $0x38;
	[tilespmem:$0x12800] =	vst v63  }
0x27b: {  	_ =	swait.ge [sflag:s5], $0x8000  }
0x27c: {  	[sflag:s5] =	ssyncset.done $0x0  }
0x27d: {  	[sflag:s5] =	ssyncadd.s32 $0xFFFF8000  }
0x27e: {  	[tilespmem:s1], [sflag:$0x3] =	stream.linear.gather [hbm4b:s17+s1], $0x400, $0x38;
	[tilespmem:$0x12800] =	vst v63  }
0x27f: {  	_ =	swait.ge [sflag:s5], $0x400  }
0x280: {  	[sflag:s5] =	ssyncset.done $0x0  }
0x281: {  	[sflag:s5] =	ssyncadd.s32 $0xFFFFFC00  }
0x282: {  	[tilespmem:s18], [sflag:$0x3] =	stream.linear.gather [hbm4b:s16+s1], $0x400, $0x38;
	[tilespmem:$0x12800] =	vst v63  }
0x283: {  	_ =	swait.ge [sflag:s5], $0x400  }
0x284: {  	[sflag:s5] =	ssyncset.done $0x0  }
0x285: {  	[sflag:s5] =	ssyncadd.s32 $0xFFFFFC00  }
0x286: {  	[tilespmem:s14], [sflag:$0x1] =	stream.indirect.gather [hbm4b:s3+s14], $0x20, s1, s14, $0xb8;
	[tilespmem:$0x12800] =	vst v63  }
0x287: {  	_ = 	snop  }
0x288: {  	[tilespmem:s15], [sflag:$0x1] =	stream.indirect.gather [hbm4b:s4+s14], $0x20, s18, s14, $0xb8;
	[tilespmem:$0x12800] =	vst v63  }
0x289: {  	_ =	swait.ge [sflag:s19], $0x8000  }
0x28a: {  	[sflag:s19] =	ssyncset.done $0x0  }
0x28b: {  	[sflag:s19] =	ssyncadd.s32 $0xFFFF8000  }
0x28c: {  	_ =	swait.ge [sflag:s19], $0x8000  }
0x28d: {  	[sflag:s19] =	ssyncset.done $0x0  }
0x28e: {  	[sflag:s19] =	ssyncadd.s32 $0xFFFF8000  }
0x28f: {  	[hbm4b:s10+s1] =	stream.linear.scatter [tilespmem:s14], [sflag:$0x3], $0x8000, $0x38;
	[tilespmem:$0x12800] =	vst v63  }
0x290: {  	_ =	swait.ge [sflag:s5], $0x8000  }
0x291: {  	[sflag:s5] =	ssyncset.done $0x0  }
0x292: {  	[sflag:s5] =	ssyncadd.s32 $0xFFFF8000  }
0x293: {  	[hbm4b:s8+s1] =	stream.linear.scatter [tilespmem:s15], [sflag:$0x3], $0x8000, $0x38;
	[tilespmem:$0x12800] =	vst v63  }
0x294: {  	_ =	swait.ge [sflag:s5], $0x8000  }
0x295: {  	[sflag:s5] =	ssyncset.done $0x0  }
0x296: {  	[sflag:s5] =	ssyncadd.s32 $0xFFFF8000  }
0x297: {  	[tilespmem:s11], [sflag:$0x3] =	stream.linear.gather [hbm4b:s7+s1], $0x1000, $0x38;
	[tilespmem:$0x12800] =	vst v63  }
0x298: {  	_ =	swait.ge [sflag:s5], $0x1000  }
0x299: {  	[sflag:s5] =	ssyncset.done $0x0  }
0x29a: {  	s30 =	rddreg [dreg:$0x2];
	[sflag:s5] =	ssyncadd.s32 $0xFFFFF000  }
0x29b: {  	[tilespmem:s9], [sflag:$0x2] =	stream.indirect.gather [hbm4b:s30+s13], $0x1, s11, s13, $0xb8;
	[tilespmem:$0x12800] =	vst v63  }
0x29c: {  	_ =	swait.ge [sflag:s12], $0x1000  }
0x29d: {  	[sflag:s12] =	ssyncset.done $0x0  }
0x29e: {  	[sflag:s12] =	ssyncadd.s32 $0xFFFFF000  }
0x29f: {  	[hbm4b:s6+s1] =	stream.linear.scatter [tilespmem:s9], [sflag:$0x3], $0x1000, $0x38;
	[tilespmem:$0x12800] =	vst v63  }
0x2a0: {  	_ =	swait.ge [sflag:s5], $0x1000  }
0x2a1: {  	[sflag:s5] =	ssyncset.done $0x0  }
0x2a2: {  	[sflag:s5] =	ssyncadd.s32 $0xFFFFF000  }
0x2a3: {  	_ =	sfence.sel $0x180000  }
0x2a4: {  	[bflag:$0x0] =	sbarrier.arrive $0xFFFF  }
0x2a5: {  	_ =	strace $0x90000047  }
0x2a6: {  	s31 =	stileid.u32;
	[bflag:$0x2] =	sbarrier.arrive $0xFFFF  }
0x2a7: {  	p0 =	sne.s32 s31, $0x0;
	s0 =	rddreg [dreg:$0x1]  }
0x2a8: {  	s0 =	sadd.s32 @!p0 $0x100000, s0  }
0x2a9: {  	[sflag:s0] =	ssyncadd.tile.s32 @!p0 $0x1;
	_ =	shalt  }
.Lfunc_end2:
_tile_overlayer_lowered:
.L_overlay_start_2:
0x2aa: {  	(tag) =	ssettag $0x2  }
0x2ab: {  	s0 =	rddreg [dreg:$0x0];
	s2 =	stileid.u32  }
0x2ac: {  	s1 =	rddreg [dreg:$0x1];
	p0 =	sne.s32 s2, $0x0  }
0x2ad: {  	s3 =	rddreg [dreg:$0x2];
	[bflag:$0x3] =	sbarrier.arrive $0xFFFF;
	s2 =	simm.s32 @!p0 $0x1C03  }
0x2ae: {  	[timem:s3], [sflag:s2] =	dma.local @!p0 [hbm:s0], s1  }
0x2af: {  	s0 =	simm.s32 @!p0 $0x3  }
0x2b0: {  	_ =	swait.ge @!p0 [sflag:s0], s1  }
0x2b1: {  	s1 =	ssub.s32 @!p0 $0x0, s1;
	[sflag:s0] =	ssyncset.done @!p0 $0x0  }
0x2b2: {  	[sflag:s0] =	ssyncadd.s32 @!p0 s1  }
0x2b3: {  	[bflag:$0x3] =	sbarrier.arrive $0xFFFF  }
0x2b4: {  	_ =	shalt  }

// kernel: kernel.9.cloned.1.call-start
scs
__scs_entry_jumppad:
0x0: {  	(pc) =	sbr.rel $0x88, $3  }
0x1: {  	(tag) =	ssettag $0x0;
	lr =	simm.s32 $0x1  }
0x2: {  	[smem:$0x3F88] =	sst lr;
	_ =	strace $0xD0000000  }
0x3: {  	_ = 	snop  }
0x4: {  	_ = 	snop  }
0x5: {  	_ = 	snop  }
0x6: {  	_ = 	snop  }
0x7: {  	_ = 	snop  }
__scs_overlays_trampoline_lowered:
0x8: {  	[smem:$0x3F97] =	sst s0  }
0x9: {  	[smem:$0x3F98] =	sst s1  }
0xa: {  	[smem:$0x3F99] =	sst s2  }
0xb: {  	[smem:$0x3F9A] =	sst s3  }
0xc: {  	[smem:$0x3F9B] =	sst s4  }
0xd: {  	[smem:$0x3F9C] =	sst s5  }
0xe: {  	[smem:$0x3F9D] =	sst s6  }
0xf: {  	[smem:$0x3F9E] =	sst s7  }
0x10: {  	[smem:$0x3F9F] =	sst s8  }
0x11: {  	[smem:$0x3FA0] =	sst s9;
	s0 =	simm.s32 @!p0 $0x0  }
0x12: {  	s1 =	sld [smem:$0x3F86];
	s0 =	simm.s32 @p0 $0x1  }
0x13: {  	[smem:$0x3FA1] =	sst s0;
	s0 =	simm.s32 @!p1 $0x0  }
0x14: {  	s2 =	sld [smem:$0x3F85];
	s0 =	simm.s32 @p1 $0x1  }
0x15: {  	[smem:$0x3FA2] =	sst s0;
	s0 =	simm.s32 @!p2 $0x0  }
0x16: {  	s3 =	sld [smem:$0x3FDB];
	s0 =	simm.s32 @p2 $0x1  }
0x17: {  	s4 =	simm.s32 $0x1BF5;
	[smem:$0x3FA4] =	sst s0  }
0x18: {  	s0 =	sld [smem:$0x3F87];
	_ =	swait.ge [sflag:s4], $0x0  }
0x19: {  	s7 =	sld [smem:$0x3F88]  }
0x1a: {  	s8 =	sadd.s32 $0xFFFFE003, lr  }
0x1b: {  	s9 =	sadd.s32 $0xFFFFFEF7, lr;
	s5 =	simm.s32 $0xFFFFFFFF;
	p2 =	slt.u32 s8, $0xFFFFF086  }
0x1c: {  	p1 =	slt.u32 s9, $0xF7A;
	s5 =	simm.s32 @!p2 $0x0  }
0x1d: {  	s5 =	simm.s32 @p1 $0x1;
	p0 =	seq.s32 s7, s2  }
0x1e: {  	s7 =	smul.u32 @!p0 $0xF7A, s2;
	p2 =	seq.s32 @!p0 s5, $0x0  }
0x1f: {  	s9 =	smul.u32 $0xF7A, s1;
	s8 =	simm.s32 @!p0 $0x1BF5;
	p2 =	por !p2, p0  }
0x20: {  	[sflag:s8] =	ssyncset.s32 @!p0 $0xFFFFF086;
	s6 =	sadd.s32 @!p0 s3, s7;
	s7 =	simm.s32 @!p0 $0x108  }
0x21: {  	s3 =	sadd.s32 s3, s9;
	s6 =	sadd.s32 @!p0 $0x88, s6;
	s7 =	simm.s32 @p2 $0x1082  }
0x22: {  	[simem:s7], [sflag:s8] =	dma.local @!p0 [hbm:s6], $0xF7A  }
0x23: {  	s9 =	sor.u32 $0xD0000000, s2;
	s6 =	simm.s32 $0x108;
	_ =	swait.ge @!p0 [sflag:s8], $0x0  }
0x24: {  	s3 =	sadd.s32 $0x88, s3;
	s6 =	simm.s32 @!p1 $0x1082;
	[sflag:s4] =	ssyncset.s32 $0xFFFFF086  }
0x25: {  	[simem:s6], [sflag:s4] =	dma.local [hbm:s3], $0xF7A  }
0x26: {  	[smem:$0x3F88] =	sst s1;
	(tag) =	ssettag s2;
	_ =	strace s9  }
0x27: {  	s1 =	sld [smem:$0x3F98]  }
0x28: {  	s2 =	sld [smem:$0x3F99]  }
0x29: {  	s4 =	sld [smem:$0x3F9B]  }
0x2a: {  	p0 =	seq.s32 s5, $0x0;
	s5 =	sld [smem:$0x3F9C]  }
0x2b: {  	s6 =	sld [smem:$0x3F9D]  }
0x2c: {  	s7 =	sld [smem:$0x3F9E]  }
0x2d: {  	s3 =	simm.s32 $0x108;
	s8 =	sld [smem:$0x3F9F]  }
0x2e: {  	s3 =	simm.s32 @!p0 $0x1082;
	s9 =	sld [smem:$0x3FA0]  }
0x2f: {  	lr =	sadd.s32 s0, s3;
	s0 =	sld [smem:$0x3F97]  }
0x30: {  	s3 =	sld [smem:$0x3F9A]  }
0x31: {  	[smem:$0x3FA3] =	sst s10  }
0x32: {  	s10 =	sld [smem:$0x3FA1];
	_ =	sdelay $0x3  }
0x33: {  	p0 =	seq.s32 s10, $0x1;
	s10 =	sld [smem:$0x3FA3];
	_ =	sdelay $0x3  }
0x34: {  	[smem:$0x3FA3] =	sst s10  }
0x35: {  	s10 =	sld [smem:$0x3FA2];
	_ =	sdelay $0x3  }
0x36: {  	p1 =	seq.s32 s10, $0x1;
	s10 =	sld [smem:$0x3FA3];
	_ =	sdelay $0x3  }
0x37: {  	[smem:$0x3FA3] =	sst s10  }
0x38: {  	s10 =	sld [smem:$0x3FA4]  }
0x39: {  	_ = 	snop;
	(pc) =	sbr.ind lr, $3  }
0x3a: {  	_ = 	snop  }
0x3b: {  	_ = 	snop  }
0x3c: {  	p2 =	seq.s32 s10, $0x1;
	s10 =	sld [smem:$0x3FA3]  }
0x3d: {  	_ =	shalt  }
0x3e: {  	_ =	shalt  }
0x3f: {  	_ =	shalt  }
0x40: {  	_ =	shalt  }
0x41: {  	_ =	shalt  }
0x42: {  	_ =	shalt  }
0x43: {  	_ =	shalt  }
0x44: {  	_ =	shalt  }
0x45: {  	_ =	shalt  }
0x46: {  	_ =	shalt  }
0x47: {  	_ =	shalt  }
0x48: {  	_ =	shalt  }
0x49: {  	_ =	shalt  }
0x4a: {  	_ =	shalt  }
0x4b: {  	_ =	shalt  }
0x4c: {  	_ =	shalt  }
0x4d: {  	_ =	shalt  }
0x4e: {  	_ =	shalt  }
0x4f: {  	_ =	shalt  }
0x50: {  	_ =	shalt  }
0x51: {  	_ =	shalt  }
0x52: {  	_ =	shalt  }
0x53: {  	_ =	shalt  }
0x54: {  	_ =	shalt  }
0x55: {  	_ =	shalt  }
0x56: {  	_ =	shalt  }
0x57: {  	_ =	shalt  }
0x58: {  	_ =	shalt  }
0x59: {  	_ =	shalt  }
0x5a: {  	_ =	shalt  }
0x5b: {  	_ =	shalt  }
0x5c: {  	_ =	shalt  }
0x5d: {  	_ =	shalt  }
0x5e: {  	_ =	shalt  }
0x5f: {  	_ =	shalt  }
0x60: {  	_ =	shalt  }
0x61: {  	_ =	shalt  }
0x62: {  	_ =	shalt  }
0x63: {  	_ =	shalt  }
0x64: {  	_ =	shalt  }
0x65: {  	_ =	shalt  }
0x66: {  	_ =	shalt  }
0x67: {  	_ =	shalt  }
0x68: {  	_ =	shalt  }
0x69: {  	_ =	shalt  }
0x6a: {  	_ =	shalt  }
0x6b: {  	_ =	shalt  }
0x6c: {  	_ =	shalt  }
0x6d: {  	_ =	shalt  }
0x6e: {  	_ =	shalt  }
0x6f: {  	_ =	shalt  }
0x70: {  	_ =	shalt  }
0x71: {  	_ =	shalt  }
0x72: {  	_ =	shalt  }
0x73: {  	_ =	shalt  }
0x74: {  	_ =	shalt  }
0x75: {  	_ =	shalt  }
0x76: {  	_ =	shalt  }
0x77: {  	_ =	shalt  }
0x78: {  	_ =	shalt  }
0x79: {  	_ =	shalt  }
0x7a: {  	_ =	shalt  }
0x7b: {  	_ =	shalt  }
0x7c: {  	_ =	shalt  }
0x7d: {  	_ =	shalt  }
0x7e: {  	_ =	shalt  }
0x7f: {  	_ =	shalt  }
0x80: {  	_ =	shalt  }
0x81: {  	_ =	shalt  }
0x82: {  	_ =	shalt  }
0x83: {  	_ =	shalt  }
0x84: {  	_ =	shalt  }
0x85: {  	_ =	shalt  }
0x86: {  	_ =	shalt  }
0x87: {  	_ =	shalt  }
.Lfunc_end0:
.L_simem_size_0:
called_computation.1_lowered:
.L_overlay_start_0:
0x88: {  	s2 =	sld [smem:$0x3FD9]  }
0x89: {  	s3 =	sld [smem:$0x3FFE];
	_ =	sdelay $0x1  }
0x8a: {  	s1 =	srdreg.scid  }
0x8b: {  	s0 =	sand.u32 $0x1, s1  }
0x8c: {  	s17 =	sshll.u32 s0, $0xA;
	s2 =	sadd.s32 s3, s2  }
0x8d: {  	s2 =	sadd.s32 s2, s17  }
0x8e: {  	[smem:$0x3FAF] =	sst s2  }
0x8f: {  	_ = 	snop  }
0x90: {  	(tm) =	ssettm $0x1  }
0x91: {  	s18 =	sld [smem:$0x3FFB];
	_ =	sdelay $0x3  }
0x92: {  	_ =	strace s18  }
0x93: {  	s2 =	sld [smem:$0x3FFC];
	_ =	sdelay $0x3  }
0x94: {  	_ =	strace s2  }
0x95: {  	s2 =	sld [smem:$0x3FFD];
	_ =	sdelay $0x3  }
0x96: {  	_ =	strace s2  }
0x97: {  	_ =	strace $0x8FFFFFFF  }
0x98: {  	s19 =	sld [smem:$0x3FDB];
	_ =	sdelay $0x1  }
0x99: {  	s20 =	simm.s32 $_scs_section_size  }
0x9a: {  	s4 =	simm.s32 $_size__tile_overlayer_lowered;
	s5 =	simm.s32 $_tile_overlayer_lowered  }
0x9b: {  	s6 =	simm.s32 $0x1BFF;
	s21 =	sshll.u32 s5, $0x1;
	s3 =	sadd.s32 s20, s19  }
0x9c: {  	s22 =	simm.s32 $0x0;
	s4 =	sshll.u32 s4, $0x1;
	s5 =	sadd.s32 s21, s3  }
0x9d: {  	[timem:s22], [sflag:s6] =	dma.local [hbm:s5], s4  }
0x9e: {  	_ =	swait.ge [sflag:s6], s4  }
0x9f: {  	s4 =	ssub.s32 $0x0, s4;
	[sflag:s6] =	ssyncset.done $0x0  }
0xa0: {  	[sflag:s6] =	ssyncadd.s32 s4;
	_ =	sdelay $0x1  }
0xa1: {  	s23 =	simm.s32 $0x1B8B  }
0xa2: {  	_ =	swait.ge [sflag:s23], $0x1  }
0xa3: {  	[sflag:s23] =	ssyncset.done $0x0  }
0xa4: {  	[sflag:s23] =	ssyncadd.s32 $0xFFFFFFFF  }
0xa5: {  	s4 =	sld [smem:$0x0]  }
0xa6: {  	s5 =	sand.u32 $0xFFFFFFFE, s1  }
0xa7: {  	p0 =	sne.s32 s1, s5  }
0xa8: {  	s5 =	sshll.u32 @p0 s5, $0xE  }
0xa9: {  	s5 =	sadd.s32 @p0 $0x11B8D, s5;
	s6 =	sshll.u32 @p0 s4, $0x11  }
0xaa: {  	s5 =	sor.u32 @p0 s6, s5  }
0xab: {  	[sflag:s5] =	ssyncadd.remote.s32 @p0 $0x1;
	_ =	sdelay $0x1  }
0xac: {  	s5 =	simm.s32 @p0 $0x1B8D  }
0xad: {  	_ =	swait.eq @p0 [sflag:s5], $0x1  }
0xae: {  	[sflag:s5] =	ssyncadd.s32 @p0 $0xFFFFFFFF  }
0xaf: {  	s6 =	sshll.u32 @!p0 s1, $0xE  }
0xb0: {  	s6 =	sor.u32 @!p0 $0x4000, s6;
	s5 =	simm.s32 @!p0 $0x1B8D  }
0xb1: {  	s4 =	sshll.u32 @!p0 s4, $0x11;
	s6 =	sadd.s32 @!p0 $0x11B8D, s6;
	_ =	swait.eq @!p0 [sflag:s5], $0x1  }
0xb2: {  	s4 =	sor.u32 @!p0 s4, s6;
	[sflag:s5] =	ssyncadd.s32 @!p0 $0xFFFFFFFF  }
0xb3: {  	s25 =	simm.s32 $0x1B8E;
	s24 =	sld [smem:$0x3FFE];
	[sflag:s4] =	ssyncadd.remote.s32 @!p0 $0x1  }
0xb4: {  	s26 =	simm.s32 $execute0_lowered;
	[smem:$0x3FD2] =	sst s25  }
0xb5: {  	s5 =	sshll.u32 s26, $0x1;
	_ =	strace $0x80000049;
	[dreg:$0x1] =	wrdreg $0xFFFFFFFF  }
0xb6: {  	s28 =	simm.s32 $_size_execute0_lowered;
	s3 =	sadd.s32 s3, s5;
	[dreg:$0x0] =	wrdreg $0x0  }
0xb7: {  	s5 =	sshll.u32 s28, $0x1;
	[dreg:$0x2] =	wrdreg s3  }
0xb8: {  	[dreg:$0x3] =	wrdreg s5  }
0xb9: {  	[dreg:$0x4] =	wrdreg $0xC0  }
0xba: {  	_ =	task [dreg:s22], $0x5FFFF  }
0xbb: {  	[dreg:$0x1] =	wrdreg $0xFFFFFFFF  }
0xbc: {  	[dreg:$0x0] =	wrdreg $0x60  }
0xbd: {  	[dreg:$0x2] =	wrdreg s24  }
0xbe: {  	[dreg:$0x3] =	wrdreg $0xA  }
0xbf: {  	_ =	task.clear_ibuf [dreg:s22], $0x4FFFF;
	_ =	strace $0x90000049  }
0xc0: {  	s29 =	simm.s32 $0xA;
	_ =	strace $0x8000004B  }
0xc1: {  	_ =	swait.ge [sflag:s29], $0x1  }
0xc2: {  	[sflag:s29] =	ssyncadd.s32 $0xFFFFFFFF  }
0xc3: {  	_ =	strace $0x9000004B  }
0xc4: {  	_ =	sfence  }
0xc5: {  	s30 =	sld [smem:$0x0];
	_ =	sdelay $0x2  }
0xc6: {  	s31 =	sshll.u32 s1, $0xD;
	s1 =	sshrl.u32 s1, $0x2  }
0xc7: {  	s4 =	sand.u32 $0x4000, s31;
	s1 =	sadd.s32 s1, s30  }
0xc8: {  	s0 =	sor.u32 s4, s0;
	s1 =	sshll.u32 s1, $0x11  }
0xc9: {  	s0 =	sor.u32 s1, s0  }
0xca: {  	s0 =	sadd.s32 $0x8F2B, s0  }
0xcb: {  	[sflag:s0] =	ssyncadd.remote.s32 $0x1  }
0xcc: {  	_ =	sfence.sel $0xFFFF  }
0xcd: {  	[dreg:$0x0] =	wrdreg $0xFFFFFFFF;
	(pc) =	sbr.abs _section_cstart, $3  }
0xce: {  	[dreg:$0x1] =	wrdreg $0xFFFFFFFF  }
0xcf: {  	_ =	task.clear_ibuf [dreg:s22], $0x2FFFF;
	_ =	strace $0x9FFFFFFF  }
0xd0: {  	(tm) =	ssettm $0x7FFFFFFF  }
0xd1: {  	_ =	shalt  }
tec
execute0_lowered:
.L_overlay_start_1:
0x0: {  	(tag) =	ssettag $0x1  }
0x1: {  	s8 =	rddreg [dreg:$0x0];
	s2 =	srdreg.scid  }
0x2: {  	s0 =	rddreg [dreg:$0x1];
	s1 =	stileid.u32;
	s14 =	sand.u32 $0x1, s2  }
0x3: {  	s2 =	simm.s32 $0x0;
	s3 =	sshll.u32 s1, $0xC;
	s4 =	sshll.u32 s14, $0xB  }
0x4: {  	s13 =	sadd.s32 $0x474400, s8;
	[smem:$0x7FF] =	sst s2;
	s15 =	sor.u32 s4, s3  }
0x5: {  	_ =	strace $0x8000004A;
	s3 =	simm.s32 $0x2;
	s4 =	sadd.s32 s13, s15  }
0x6: {  	[tilespmem:s2], [sflag:$0x2] =	stream.linear.gather [hbm4b:s4+s2], $0x1000, $0x38;
	[tilespmem:$0x2000] =	vst v63  }
0x7: {  	_ =	swait.ge [sflag:s3], $0x1000  }
0x8: {  	s6 =	simm.s32 $0x1000;
	[sflag:s3] =	ssyncset.done $0x0  }
0x9: {  	s7 =	simm.s32 $0x1;
	s5 =	sadd.s32 $0x2EDA00, s8;
	[sflag:s3] =	ssyncadd.s32 $0xFFFFF000  }
0xa: {  	[tilespmem:s6], [sflag:$0x1] =	stream.indirect.gather [hbm4b:s5+s6], $0x1, s2, s6, $0xb8;
	[tilespmem:$0x2000] =	vst v63  }
0xb: {  	_ =	swait.ge [sflag:s7], $0x1000  }
0xc: {  	s16 =	sadd.s32 $0x484400, s8;
	[sflag:s7] =	ssyncset.done $0x0  }
0xd: {  	s8 =	sadd.s32 s16, s15;
	[sflag:s7] =	ssyncadd.s32 $0xFFFFF000  }
0xe: {  	[hbm4b:s8+s2] =	stream.linear.scatter [tilespmem:s6], [sflag:$0x2], $0x1000, $0x38;
	[tilespmem:$0x2000] =	vst v63  }
0xf: {  	_ =	swait.ge [sflag:s3], $0x1000  }
0x10: {  	s10 =	sor.u32 $0x200, s15;
	[sflag:s3] =	ssyncset.done $0x0  }
0x11: {  	s9 =	sadd.s32 s13, s10;
	[sflag:s3] =	ssyncadd.s32 $0xFFFFF000  }
0x12: {  	[tilespmem:s2], [sflag:$0x2] =	stream.linear.gather [hbm4b:s9+s2], $0x1000, $0x38;
	[tilespmem:$0x2000] =	vst v63  }
0x13: {  	_ =	swait.ge [sflag:s3], $0x1000  }
0x14: {  	[sflag:s3] =	ssyncset.done $0x0  }
0x15: {  	[sflag:s3] =	ssyncadd.s32 $0xFFFFF000  }
0x16: {  	[tilespmem:s6], [sflag:$0x1] =	stream.indirect.gather [hbm4b:s5+s6], $0x1, s2, s6, $0xb8;
	[tilespmem:$0x2000] =	vst v63  }
0x17: {  	_ =	swait.ge [sflag:s7], $0x1000  }
0x18: {  	[sflag:s7] =	ssyncset.done $0x0  }
0x19: {  	s10 =	sadd.s32 s16, s10;
	[sflag:s7] =	ssyncadd.s32 $0xFFFFF000  }
0x1a: {  	[hbm4b:s10+s2] =	stream.linear.scatter [tilespmem:s6], [sflag:$0x2], $0x1000, $0x38;
	[tilespmem:$0x2000] =	vst v63  }
0x1b: {  	_ =	swait.ge [sflag:s3], $0x1000  }
0x1c: {  	s12 =	sor.u32 $0x400, s15;
	[sflag:s3] =	ssyncset.done $0x0  }
0x1d: {  	s11 =	sadd.s32 s13, s12;
	[sflag:s3] =	ssyncadd.s32 $0xFFFFF000  }
0x1e: {  	[tilespmem:s2], [sflag:$0x2] =	stream.linear.gather [hbm4b:s11+s2], $0x1000, $0x38;
	[tilespmem:$0x2000] =	vst v63  }
0x1f: {  	_ =	swait.ge [sflag:s3], $0x1000  }
0x20: {  	[sflag:s3] =	ssyncset.done $0x0  }
0x21: {  	[sflag:s3] =	ssyncadd.s32 $0xFFFFF000  }
0x22: {  	[tilespmem:s6], [sflag:$0x1] =	stream.indirect.gather [hbm4b:s5+s6], $0x1, s2, s6, $0xb8;
	[tilespmem:$0x2000] =	vst v63  }
0x23: {  	_ =	swait.ge [sflag:s7], $0x1000  }
0x24: {  	[sflag:s7] =	ssyncset.done $0x0  }
0x25: {  	s12 =	sadd.s32 s16, s12;
	[sflag:s7] =	ssyncadd.s32 $0xFFFFF000  }
0x26: {  	[hbm4b:s12+s2] =	stream.linear.scatter [tilespmem:s6], [sflag:$0x2], $0x1000, $0x38;
	[tilespmem:$0x2000] =	vst v63  }
0x27: {  	_ =	swait.ge [sflag:s3], $0x1000  }
0x28: {  	s15 =	sor.u32 $0x600, s15;
	[sflag:s3] =	ssyncset.done $0x0  }
0x29: {  	s14 =	ssub.s32 $0x2, s14;
	s13 =	sadd.s32 s13, s15;
	[sflag:s3] =	ssyncadd.s32 $0xFFFFF000  }
0x2a: {  	[tilespmem:s2], [sflag:$0x2] =	stream.linear.gather [hbm4b:s13+s2], $0x1000, $0x38;
	[tilespmem:$0x2000] =	vst v63  }
0x2b: {  	s17 =	sshrl.u32 s14, $0x1;
	_ =	swait.ge [sflag:s3], $0x1000  }
0x2c: {  	s17 =	ssub.s32 s14, s17;
	[sflag:s3] =	ssyncset.done $0x0  }
0x2d: {  	s31 =	smax.u32 s17, $0x1;
	[sflag:s3] =	ssyncadd.s32 $0xFFFFF000  }
0x2e: {  	[tilespmem:s6], [sflag:$0x1] =	stream.indirect.gather [hbm4b:s5+s6], $0x1, s2, s6, $0xb8;
	[tilespmem:$0x2000] =	vst v63  }
0x2f: {  	p0 =	sne.s32 s31, $0x1;
	_ =	swait.ge [sflag:s7], $0x1000  }
.Ltmp0:
0x30: {  	[sflag:s7] =	ssyncset.done $0x0;
	(pc) =	sbr.rel @!p0 .LBB2_2-.Ltmp0, $4  }
0x31: {  	s14 =	sadd.s32 s16, s15;
	[sflag:s7] =	ssyncadd.s32 $0xFFFFF000  }
0x32: {  	[hbm4b:s14+s2] =	stream.linear.scatter [tilespmem:s6], [sflag:$0x2], $0x1000, $0x38;
	[tilespmem:$0x2000] =	vst v63  }
0x33: {  	_ =	swait.ge [sflag:s3], $0x1000  }
0x34: {  	s15 =	sadd.s32 $0xFFFFFFFF, s31;
	[sflag:s3] =	ssyncset.done $0x0  }
.LBB2_1:
0x35: {  	p0 =	sne.s32 s15, $0x1;
	s15 =	sadd.s32 $0xFFFFFFFF, s15;
	[sflag:s3] =	ssyncadd.s32 $0xFFFFF000  }
0x36: {  	[tilespmem:s2], [sflag:$0x2] =	stream.linear.gather [hbm4b:s4+s2], $0x1000, $0x38;
	[tilespmem:$0x2000] =	vst v63  }
0x37: {  	_ =	swait.ge [sflag:s3], $0x1000  }
0x38: {  	[sflag:s3] =	ssyncset.done $0x0  }
0x39: {  	[sflag:s3] =	ssyncadd.s32 $0xFFFFF000  }
0x3a: {  	[tilespmem:s6], [sflag:$0x1] =	stream.indirect.gather [hbm4b:s5+s6], $0x1, s2, s6, $0xb8;
	[tilespmem:$0x2000] =	vst v63  }
0x3b: {  	_ =	swait.ge [sflag:s7], $0x1000  }
0x3c: {  	[sflag:s7] =	ssyncset.done $0x0  }
0x3d: {  	[sflag:s7] =	ssyncadd.s32 $0xFFFFF000  }
0x3e: {  	[hbm4b:s8+s2] =	stream.linear.scatter [tilespmem:s6], [sflag:$0x2], $0x1000, $0x38;
	[tilespmem:$0x2000] =	vst v63  }
0x3f: {  	_ =	swait.ge [sflag:s3], $0x1000  }
0x40: {  	[sflag:s3] =	ssyncset.done $0x0  }
0x41: {  	[sflag:s3] =	ssyncadd.s32 $0xFFFFF000  }
0x42: {  	[tilespmem:s2], [sflag:$0x2] =	stream.linear.gather [hbm4b:s9+s2], $0x1000, $0x38;
	[tilespmem:$0x2000] =	vst v63  }
0x43: {  	_ =	swait.ge [sflag:s3], $0x1000  }
0x44: {  	[sflag:s3] =	ssyncset.done $0x0  }
0x45: {  	[sflag:s3] =	ssyncadd.s32 $0xFFFFF000  }
0x46: {  	[tilespmem:s6], [sflag:$0x1] =	stream.indirect.gather [hbm4b:s5+s6], $0x1, s2, s6, $0xb8;
	[tilespmem:$0x2000] =	vst v63  }
0x47: {  	_ =	swait.ge [sflag:s7], $0x1000  }
0x48: {  	[sflag:s7] =	ssyncset.done $0x0  }
0x49: {  	[sflag:s7] =	ssyncadd.s32 $0xFFFFF000  }
0x4a: {  	[hbm4b:s10+s2] =	stream.linear.scatter [tilespmem:s6], [sflag:$0x2], $0x1000, $0x38;
	[tilespmem:$0x2000] =	vst v63  }
0x4b: {  	_ =	swait.ge [sflag:s3], $0x1000  }
0x4c: {  	[sflag:s3] =	ssyncset.done $0x0  }
0x4d: {  	[sflag:s3] =	ssyncadd.s32 $0xFFFFF000  }
0x4e: {  	[tilespmem:s2], [sflag:$0x2] =	stream.linear.gather [hbm4b:s11+s2], $0x1000, $0x38;
	[tilespmem:$0x2000] =	vst v63  }
0x4f: {  	_ =	swait.ge [sflag:s3], $0x1000  }
0x50: {  	[sflag:s3] =	ssyncset.done $0x0  }
0x51: {  	[sflag:s3] =	ssyncadd.s32 $0xFFFFF000  }
0x52: {  	[tilespmem:s6], [sflag:$0x1] =	stream.indirect.gather [hbm4b:s5+s6], $0x1, s2, s6, $0xb8;
	[tilespmem:$0x2000] =	vst v63  }
0x53: {  	_ =	swait.ge [sflag:s7], $0x1000  }
0x54: {  	[sflag:s7] =	ssyncset.done $0x0  }
0x55: {  	[sflag:s7] =	ssyncadd.s32 $0xFFFFF000  }
0x56: {  	[hbm4b:s12+s2] =	stream.linear.scatter [tilespmem:s6], [sflag:$0x2], $0x1000, $0x38;
	[tilespmem:$0x2000] =	vst v63  }
0x57: {  	_ =	swait.ge [sflag:s3], $0x1000  }
0x58: {  	[sflag:s3] =	ssyncset.done $0x0  }
0x59: {  	[sflag:s3] =	ssyncadd.s32 $0xFFFFF000  }
0x5a: {  	[tilespmem:s2], [sflag:$0x2] =	stream.linear.gather [hbm4b:s13+s2], $0x1000, $0x38;
	[tilespmem:$0x2000] =	vst v63  }
0x5b: {  	_ =	swait.ge [sflag:s3], $0x1000  }
0x5c: {  	[sflag:s3] =	ssyncset.done $0x0  }
0x5d: {  	[sflag:s3] =	ssyncadd.s32 $0xFFFFF000  }
0x5e: {  	[tilespmem:s6], [sflag:$0x1] =	stream.indirect.gather [hbm4b:s5+s6], $0x1, s2, s6, $0xb8;
	[tilespmem:$0x2000] =	vst v63  }
0x5f: {  	_ =	swait.ge [sflag:s7], $0x1000  }
.Ltmp1:
0x60: {  	[sflag:s7] =	ssyncset.done $0x0;
	(pc) =	sbr.rel @p0 .LBB2_1-.Ltmp1, $4  }
0x61: {  	[sflag:s7] =	ssyncadd.s32 $0xFFFFF000  }
0x62: {  	[hbm4b:s14+s2] =	stream.linear.scatter [tilespmem:s6], [sflag:$0x2], $0x1000, $0x38;
	[tilespmem:$0x2000] =	vst v63  }
0x63: {  	_ =	swait.ge [sflag:s3], $0x1000  }
0x64: {  	[sflag:s3] =	ssyncset.done $0x0  }
.LBB2_2:
0x65: {  	[sflag:s3] =	ssyncadd.s32 $0xFFFFF000  }
0x66: {  	_ =	sfence.sel $0x180000  }
0x67: {  	[bflag:$0x0] =	sbarrier.arrive $0xFFFF  }
0x68: {  	p0 =	sne.s32 s1, $0x0;
	_ =	strace $0x9000004A  }
0x69: {  	s0 =	sadd.s32 @!p0 $0x100000, s0;
	[bflag:$0x2] =	sbarrier.arrive $0xFFFF  }
0x6a: {  	[sflag:s0] =	ssyncadd.tile.s32 @!p0 $0x1;
	_ =	shalt  }
.Lfunc_end2:
_tile_overlayer_lowered:
.L_overlay_start_2:
0x6b: {  	(tag) =	ssettag $0x2  }
0x6c: {  	s0 =	rddreg [dreg:$0x0];
	s2 =	stileid.u32  }
0x6d: {  	s1 =	rddreg [dreg:$0x1];
	p0 =	sne.s32 s2, $0x0  }
0x6e: {  	s3 =	rddreg [dreg:$0x2];
	[bflag:$0x3] =	sbarrier.arrive $0xFFFF;
	s2 =	simm.s32 @!p0 $0x1C02  }
0x6f: {  	[timem:s3], [sflag:s2] =	dma.local @!p0 [hbm:s0], s1  }
0x70: {  	s0 =	simm.s32 @!p0 $0x2  }
0x71: {  	_ =	swait.ge @!p0 [sflag:s0], s1  }
0x72: {  	s1 =	ssub.s32 @!p0 $0x0, s1;
	[sflag:s0] =	ssyncset.done @!p0 $0x0  }
0x73: {  	[sflag:s0] =	ssyncadd.s32 @!p0 s1  }
0x74: {  	[bflag:$0x3] =	sbarrier.arrive $0xFFFF  }
0x75: {  	_ =	shalt  }

</sc_bundles>
